<compile_context>
chip_gen: v7x
topology: tpu7x:2x2x1
jax: 0.10.2.dev20260603
libtpu: 0.0.44.dev20260713+nightly
codegen_flags: <defaults>
</compile_context>

<pallas_src>
import functools

import jax
import jax.numpy as jnp
from jax import lax
from jax.experimental import pallas as pl
from jax.experimental.pallas import tpu as pltpu
from jax.experimental.pallas import tpu_sc as plsc

_T = 0.015
_K = 50
_FT = (745, 317, 444, 556, 673)
_NFT = 5
_H = 778
_HP = 896
_NC16 = _HP // 16
_NC16R = (_H + 15) // 16
_V = 20000
_VP = 20480
_CH = 10240
_NCH = _VP // _CH
_SUB = 1024
_B = 8
_BIGF = 1.0e9
_BIGF2 = 2.0e9
_BIGI = 2 ** 30


def _dist_body(hT_ref, oT_ref, h2_ref, o2T_ref, mind_ref, acc_ref):
    b = pl.program_id(0)
    j = pl.program_id(1)

    @pl.when(j == 0)
    def _init():
        acc_ref[...] = jnp.full((1, _HP), _BIGF, jnp.float32)

    hT = hT_ref[0]
    oT = oT_ref[0]
    h2 = h2_ref[0]
    lane8 = lax.broadcasted_iota(jnp.int32, (_CH, _B), 1)
    o2 = jnp.sum(jnp.where(lane8 == b, o2T_ref[...], 0.0),
                 axis=1, keepdims=True)

    ms = []
    for s in range(_CH // _SUB):
        gs = lax.dot_general(
            oT[:, s * _SUB:(s + 1) * _SUB], hT, (((0,), (0,)), ((), ())),
            preferred_element_type=jnp.float32)
        o2s = o2[s * _SUB:(s + 1) * _SUB]
        ms.append(jnp.min((h2 + o2s) - gs, axis=0, keepdims=True))
    while len(ms) > 1:
        nxt = [jnp.minimum(ms[2 * i], ms[2 * i + 1])
               for i in range(len(ms) // 2)]
        if len(ms) % 2:
            nxt.append(ms[-1])
        ms = nxt
    acc_ref[...] = jnp.minimum(acc_ref[...], ms[0])

    @pl.when(j == _NCH - 1)
    def _finish_batch():
        mind_ref[pl.ds(b, 1), :] = jnp.sqrt(
            jnp.maximum(2.0 * acc_ref[...], 0.0))


def _min_dists_tc(hT, oT, h2, o2T):
    return pl.pallas_call(
        _dist_body,
        grid=(_B, _NCH),
        in_specs=[
            pl.BlockSpec((1, 3, _HP), lambda b, j: (b, 0, 0)),
            pl.BlockSpec((1, 3, _CH), lambda b, j: (b, 0, j)),
            pl.BlockSpec((1, 1, _HP), lambda b, j: (b, 0, 0)),
            pl.BlockSpec((_CH, _B), lambda b, j: (j, 0)),
        ],
        out_specs=pl.BlockSpec((_B, _HP), lambda b, j: (0, 0)),
        out_shape=jax.ShapeDtypeStruct((_B, _HP), jnp.float32),
        scratch_shapes=[pltpu.VMEM((1, _HP), jnp.float32)],
    )(hT, oT, h2, o2T)


def _iota16():
    return lax.iota(jnp.int32, 16)


def _vgather(x, idx):
    dnums = lax.GatherDimensionNumbers(
        offset_dims=(), collapsed_slice_dims=(0,), start_index_map=(0,))
    return lax.gather(x, idx[:, None], dnums, (1,),
                      mode=lax.GatherScatterMode.PROMISE_IN_BOUNDS)


def _rot(x, sh):
    return _vgather(x, jnp.remainder(_iota16() + sh, 16))


def _allmin(x):
    for sh in (8, 4, 2, 1):
        x = jnp.minimum(x, _rot(x, sh))
    return x


def _allsum(x):
    for sh in (8, 4, 2, 1):
        x = x + _rot(x, sh)
    return x


def _splat(i):
    return jnp.zeros((16,), jnp.int32) + i


def _ext_i(ref, p, nchunks=4):
    acc = jnp.full((16,), _BIGI, jnp.int32)
    for c in range(nchunks):
        v = ref[pl.ds(c * 16, 16)]
        acc = jnp.minimum(acc, jnp.where(_iota16() + c * 16 == p, v, _BIGI))
    return _allmin(acc)


def _sc_select_body(mind_hbm, out_hbm, orig, arr, vv, uniq, vd, sel, outv,
                    idxs, dus):
    nc = plsc.get_sparse_core_info().num_cores
    wid = lax.axis_index("s") * nc + lax.axis_index("c")

    @pl.when(wid < _B)
    def _work():
        pltpu.sync_copy(mind_hbm.at[pl.ds(wid * _HP, _HP)], orig)

        for c in range(4):
            base = c * 16
            av = jnp.full((16,), _BIGI, jnp.int32)
            for k, f in enumerate(_FT):
                av = jnp.where(_iota16() == (_K + k) - base, f, av)
            arr[pl.ds(base, 16)] = av

        def body1(i, carry):
            lastv, lasti = carry

            def mbody(c, mc):
                m, bi = mc
                v0 = orig[pl.ds(c * 16, 16)]
                v = jnp.where(v0 < _T, v0, _BIGF)
                pos = _iota16() + c * 16
                gt = (v > lastv) | ((v == lastv) & (pos > lasti))
                cand = jnp.where(gt, v, 3.0e9)
                upd = cand < m
                return (jnp.where(upd, cand, m), jnp.where(upd, pos, bi))

            m, bi = lax.fori_loop(
                0, _NC16R, mbody,
                (jnp.full((16,), 3.0e9, jnp.float32),
                 jnp.full((16,), _BIGI, jnp.int32)))
            m0 = _allmin(m)
            j0 = _allmin(jnp.where(m == m0, bi, _BIGI))

            iv = _splat(i)
            for c in range(4):
                a = arr[pl.ds(c * 16, 16)]
                arr[pl.ds(c * 16, 16)] = jnp.where(
                    _iota16() + c * 16 == iv, j0, a)
            return (m0, j0)

        lax.fori_loop(0, _K, body1,
                      (jnp.full((16,), -1.0, jnp.float32),
                       jnp.full((16,), -1, jnp.int32)))

        posv = [_iota16() + c * 16 for c in range(4)]
        ndup = jnp.zeros((16,), jnp.int32)
        for c in range(4):
            vv[pl.ds(c * 16, 16)] = arr[pl.ds(c * 16, 16)]
        for k, f in enumerate(_FT):
            cnt = jnp.zeros((16,), jnp.int32)
            for c in range(4):
                av = arr[pl.ds(c * 16, 16)]
                cnt = cnt + jnp.where((av == f) & (posv[c] < _K), 1, 0)
            isdup = _allsum(cnt) > 0
            ndup = ndup + jnp.where(isdup, 1, 0)
            v3 = vv[pl.ds(48, 16)]
            vv[pl.ds(48, 16)] = jnp.where(
                (_iota16() == (_K + k) - 48) & isdup, _BIGI, v3)
        n_u = (_K + _NFT) - ndup

        for c in range(4):
            uniq[pl.ds(c * 16, 16)] = jnp.full((16,), -1, jnp.int32)

        def body2(p, _):
            vp = _ext_i(vv, _splat(p))
            rank = jnp.zeros((16,), jnp.int32)
            for c in range(4):
                cv = vv[pl.ds(c * 16, 16)]
                rank = rank + jnp.where(cv < vp, 1, 0)
            rank = _allsum(rank)
            for c in range(4):
                u = uniq[pl.ds(c * 16, 16)]
                uniq[pl.ds(c * 16, 16)] = jnp.where(
                    (posv[c] == rank) & (vp < _BIGI), vp, u)
            return 0
        lax.fori_loop(0, _K + _NFT, body2, 0)

        for c in range(4):
            uc = uniq[pl.ds(c * 16, 16)]
            idxs[pl.ds(c * 16, 16)] = jnp.maximum(uc, 0) + wid * _HP
        pltpu.sync_copy(mind_hbm.at[idxs], dus)
        for c in range(4):
            uc = uniq[pl.ds(c * 16, 16)]
            ok = (posv[c] < n_u) & (uc >= 0)
            vd[pl.ds(c * 16, 16)] = jnp.where(ok, dus[pl.ds(c * 16, 16)],
                                              _BIGF)

        def body4(i, carry):
            lastv, lasti = carry
            m = jnp.full((16,), 3.0e9, jnp.float32)
            bi = jnp.full((16,), _BIGI, jnp.int32)
            for c in range(4):
                v = vd[pl.ds(c * 16, 16)]
                gt = (v > lastv) | ((v == lastv) & (posv[c] > lasti))
                cand = jnp.where(gt, v, 3.0e9)
                upd = cand < m
                m = jnp.where(upd, cand, m)
                bi = jnp.where(upd, posv[c], bi)
            m0 = _allmin(m)
            pj = _allmin(jnp.where(m == m0, bi, _BIGI))

            uj = _ext_i(uniq, pj)
            iv = _splat(i)
            for c in range(4):
                s = sel[pl.ds(c * 16, 16)]
                sel[pl.ds(c * 16, 16)] = jnp.where(posv[c] == iv, uj, s)
            return (m0, pj)

        lax.fori_loop(0, _K, body4,
                      (jnp.full((16,), -1.0, jnp.float32),
                       jnp.full((16,), -1, jnp.int32)))

        trunc = n_u > _K
        for c in range(8):
            outv[pl.ds(c * 16, 16)] = jnp.full((16,), -1, jnp.int32)
        for c in range(4):
            outv[pl.ds(c * 16, 16)] = jnp.where(
                trunc, sel[pl.ds(c * 16, 16)], uniq[pl.ds(c * 16, 16)])
        pltpu.sync_copy(outv, out_hbm.at[wid])


def _select_sc(mind):
    mesh = plsc.VectorSubcoreMesh(core_axis_name="c", subcore_axis_name="s")
    f = functools.partial(
        pl.kernel, mesh=mesh,
        out_type=jax.ShapeDtypeStruct((_B, 128), jnp.int32),
        scratch_types=[
            pltpu.VMEM((_HP,), jnp.float32),
            pltpu.VMEM((128,), jnp.int32),
            pltpu.VMEM((128,), jnp.int32),
            pltpu.VMEM((128,), jnp.int32),
            pltpu.VMEM((128,), jnp.float32),
            pltpu.VMEM((128,), jnp.int32),
            pltpu.VMEM((128,), jnp.int32),
            pltpu.VMEM((64,), jnp.int32),
            pltpu.VMEM((64,), jnp.float32),
        ],
    )(_sc_select_body)
    return f(mind.reshape(_B * _HP))


def kernel(hand_verts, obj_verts, iteration):
    del iteration
    hT = jnp.pad(jnp.transpose(hand_verts, (0, 2, 1)),
                 ((0, 0), (0, 0), (0, _HP - _H)),
                 constant_values=-1000.0)
    oT = jnp.pad(jnp.transpose(obj_verts, (0, 2, 1)),
                 ((0, 0), (0, 0), (0, _VP - _V)),
                 constant_values=1000.0)
    h2 = (0.5 * jnp.pad(jnp.sum(hand_verts * hand_verts, axis=-1),
                        ((0, 0), (0, _HP - _H)),
                        constant_values=_BIGF)).reshape(_B, 1, _HP)
    o2T = jnp.transpose(0.5 * jnp.sum(oT * oT, axis=1), (1, 0))

    mind = _min_dists_tc(hT, oT, h2, o2T)
    out = _select_sc(mind)
    return tuple(out[b, :_K] for b in range(_B))

# --- scband reference (transcript-rebuilt; emitter-appended) ---
"""Pipeline reference for scband-adaptive-contact-zones-11218454577887 (READ-ONLY COPY).

The authoritative reference and input builder live on the scoring server;
editing this copy changes nothing except your own understanding.
"""

import jax, jax.numpy as jnp
import numpy as np

PROXIMITY_THRESHOLD = 0.015
MIN_CONTACT_VERTS = 5
MAX_CONTACT_VERTS = 50
FINGERTIP_INDICES = jnp.array([745, 317, 444, 556, 673], dtype=jnp.int64)


def setup_inputs(seed: int = 0) -> dict:
    key = jax.random.key(seed)
    k1, k2 = jax.random.split(key)
    hand_verts = jax.random.uniform(k1, (8, 778, 3), dtype=jnp.float32)
    obj_verts = jax.random.uniform(k2, (8, 20000, 3), dtype=jnp.float32)
    return {"hand_verts": hand_verts, "obj_verts": obj_verts, "iteration": 100}


def _min_dists(h, o):
    # squared-distance expansion: |h|^2 + |o|^2 - 2 h.o^T  (778 x V), then 1-NN min-reduce
    h2 = jnp.sum(h * h, axis=-1)[:, None]
    o2 = jnp.sum(o * o, axis=-1)[None, :]
    d2 = h2 + o2 - 2.0 * (h @ o.T)
    return jnp.sqrt(jnp.clip(jnp.min(d2, axis=1), 0.0, None))


def _detect_contact_vertices(h, o):
    min_dists = _min_dists(h, o)
    close_mask = min_dists < PROXIMITY_THRESHOLD
    masked_dists = jnp.where(close_mask, min_dists, jnp.inf)
    _, local_topk = jax.lax.top_k(-masked_dists, MAX_CONTACT_VERTS)
    contact_indices = local_topk.astype(jnp.int64)
    # hybrid mode: always include fingertips, then dedupe
    combined = jnp.concatenate([contact_indices, FINGERTIP_INDICES])
    pad_size = MAX_CONTACT_VERTS + int(FINGERTIP_INDICES.shape[0])
    uniq = jnp.unique(combined, size=pad_size, fill_value=-1)
    sorted_combined = jnp.sort(combined)
    n_unique = 1 + jnp.sum(sorted_combined[1:] != sorted_combined[:-1])
    is_pad = jnp.arange(pad_size) >= n_unique
    vert_dists = jnp.where(is_pad, jnp.inf, min_dists[uniq])
    sort_idx = jnp.argsort(vert_dists)
    truncated = uniq[sort_idx[:MAX_CONTACT_VERTS]]
    kept = uniq[:MAX_CONTACT_VERTS]
    return jnp.where(n_unique > MAX_CONTACT_VERTS, truncated, kept)


def reference(hand_verts, obj_verts, iteration):
    # iteration controls cache refresh in the torch module; cache starts empty so
    # every batch element is computed on this call.
    batch_size = hand_verts.shape[0]
    contact_zones = []
    for b in range(batch_size):
        contact_zones.append(_detect_contact_vertices(hand_verts[b], obj_verts[b]))
    return tuple(contact_zones)

if __name__ == "__main__":
    import jax
    _d = setup_inputs()
    print(jax.jit(kernel)(*tuple(_d.values())))

</pallas_src>

<mosaic_0001>
#map = affine_map<(d0, d1) -> (0)>
#map1 = affine_map<(d0, d1) -> (0, 0)>
module attributes {stable_mosaic.version = 14 : i64} {
  func.func @_sc_select_body(%arg0: i32, %arg1: i32, %arg2: memref<7168xf32, #tpu.memory_space<hbm>>, %arg3: memref<8x128xi32, #tpu.memory_space<hbm>>, %arg4: memref<896xf32, #tpu.memory_space<vmem>>, %arg5: memref<128xi32, #tpu.memory_space<vmem>>, %arg6: memref<128xi32, #tpu.memory_space<vmem>>, %arg7: memref<128xi32, #tpu.memory_space<vmem>>, %arg8: memref<128xf32, #tpu.memory_space<vmem>>, %arg9: memref<128xi32, #tpu.memory_space<vmem>>, %arg10: memref<128xi32, #tpu.memory_space<vmem>>, %arg11: memref<64xi32, #tpu.memory_space<vmem>>, %arg12: memref<64xf32, #tpu.memory_space<vmem>>) attributes {dimension_semantics = [#tpu.dimension_semantics<core_parallel>, #tpu.dimension_semantics<subcore_parallel>], iteration_bounds = array<i64: 2, 16>, scalar_prefetch = 0 : i64, scratch_operands = 9 : i64, tpu.core_type = #tpu.core_type<sc_vector_subcore>, window_params = [{transform_indices = #map}, {transform_indices = #map1}]} {
    %mul3A = arith.constant 2 : i32
    %mul3A_0 = arith.muli %arg1, %mul3A : i32
    %add3A = arith.addi %mul3A_0, %arg0 : i32
    %lt3A = arith.constant 8 : i32
    %lt3A_1 = arith.cmpi slt, %add3A, %lt3A : i32
    %convert_element_type3A = arith.extui %lt3A_1 : i1 to i32
    %cond3A = arith.constant 0 : i32
    %cond3A_2 = arith.cmpi ne, %convert_element_type3A, %cond3A : i32
    scf.if %cond3A_2 {
      %mul3A_3 = arith.constant 896 : i32
      %mul3A_4 = arith.muli %add3A, %mul3A_3 : i32
      "tpu.region"() ({
        %run_scoped3A = tpu.sem_alloc : memref<!tpu.dma_semaphore, #tpu.memory_space<semaphore_mem>>
        %dma_start3A = tpu.memref_slice %arg2[%mul3A_4] : memref<7168xf32, #tpu.memory_space<hbm>> -> memref<896xf32, #tpu.memory_space<hbm>>
        %dma_start3A_1526 = tpu.memref_slice %arg2[%mul3A_4] : memref<7168xf32, #tpu.memory_space<hbm>> -> memref<896xf32, #tpu.memory_space<hbm>>
        tpu.enqueue_dma source(%dma_start3A_1526 : memref<896xf32, #tpu.memory_space<hbm>>) target(%arg4 : memref<896xf32, #tpu.memory_space<vmem>>) target_semaphore(%run_scoped3A : memref<!tpu.dma_semaphore, #tpu.memory_space<semaphore_mem>>)
        %dma_wait3A = tpu.memref_slice %arg2[%mul3A_4] : memref<7168xf32, #tpu.memory_space<hbm>> -> memref<896xf32, #tpu.memory_space<hbm>>
        %dma_wait3A_1527 = tpu.memref_slice %arg2[%mul3A_4] : memref<7168xf32, #tpu.memory_space<hbm>> -> memref<896xf32, #tpu.memory_space<hbm>>
        tpu.wait_dma2 semaphore(%run_scoped3A : memref<!tpu.dma_semaphore, #tpu.memory_space<semaphore_mem>>) src(%dma_wait3A_1527 : memref<896xf32, #tpu.memory_space<hbm>>) dst(%arg4 : memref<896xf32, #tpu.memory_space<vmem>>)
        tpu.yield
      }) : () -> ()
      %broadcast_in_dim3A = arith.constant 1073741824 : i32
      %broadcast_in_dim3A_5 = vector.broadcast %broadcast_in_dim3A : i32 to vector<16xi32>
      %iota3A = tpu.iota {dimensions = array<i32: 0>} : vector<16xi32>
      %eq3A = arith.constant 50 : i32
      %eq3A_6 = vector.broadcast %eq3A : i32 to vector<16xi32>
      %eq3A_7 = arith.cmpi eq, %iota3A, %eq3A_6 : vector<16xi32>
      %jit3A = arith.constant 745 : i32
      %broadcast_in_dim3A_8 = vector.broadcast %jit3A : i32 to vector<16xi32>
      %select_n3A = arith.select %eq3A_7, %broadcast_in_dim3A_8, %broadcast_in_dim3A_5 : vector<16xi1>, vector<16xi32>
      %iota3A_9 = tpu.iota {dimensions = array<i32: 0>} : vector<16xi32>
      %eq3A_10 = arith.constant 51 : i32
      %eq3A_11 = vector.broadcast %eq3A_10 : i32 to vector<16xi32>
      %eq3A_12 = arith.cmpi eq, %iota3A_9, %eq3A_11 : vector<16xi32>
      %jit3A_13 = arith.constant 317 : i32
      %broadcast_in_dim3A_14 = vector.broadcast %jit3A_13 : i32 to vector<16xi32>
      %select_n3A_15 = arith.select %eq3A_12, %broadcast_in_dim3A_14, %select_n3A : vector<16xi1>, vector<16xi32>
      %iota3A_16 = tpu.iota {dimensions = array<i32: 0>} : vector<16xi32>
      %eq3A_17 = arith.constant 52 : i32
      %eq3A_18 = vector.broadcast %eq3A_17 : i32 to vector<16xi32>
      %eq3A_19 = arith.cmpi eq, %iota3A_16, %eq3A_18 : vector<16xi32>
      %jit3A_20 = arith.constant 444 : i32
      %broadcast_in_dim3A_21 = vector.broadcast %jit3A_20 : i32 to vector<16xi32>
      %select_n3A_22 = arith.select %eq3A_19, %broadcast_in_dim3A_21, %select_n3A_15 : vector<16xi1>, vector<16xi32>
      %iota3A_23 = tpu.iota {dimensions = array<i32: 0>} : vector<16xi32>
      %eq3A_24 = arith.constant 53 : i32
      %eq3A_25 = vector.broadcast %eq3A_24 : i32 to vector<16xi32>
      %eq3A_26 = arith.cmpi eq, %iota3A_23, %eq3A_25 : vector<16xi32>
      %jit3A_27 = arith.constant 556 : i32
      %broadcast_in_dim3A_28 = vector.broadcast %jit3A_27 : i32 to vector<16xi32>
      %select_n3A_29 = arith.select %eq3A_26, %broadcast_in_dim3A_28, %select_n3A_22 : vector<16xi1>, vector<16xi32>
      %iota3A_30 = tpu.iota {dimensions = array<i32: 0>} : vector<16xi32>
      %eq3A_31 = arith.constant 54 : i32
      %eq3A_32 = vector.broadcast %eq3A_31 : i32 to vector<16xi32>
      %eq3A_33 = arith.cmpi eq, %iota3A_30, %eq3A_32 : vector<16xi32>
      %jit3A_34 = arith.constant 673 : i32
      %broadcast_in_dim3A_35 = vector.broadcast %jit3A_34 : i32 to vector<16xi32>
      %select_n3A_36 = arith.select %eq3A_33, %broadcast_in_dim3A_35, %select_n3A_29 : vector<16xi1>, vector<16xi32>
      %swap3A = arith.constant 0 : index
      %swap3A_37 = tpu.vector_load %arg5[%swap3A] {strides = array<i32>} : memref<128xi32, #tpu.memory_space<vmem>>, vector<16xi32>,
      %swap3A_38 = vector.shape_cast %swap3A_37 : vector<16xi32> to vector<16xi32>
      %swap3A_39 = vector.shape_cast %select_n3A_36 : vector<16xi32> to vector<16xi32>
      tpu.vector_store %arg5[%swap3A], %swap3A_39 {strides = array<i32>} : memref<128xi32, #tpu.memory_space<vmem>>, vector<16xi32>,
      %broadcast_in_dim3A_40 = arith.constant 1073741824 : i32
      %broadcast_in_dim3A_41 = vector.broadcast %broadcast_in_dim3A_40 : i32 to vector<16xi32>
      %iota3A_42 = tpu.iota {dimensions = array<i32: 0>} : vector<16xi32>
      %eq3A_43 = arith.constant 34 : i32
      %eq3A_44 = vector.broadcast %eq3A_43 : i32 to vector<16xi32>
      %eq3A_45 = arith.cmpi eq, %iota3A_42, %eq3A_44 : vector<16xi32>
      %jit3A_46 = arith.constant 745 : i32
      %broadcast_in_dim3A_47 = vector.broadcast %jit3A_46 : i32 to vector<16xi32>
      %select_n3A_48 = arith.select %eq3A_45, %broadcast_in_dim3A_47, %broadcast_in_dim3A_41 : vector<16xi1>, vector<16xi32>
      %iota3A_49 = tpu.iota {dimensions = array<i32: 0>} : vector<16xi32>
      %eq3A_50 = arith.constant 35 : i32
      %eq3A_51 = vector.broadcast %eq3A_50 : i32 to vector<16xi32>
      %eq3A_52 = arith.cmpi eq, %iota3A_49, %eq3A_51 : vector<16xi32>
      %jit3A_53 = arith.constant 317 : i32
      %broadcast_in_dim3A_54 = vector.broadcast %jit3A_53 : i32 to vector<16xi32>
      %select_n3A_55 = arith.select %eq3A_52, %broadcast_in_dim3A_54, %select_n3A_48 : vector<16xi1>, vector<16xi32>
      %iota3A_56 = tpu.iota {dimensions = array<i32: 0>} : vector<16xi32>
      %eq3A_57 = arith.constant 36 : i32
      %eq3A_58 = vector.broadcast %eq3A_57 : i32 to vector<16xi32>
      %eq3A_59 = arith.cmpi eq, %iota3A_56, %eq3A_58 : vector<16xi32>
      %jit3A_60 = arith.constant 444 : i32
      %broadcast_in_dim3A_61 = vector.broadcast %jit3A_60 : i32 to vector<16xi32>
      %select_n3A_62 = arith.select %eq3A_59, %broadcast_in_dim3A_61, %select_n3A_55 : vector<16xi1>, vector<16xi32>
      %iota3A_63 = tpu.iota {dimensions = array<i32: 0>} : vector<16xi32>
      %eq3A_64 = arith.constant 37 : i32
      %eq3A_65 = vector.broadcast %eq3A_64 : i32 to vector<16xi32>
      %eq3A_66 = arith.cmpi eq, %iota3A_63, %eq3A_65 : vector<16xi32>
      %jit3A_67 = arith.constant 556 : i32
      %broadcast_in_dim3A_68 = vector.broadcast %jit3A_67 : i32 to vector<16xi32>
      %select_n3A_69 = arith.select %eq3A_66, %broadcast_in_dim3A_68, %select_n3A_62 : vector<16xi1>, vector<16xi32>
      %iota3A_70 = tpu.iota {dimensions = array<i32: 0>} : vector<16xi32>
      %eq3A_71 = arith.constant 38 : i32
      %eq3A_72 = vector.broadcast %eq3A_71 : i32 to vector<16xi32>
      %eq3A_73 = arith.cmpi eq, %iota3A_70, %eq3A_72 : vector<16xi32>
      %jit3A_74 = arith.constant 673 : i32
      %broadcast_in_dim3A_75 = vector.broadcast %jit3A_74 : i32 to vector<16xi32>
      %select_n3A_76 = arith.select %eq3A_73, %broadcast_in_dim3A_75, %select_n3A_69 : vector<16xi1>, vector<16xi32>
      %swap3A_77 = arith.constant 16 : index
      %swap3A_78 = tpu.vector_load %arg5[%swap3A_77] {strides = array<i32>} : memref<128xi32, #tpu.memory_space<vmem>>, vector<16xi32>,
      %swap3A_79 = vector.shape_cast %swap3A_78 : vector<16xi32> to vector<16xi32>
      %swap3A_80 = vector.shape_cast %select_n3A_76 : vector<16xi32> to vector<16xi32>
      tpu.vector_store %arg5[%swap3A_77], %swap3A_80 {strides = array<i32>} : memref<128xi32, #tpu.memory_space<vmem>>, vector<16xi32>,
      %broadcast_in_dim3A_81 = arith.constant 1073741824 : i32
      %broadcast_in_dim3A_82 = vector.broadcast %broadcast_in_dim3A_81 : i32 to vector<16xi32>
      %iota3A_83 = tpu.iota {dimensions = array<i32: 0>} : vector<16xi32>
      %eq3A_84 = arith.constant 18 : i32
      %eq3A_85 = vector.broadcast %eq3A_84 : i32 to vector<16xi32>
      %eq3A_86 = arith.cmpi eq, %iota3A_83, %eq3A_85 : vector<16xi32>
      %jit3A_87 = arith.constant 745 : i32
      %broadcast_in_dim3A_88 = vector.broadcast %jit3A_87 : i32 to vector<16xi32>
      %select_n3A_89 = arith.select %eq3A_86, %broadcast_in_dim3A_88, %broadcast_in_dim3A_82 : vector<16xi1>, vector<16xi32>
      %iota3A_90 = tpu.iota {dimensions = array<i32: 0>} : vector<16xi32>
      %eq3A_91 = arith.constant 19 : i32
      %eq3A_92 = vector.broadcast %eq3A_91 : i32 to vector<16xi32>
      %eq3A_93 = arith.cmpi eq, %iota3A_90, %eq3A_92 : vector<16xi32>
      %jit3A_94 = arith.constant 317 : i32
      %broadcast_in_dim3A_95 = vector.broadcast %jit3A_94 : i32 to vector<16xi32>
      %select_n3A_96 = arith.select %eq3A_93, %broadcast_in_dim3A_95, %select_n3A_89 : vector<16xi1>, vector<16xi32>
      %iota3A_97 = tpu.iota {dimensions = array<i32: 0>} : vector<16xi32>
      %eq3A_98 = arith.constant 20 : i32
      %eq3A_99 = vector.broadcast %eq3A_98 : i32 to vector<16xi32>
      %eq3A_100 = arith.cmpi eq, %iota3A_97, %eq3A_99 : vector<16xi32>
      %jit3A_101 = arith.constant 444 : i32
      %broadcast_in_dim3A_102 = vector.broadcast %jit3A_101 : i32 to vector<16xi32>
      %select_n3A_103 = arith.select %eq3A_100, %broadcast_in_dim3A_102, %select_n3A_96 : vector<16xi1>, vector<16xi32>
      %iota3A_104 = tpu.iota {dimensions = array<i32: 0>} : vector<16xi32>
      %eq3A_105 = arith.constant 21 : i32
      %eq3A_106 = vector.broadcast %eq3A_105 : i32 to vector<16xi32>
      %eq3A_107 = arith.cmpi eq, %iota3A_104, %eq3A_106 : vector<16xi32>
      %jit3A_108 = arith.constant 556 : i32
      %broadcast_in_dim3A_109 = vector.broadcast %jit3A_108 : i32 to vector<16xi32>
      %select_n3A_110 = arith.select %eq3A_107, %broadcast_in_dim3A_109, %select_n3A_103 : vector<16xi1>, vector<16xi32>
      %iota3A_111 = tpu.iota {dimensions = array<i32: 0>} : vector<16xi32>
      %eq3A_112 = arith.constant 22 : i32
      %eq3A_113 = vector.broadcast %eq3A_112 : i32 to vector<16xi32>
      %eq3A_114 = arith.cmpi eq, %iota3A_111, %eq3A_113 : vector<16xi32>
      %jit3A_115 = arith.constant 673 : i32
      %broadcast_in_dim3A_116 = vector.broadcast %jit3A_115 : i32 to vector<16xi32>
      %select_n3A_117 = arith.select %eq3A_114, %broadcast_in_dim3A_116, %select_n3A_110 : vector<16xi1>, vector<16xi32>
      %swap3A_118 = arith.constant 32 : index
      %swap3A_119 = tpu.vector_load %arg5[%swap3A_118] {strides = array<i32>} : memref<128xi32, #tpu.memory_space<vmem>>, vector<16xi32>,
      %swap3A_120 = vector.shape_cast %swap3A_119 : vector<16xi32> to vector<16xi32>
      %swap3A_121 = vector.shape_cast %select_n3A_117 : vector<16xi32> to vector<16xi32>
      tpu.vector_store %arg5[%swap3A_118], %swap3A_121 {strides = array<i32>} : memref<128xi32, #tpu.memory_space<vmem>>, vector<16xi32>,
      %broadcast_in_dim3A_122 = arith.constant 1073741824 : i32
      %broadcast_in_dim3A_123 = vector.broadcast %broadcast_in_dim3A_122 : i32 to vector<16xi32>
      %iota3A_124 = tpu.iota {dimensions = array<i32: 0>} : vector<16xi32>
      %eq3A_125 = arith.constant 2 : i32
      %eq3A_126 = vector.broadcast %eq3A_125 : i32 to vector<16xi32>
      %eq3A_127 = arith.cmpi eq, %iota3A_124, %eq3A_126 : vector<16xi32>
      %jit3A_128 = arith.constant 745 : i32
      %broadcast_in_dim3A_129 = vector.broadcast %jit3A_128 : i32 to vector<16xi32>
      %select_n3A_130 = arith.select %eq3A_127, %broadcast_in_dim3A_129, %broadcast_in_dim3A_123 : vector<16xi1>, vector<16xi32>
      %iota3A_131 = tpu.iota {dimensions = array<i32: 0>} : vector<16xi32>
      %eq3A_132 = arith.constant 3 : i32
      %eq3A_133 = vector.broadcast %eq3A_132 : i32 to vector<16xi32>
      %eq3A_134 = arith.cmpi eq, %iota3A_131, %eq3A_133 : vector<16xi32>
      %jit3A_135 = arith.constant 317 : i32
      %broadcast_in_dim3A_136 = vector.broadcast %jit3A_135 : i32 to vector<16xi32>
      %select_n3A_137 = arith.select %eq3A_134, %broadcast_in_dim3A_136, %select_n3A_130 : vector<16xi1>, vector<16xi32>
      %iota3A_138 = tpu.iota {dimensions = array<i32: 0>} : vector<16xi32>
      %eq3A_139 = arith.constant 4 : i32
      %eq3A_140 = vector.broadcast %eq3A_139 : i32 to vector<16xi32>
      %eq3A_141 = arith.cmpi eq, %iota3A_138, %eq3A_140 : vector<16xi32>
      %jit3A_142 = arith.constant 444 : i32
      %broadcast_in_dim3A_143 = vector.broadcast %jit3A_142 : i32 to vector<16xi32>
      %select_n3A_144 = arith.select %eq3A_141, %broadcast_in_dim3A_143, %select_n3A_137 : vector<16xi1>, vector<16xi32>
      %iota3A_145 = tpu.iota {dimensions = array<i32: 0>} : vector<16xi32>
      %eq3A_146 = arith.constant 5 : i32
      %eq3A_147 = vector.broadcast %eq3A_146 : i32 to vector<16xi32>
      %eq3A_148 = arith.cmpi eq, %iota3A_145, %eq3A_147 : vector<16xi32>
      %jit3A_149 = arith.constant 556 : i32
      %broadcast_in_dim3A_150 = vector.broadcast %jit3A_149 : i32 to vector<16xi32>
      %select_n3A_151 = arith.select %eq3A_148, %broadcast_in_dim3A_150, %select_n3A_144 : vector<16xi1>, vector<16xi32>
      %iota3A_152 = tpu.iota {dimensions = array<i32: 0>} : vector<16xi32>
      %eq3A_153 = arith.constant 6 : i32
      %eq3A_154 = vector.broadcast %eq3A_153 : i32 to vector<16xi32>
      %eq3A_155 = arith.cmpi eq, %iota3A_152, %eq3A_154 : vector<16xi32>
      %jit3A_156 = arith.constant 673 : i32
      %broadcast_in_dim3A_157 = vector.broadcast %jit3A_156 : i32 to vector<16xi32>
      %select_n3A_158 = arith.select %eq3A_155, %broadcast_in_dim3A_157, %select_n3A_151 : vector<16xi1>, vector<16xi32>
      %swap3A_159 = arith.constant 48 : index
      %swap3A_160 = tpu.vector_load %arg5[%swap3A_159] {strides = array<i32>} : memref<128xi32, #tpu.memory_space<vmem>>, vector<16xi32>,
      %swap3A_161 = vector.shape_cast %swap3A_160 : vector<16xi32> to vector<16xi32>
      %swap3A_162 = vector.shape_cast %select_n3A_158 : vector<16xi32> to vector<16xi32>
      tpu.vector_store %arg5[%swap3A_159], %swap3A_162 {strides = array<i32>} : memref<128xi32, #tpu.memory_space<vmem>>, vector<16xi32>,
      %broadcast_in_dim3A_163 = arith.constant -1.000000e+00 : f32
      %broadcast_in_dim3A_164 = vector.broadcast %broadcast_in_dim3A_163 : f32 to vector<16xf32>
      %broadcast_in_dim3A_165 = arith.constant -1 : i32
      %broadcast_in_dim3A_166 = vector.broadcast %broadcast_in_dim3A_165 : i32 to vector<16xi32>
      %scan3A = arith.constant 0 : i32
      %scan3A_167 = arith.constant 50 : i32
      %scan3A_168 = arith.addi %scan3A, %scan3A_167 : i32
      %scan3A_169 = arith.constant 1 : i32
      %scan3A_170:2 = scf.for %scan3A_1526 = %scan3A to %scan3A_168 step %scan3A_169 iter_args(%scan3A_1527 = %broadcast_in_dim3A_164, %scan3A_1528 = %broadcast_in_dim3A_166) -> (vector<16xf32>, vector<16xi32>)  : i32 {
        %broadcast_in_dim3A_1529 = arith.constant 3.000000e+09 : f32
        %broadcast_in_dim3A_1530 = vector.broadcast %broadcast_in_dim3A_1529 : f32 to vector<16xf32>
        %broadcast_in_dim3A_1531 = arith.constant 1073741824 : i32
        %broadcast_in_dim3A_1532 = vector.broadcast %broadcast_in_dim3A_1531 : i32 to vector<16xi32>
        %scan3A_1533 = arith.constant 0 : i32
        %scan3A_1534 = arith.constant 49 : i32
        %scan3A_1535 = arith.addi %scan3A_1533, %scan3A_1534 : i32
        %scan3A_1536 = arith.constant 1 : i32
        %scan3A_1537:2 = scf.for %scan3A_1838 = %scan3A_1533 to %scan3A_1535 step %scan3A_1536 iter_args(%scan3A_1839 = %broadcast_in_dim3A_1530, %scan3A_1840 = %broadcast_in_dim3A_1532) -> (vector<16xf32>, vector<16xi32>)  : i32 {
          %mul3A_1841 = arith.constant 16 : i32
          %mul3A_1842 = arith.muli %scan3A_1838, %mul3A_1841 : i32
          %get3A_1843 = arith.index_cast %mul3A_1842 : i32 to index
          %get3A_1844 = tpu.vector_load %arg4[%get3A_1843] {strides = array<i32>} : memref<896xf32, #tpu.memory_space<vmem>>, vector<16xf32>,
          %get3A_1845 = vector.shape_cast %get3A_1844 : vector<16xf32> to vector<16xf32>
          %lt3A_1846 = arith.constant 1.500000e-02 : f32
          %lt3A_1847 = vector.broadcast %lt3A_1846 : f32 to vector<16xf32>
          %lt3A_1848 = arith.cmpf olt, %get3A_1845, %lt3A_1847 : vector<16xf32>
          %jit3A_1849 = arith.constant 1.000000e+09 : f32
          %broadcast_in_dim3A_1850 = vector.broadcast %jit3A_1849 : f32 to vector<16xf32>
          %select_n3A_1851 = arith.select %lt3A_1848, %get3A_1845, %broadcast_in_dim3A_1850 : vector<16xi1>, vector<16xf32>
          %iota3A_1852 = tpu.iota {dimensions = array<i32: 0>} : vector<16xi32>
          %mul3A_1853 = arith.constant 16 : i32
          %mul3A_1854 = arith.muli %scan3A_1838, %mul3A_1853 : i32
          %add3A_1855 = vector.broadcast %mul3A_1854 : i32 to vector<16xi32>
          %add3A_1856 = arith.addi %iota3A_1852, %add3A_1855 : vector<16xi32>
          %gt3A_1857 = arith.cmpf ogt, %select_n3A_1851, %scan3A_1527 : vector<16xf32>
          %eq3A_1858 = arith.cmpf oeq, %select_n3A_1851, %scan3A_1527 : vector<16xf32>
          %gt3A_1859 = arith.cmpi sgt, %add3A_1856, %scan3A_1528 : vector<16xi32>
          %and3A_1860 = arith.andi %eq3A_1858, %gt3A_1859 : vector<16xi1>
          %or3A = arith.ori %gt3A_1857, %and3A_1860 : vector<16xi1>
          %jit3A_1861 = arith.constant 3.000000e+09 : f32
          %broadcast_in_dim3A_1862 = vector.broadcast %jit3A_1861 : f32 to vector<16xf32>
          %select_n3A_1863 = arith.select %or3A, %select_n3A_1851, %broadcast_in_dim3A_1862 : vector<16xi1>, vector<16xf32>
          %lt3A_1864 = arith.cmpf olt, %select_n3A_1863, %scan3A_1839 : vector<16xf32>
          %select_n3A_1865 = arith.select %lt3A_1864, %select_n3A_1863, %scan3A_1839 : vector<16xi1>, vector<16xf32>
          %select_n3A_1866 = arith.select %lt3A_1864, %add3A_1856, %scan3A_1840 : vector<16xi1>, vector<16xi32>
          scf.yield %select_n3A_1865, %select_n3A_1866 : vector<16xf32>, vector<16xi32>
        }
        %scan3A_1538 = arith.constant 49 : i32
        %iota3A_1539 = tpu.iota {dimensions = array<i32: 0>} : vector<16xi32>
        %add3A_1540 = arith.constant 8 : i32
        %add3A_1541 = vector.broadcast %add3A_1540 : i32 to vector<16xi32>
        %add3A_1542 = arith.addi %iota3A_1539, %add3A_1541 : vector<16xi32>
        %jit3A_1543 = arith.constant 16 : i32
        %eq3A_1544 = arith.constant 0 : i32
        %eq3A_1545 = arith.cmpi eq, %jit3A_1543, %eq3A_1544 : i32
        %jit3A_1546 = arith.constant 1 : i32
        %select_n3A_1547 = arith.select %eq3A_1545, %jit3A_1546, %jit3A_1543 : i32
        %rem3A_1548 = vector.broadcast %select_n3A_1547 : i32 to vector<16xi32>
        %rem3A_1549 = arith.remsi %add3A_1542, %rem3A_1548 : vector<16xi32>
        %ne3A_1550 = arith.constant 0 : i32
        %ne3A_1551 = vector.broadcast %ne3A_1550 : i32 to vector<16xi32>
        %ne3A_1552 = arith.cmpi ne, %rem3A_1549, %ne3A_1551 : vector<16xi32>
        %lt3A_1553 = arith.constant 0 : i32
        %lt3A_1554 = vector.broadcast %lt3A_1553 : i32 to vector<16xi32>
        %lt3A_1555 = arith.cmpi slt, %rem3A_1549, %lt3A_1554 : vector<16xi32>
        %lt3A_1556 = arith.constant 0 : i32
        %lt3A_1557 = arith.cmpi slt, %select_n3A_1547, %lt3A_1556 : i32
        %ne3A_1558 = vector.broadcast %lt3A_1557 : i1 to vector<16xi1>
        %ne3A_1559 = vector.broadcast %ne3A_1558 : vector<16xi1> to vector<16xi1>
        %ne3A_1560 = arith.xori %lt3A_1555, %ne3A_1559 : vector<16xi1>
        %and3A_1561 = arith.andi %ne3A_1560, %ne3A_1552 : vector<16xi1>
        %add3A_1562 = vector.broadcast %select_n3A_1547 : i32 to vector<16xi32>
        %add3A_1563 = arith.addi %rem3A_1549, %add3A_1562 : vector<16xi32>
        %select_n3A_1564 = arith.select %and3A_1561, %add3A_1563, %rem3A_1549 : vector<16xi1>, vector<16xi32>
        %broadcast_in_dim3A_1565 = vector.shape_cast %select_n3A_1564 : vector<16xi32> to vector<16x1xi32>
        %gather3A_1566 = vector.shape_cast %broadcast_in_dim3A_1565 : vector<16x1xi32> to vector<16xi32>
        %gather3A_1567 = tpu.dynamic_gather %scan3A_1537#0[%gather3A_1566] in [0] : vector<16xf32>, vector<16xi32> -> vector<16xf32>
        %min3A = arith.minimumf %scan3A_1537#0, %gather3A_1567 : vector<16xf32>
        %iota3A_1568 = tpu.iota {dimensions = array<i32: 0>} : vector<16xi32>
        %add3A_1569 = arith.constant 4 : i32
        %add3A_1570 = vector.broadcast %add3A_1569 : i32 to vector<16xi32>
        %add3A_1571 = arith.addi %iota3A_1568, %add3A_1570 : vector<16xi32>
        %jit3A_1572 = arith.constant 16 : i32
        %eq3A_1573 = arith.constant 0 : i32
        %eq3A_1574 = arith.cmpi eq, %jit3A_1572, %eq3A_1573 : i32
        %jit3A_1575 = arith.constant 1 : i32
        %select_n3A_1576 = arith.select %eq3A_1574, %jit3A_1575, %jit3A_1572 : i32
        %rem3A_1577 = vector.broadcast %select_n3A_1576 : i32 to vector<16xi32>
        %rem3A_1578 = arith.remsi %add3A_1571, %rem3A_1577 : vector<16xi32>
        %ne3A_1579 = arith.constant 0 : i32
        %ne3A_1580 = vector.broadcast %ne3A_1579 : i32 to vector<16xi32>
        %ne3A_1581 = arith.cmpi ne, %rem3A_1578, %ne3A_1580 : vector<16xi32>
        %lt3A_1582 = arith.constant 0 : i32
        %lt3A_1583 = vector.broadcast %lt3A_1582 : i32 to vector<16xi32>
        %lt3A_1584 = arith.cmpi slt, %rem3A_1578, %lt3A_1583 : vector<16xi32>
        %lt3A_1585 = arith.constant 0 : i32
        %lt3A_1586 = arith.cmpi slt, %select_n3A_1576, %lt3A_1585 : i32
        %ne3A_1587 = vector.broadcast %lt3A_1586 : i1 to vector<16xi1>
        %ne3A_1588 = vector.broadcast %ne3A_1587 : vector<16xi1> to vector<16xi1>
        %ne3A_1589 = arith.xori %lt3A_1584, %ne3A_1588 : vector<16xi1>
        %and3A_1590 = arith.andi %ne3A_1589, %ne3A_1581 : vector<16xi1>
        %add3A_1591 = vector.broadcast %select_n3A_1576 : i32 to vector<16xi32>
        %add3A_1592 = arith.addi %rem3A_1578, %add3A_1591 : vector<16xi32>
        %select_n3A_1593 = arith.select %and3A_1590, %add3A_1592, %rem3A_1578 : vector<16xi1>, vector<16xi32>
        %broadcast_in_dim3A_1594 = vector.shape_cast %select_n3A_1593 : vector<16xi32> to vector<16x1xi32>
        %gather3A_1595 = vector.shape_cast %broadcast_in_dim3A_1594 : vector<16x1xi32> to vector<16xi32>
        %gather3A_1596 = tpu.dynamic_gather %min3A[%gather3A_1595] in [0] : vector<16xf32>, vector<16xi32> -> vector<16xf32>
        %min3A_1597 = arith.minimumf %min3A, %gather3A_1596 : vector<16xf32>
        %iota3A_1598 = tpu.iota {dimensions = array<i32: 0>} : vector<16xi32>
        %add3A_1599 = arith.constant 2 : i32
        %add3A_1600 = vector.broadcast %add3A_1599 : i32 to vector<16xi32>
        %add3A_1601 = arith.addi %iota3A_1598, %add3A_1600 : vector<16xi32>
        %jit3A_1602 = arith.constant 16 : i32
        %eq3A_1603 = arith.constant 0 : i32
        %eq3A_1604 = arith.cmpi eq, %jit3A_1602, %eq3A_1603 : i32
        %jit3A_1605 = arith.constant 1 : i32
        %select_n3A_1606 = arith.select %eq3A_1604, %jit3A_1605, %jit3A_1602 : i32
        %rem3A_1607 = vector.broadcast %select_n3A_1606 : i32 to vector<16xi32>
        %rem3A_1608 = arith.remsi %add3A_1601, %rem3A_1607 : vector<16xi32>
        %ne3A_1609 = arith.constant 0 : i32
        %ne3A_1610 = vector.broadcast %ne3A_1609 : i32 to vector<16xi32>
        %ne3A_1611 = arith.cmpi ne, %rem3A_1608, %ne3A_1610 : vector<16xi32>
        %lt3A_1612 = arith.constant 0 : i32
        %lt3A_1613 = vector.broadcast %lt3A_1612 : i32 to vector<16xi32>
        %lt3A_1614 = arith.cmpi slt, %rem3A_1608, %lt3A_1613 : vector<16xi32>
        %lt3A_1615 = arith.constant 0 : i32
        %lt3A_1616 = arith.cmpi slt, %select_n3A_1606, %lt3A_1615 : i32
        %ne3A_1617 = vector.broadcast %lt3A_1616 : i1 to vector<16xi1>
        %ne3A_1618 = vector.broadcast %ne3A_1617 : vector<16xi1> to vector<16xi1>
        %ne3A_1619 = arith.xori %lt3A_1614, %ne3A_1618 : vector<16xi1>
        %and3A_1620 = arith.andi %ne3A_1619, %ne3A_1611 : vector<16xi1>
        %add3A_1621 = vector.broadcast %select_n3A_1606 : i32 to vector<16xi32>
        %add3A_1622 = arith.addi %rem3A_1608, %add3A_1621 : vector<16xi32>
        %select_n3A_1623 = arith.select %and3A_1620, %add3A_1622, %rem3A_1608 : vector<16xi1>, vector<16xi32>
        %broadcast_in_dim3A_1624 = vector.shape_cast %select_n3A_1623 : vector<16xi32> to vector<16x1xi32>
        %gather3A_1625 = vector.shape_cast %broadcast_in_dim3A_1624 : vector<16x1xi32> to vector<16xi32>
        %gather3A_1626 = tpu.dynamic_gather %min3A_1597[%gather3A_1625] in [0] : vector<16xf32>, vector<16xi32> -> vector<16xf32>
        %min3A_1627 = arith.minimumf %min3A_1597, %gather3A_1626 : vector<16xf32>
        %iota3A_1628 = tpu.iota {dimensions = array<i32: 0>} : vector<16xi32>
        %add3A_1629 = arith.constant 1 : i32
        %add3A_1630 = vector.broadcast %add3A_1629 : i32 to vector<16xi32>
        %add3A_1631 = arith.addi %iota3A_1628, %add3A_1630 : vector<16xi32>
        %jit3A_1632 = arith.constant 16 : i32
        %eq3A_1633 = arith.constant 0 : i32
        %eq3A_1634 = arith.cmpi eq, %jit3A_1632, %eq3A_1633 : i32
        %jit3A_1635 = arith.constant 1 : i32
        %select_n3A_1636 = arith.select %eq3A_1634, %jit3A_1635, %jit3A_1632 : i32
        %rem3A_1637 = vector.broadcast %select_n3A_1636 : i32 to vector<16xi32>
        %rem3A_1638 = arith.remsi %add3A_1631, %rem3A_1637 : vector<16xi32>
        %ne3A_1639 = arith.constant 0 : i32
        %ne3A_1640 = vector.broadcast %ne3A_1639 : i32 to vector<16xi32>
        %ne3A_1641 = arith.cmpi ne, %rem3A_1638, %ne3A_1640 : vector<16xi32>
        %lt3A_1642 = arith.constant 0 : i32
        %lt3A_1643 = vector.broadcast %lt3A_1642 : i32 to vector<16xi32>
        %lt3A_1644 = arith.cmpi slt, %rem3A_1638, %lt3A_1643 : vector<16xi32>
        %lt3A_1645 = arith.constant 0 : i32
        %lt3A_1646 = arith.cmpi slt, %select_n3A_1636, %lt3A_1645 : i32
        %ne3A_1647 = vector.broadcast %lt3A_1646 : i1 to vector<16xi1>
        %ne3A_1648 = vector.broadcast %ne3A_1647 : vector<16xi1> to vector<16xi1>
        %ne3A_1649 = arith.xori %lt3A_1644, %ne3A_1648 : vector<16xi1>
        %and3A_1650 = arith.andi %ne3A_1649, %ne3A_1641 : vector<16xi1>
        %add3A_1651 = vector.broadcast %select_n3A_1636 : i32 to vector<16xi32>
        %add3A_1652 = arith.addi %rem3A_1638, %add3A_1651 : vector<16xi32>
        %select_n3A_1653 = arith.select %and3A_1650, %add3A_1652, %rem3A_1638 : vector<16xi1>, vector<16xi32>
        %broadcast_in_dim3A_1654 = vector.shape_cast %select_n3A_1653 : vector<16xi32> to vector<16x1xi32>
        %gather3A_1655 = vector.shape_cast %broadcast_in_dim3A_1654 : vector<16x1xi32> to vector<16xi32>
        %gather3A_1656 = tpu.dynamic_gather %min3A_1627[%gather3A_1655] in [0] : vector<16xf32>, vector<16xi32> -> vector<16xf32>
        %min3A_1657 = arith.minimumf %min3A_1627, %gather3A_1656 : vector<16xf32>
        %eq3A_1658 = arith.cmpf oeq, %scan3A_1537#0, %min3A_1657 : vector<16xf32>
        %jit3A_1659 = arith.constant 1073741824 : i32
        %broadcast_in_dim3A_1660 = vector.broadcast %jit3A_1659 : i32 to vector<16xi32>
        %select_n3A_1661 = arith.select %eq3A_1658, %scan3A_1537#1, %broadcast_in_dim3A_1660 : vector<16xi1>, vector<16xi32>
        %iota3A_1662 = tpu.iota {dimensions = array<i32: 0>} : vector<16xi32>
        %add3A_1663 = arith.constant 8 : i32
        %add3A_1664 = vector.broadcast %add3A_1663 : i32 to vector<16xi32>
        %add3A_1665 = arith.addi %iota3A_1662, %add3A_1664 : vector<16xi32>
        %jit3A_1666 = arith.constant 16 : i32
        %eq3A_1667 = arith.constant 0 : i32
        %eq3A_1668 = arith.cmpi eq, %jit3A_1666, %eq3A_1667 : i32
        %jit3A_1669 = arith.constant 1 : i32
        %select_n3A_1670 = arith.select %eq3A_1668, %jit3A_1669, %jit3A_1666 : i32
        %rem3A_1671 = vector.broadcast %select_n3A_1670 : i32 to vector<16xi32>
        %rem3A_1672 = arith.remsi %add3A_1665, %rem3A_1671 : vector<16xi32>
        %ne3A_1673 = arith.constant 0 : i32
        %ne3A_1674 = vector.broadcast %ne3A_1673 : i32 to vector<16xi32>
        %ne3A_1675 = arith.cmpi ne, %rem3A_1672, %ne3A_1674 : vector<16xi32>
        %lt3A_1676 = arith.constant 0 : i32
        %lt3A_1677 = vector.broadcast %lt3A_1676 : i32 to vector<16xi32>
        %lt3A_1678 = arith.cmpi slt, %rem3A_1672, %lt3A_1677 : vector<16xi32>
        %lt3A_1679 = arith.constant 0 : i32
        %lt3A_1680 = arith.cmpi slt, %select_n3A_1670, %lt3A_1679 : i32
        %ne3A_1681 = vector.broadcast %lt3A_1680 : i1 to vector<16xi1>
        %ne3A_1682 = vector.broadcast %ne3A_1681 : vector<16xi1> to vector<16xi1>
        %ne3A_1683 = arith.xori %lt3A_1678, %ne3A_1682 : vector<16xi1>
        %and3A_1684 = arith.andi %ne3A_1683, %ne3A_1675 : vector<16xi1>
        %add3A_1685 = vector.broadcast %select_n3A_1670 : i32 to vector<16xi32>
        %add3A_1686 = arith.addi %rem3A_1672, %add3A_1685 : vector<16xi32>
        %select_n3A_1687 = arith.select %and3A_1684, %add3A_1686, %rem3A_1672 : vector<16xi1>, vector<16xi32>
        %broadcast_in_dim3A_1688 = vector.shape_cast %select_n3A_1687 : vector<16xi32> to vector<16x1xi32>
        %gather3A_1689 = vector.shape_cast %broadcast_in_dim3A_1688 : vector<16x1xi32> to vector<16xi32>
        %gather3A_1690 = tpu.dynamic_gather %select_n3A_1661[%gather3A_1689] in [0] : vector<16xi32>, vector<16xi32> -> vector<16xi32>
        %min3A_1691 = arith.minsi %select_n3A_1661, %gather3A_1690 : vector<16xi32>
        %iota3A_1692 = tpu.iota {dimensions = array<i32: 0>} : vector<16xi32>
        %add3A_1693 = arith.constant 4 : i32
        %add3A_1694 = vector.broadcast %add3A_1693 : i32 to vector<16xi32>
        %add3A_1695 = arith.addi %iota3A_1692, %add3A_1694 : vector<16xi32>
        %jit3A_1696 = arith.constant 16 : i32
        %eq3A_1697 = arith.constant 0 : i32
        %eq3A_1698 = arith.cmpi eq, %jit3A_1696, %eq3A_1697 : i32
        %jit3A_1699 = arith.constant 1 : i32
        %select_n3A_1700 = arith.select %eq3A_1698, %jit3A_1699, %jit3A_1696 : i32
        %rem3A_1701 = vector.broadcast %select_n3A_1700 : i32 to vector<16xi32>
        %rem3A_1702 = arith.remsi %add3A_1695, %rem3A_1701 : vector<16xi32>
        %ne3A_1703 = arith.constant 0 : i32
        %ne3A_1704 = vector.broadcast %ne3A_1703 : i32 to vector<16xi32>
        %ne3A_1705 = arith.cmpi ne, %rem3A_1702, %ne3A_1704 : vector<16xi32>
        %lt3A_1706 = arith.constant 0 : i32
        %lt3A_1707 = vector.broadcast %lt3A_1706 : i32 to vector<16xi32>
        %lt3A_1708 = arith.cmpi slt, %rem3A_1702, %lt3A_1707 : vector<16xi32>
        %lt3A_1709 = arith.constant 0 : i32
        %lt3A_1710 = arith.cmpi slt, %select_n3A_1700, %lt3A_1709 : i32
        %ne3A_1711 = vector.broadcast %lt3A_1710 : i1 to vector<16xi1>
        %ne3A_1712 = vector.broadcast %ne3A_1711 : vector<16xi1> to vector<16xi1>
        %ne3A_1713 = arith.xori %lt3A_1708, %ne3A_1712 : vector<16xi1>
        %and3A_1714 = arith.andi %ne3A_1713, %ne3A_1705 : vector<16xi1>
        %add3A_1715 = vector.broadcast %select_n3A_1700 : i32 to vector<16xi32>
        %add3A_1716 = arith.addi %rem3A_1702, %add3A_1715 : vector<16xi32>
        %select_n3A_1717 = arith.select %and3A_1714, %add3A_1716, %rem3A_1702 : vector<16xi1>, vector<16xi32>
        %broadcast_in_dim3A_1718 = vector.shape_cast %select_n3A_1717 : vector<16xi32> to vector<16x1xi32>
        %gather3A_1719 = vector.shape_cast %broadcast_in_dim3A_1718 : vector<16x1xi32> to vector<16xi32>
        %gather3A_1720 = tpu.dynamic_gather %min3A_1691[%gather3A_1719] in [0] : vector<16xi32>, vector<16xi32> -> vector<16xi32>
        %min3A_1721 = arith.minsi %min3A_1691, %gather3A_1720 : vector<16xi32>
        %iota3A_1722 = tpu.iota {dimensions = array<i32: 0>} : vector<16xi32>
        %add3A_1723 = arith.constant 2 : i32
        %add3A_1724 = vector.broadcast %add3A_1723 : i32 to vector<16xi32>
        %add3A_1725 = arith.addi %iota3A_1722, %add3A_1724 : vector<16xi32>
        %jit3A_1726 = arith.constant 16 : i32
        %eq3A_1727 = arith.constant 0 : i32
        %eq3A_1728 = arith.cmpi eq, %jit3A_1726, %eq3A_1727 : i32
        %jit3A_1729 = arith.constant 1 : i32
        %select_n3A_1730 = arith.select %eq3A_1728, %jit3A_1729, %jit3A_1726 : i32
        %rem3A_1731 = vector.broadcast %select_n3A_1730 : i32 to vector<16xi32>
        %rem3A_1732 = arith.remsi %add3A_1725, %rem3A_1731 : vector<16xi32>
        %ne3A_1733 = arith.constant 0 : i32
        %ne3A_1734 = vector.broadcast %ne3A_1733 : i32 to vector<16xi32>
        %ne3A_1735 = arith.cmpi ne, %rem3A_1732, %ne3A_1734 : vector<16xi32>
        %lt3A_1736 = arith.constant 0 : i32
        %lt3A_1737 = vector.broadcast %lt3A_1736 : i32 to vector<16xi32>
        %lt3A_1738 = arith.cmpi slt, %rem3A_1732, %lt3A_1737 : vector<16xi32>
        %lt3A_1739 = arith.constant 0 : i32
        %lt3A_1740 = arith.cmpi slt, %select_n3A_1730, %lt3A_1739 : i32
        %ne3A_1741 = vector.broadcast %lt3A_1740 : i1 to vector<16xi1>
        %ne3A_1742 = vector.broadcast %ne3A_1741 : vector<16xi1> to vector<16xi1>
        %ne3A_1743 = arith.xori %lt3A_1738, %ne3A_1742 : vector<16xi1>
        %and3A_1744 = arith.andi %ne3A_1743, %ne3A_1735 : vector<16xi1>
        %add3A_1745 = vector.broadcast %select_n3A_1730 : i32 to vector<16xi32>
        %add3A_1746 = arith.addi %rem3A_1732, %add3A_1745 : vector<16xi32>
        %select_n3A_1747 = arith.select %and3A_1744, %add3A_1746, %rem3A_1732 : vector<16xi1>, vector<16xi32>
        %broadcast_in_dim3A_1748 = vector.shape_cast %select_n3A_1747 : vector<16xi32> to vector<16x1xi32>
        %gather3A_1749 = vector.shape_cast %broadcast_in_dim3A_1748 : vector<16x1xi32> to vector<16xi32>
        %gather3A_1750 = tpu.dynamic_gather %min3A_1721[%gather3A_1749] in [0] : vector<16xi32>, vector<16xi32> -> vector<16xi32>
        %min3A_1751 = arith.minsi %min3A_1721, %gather3A_1750 : vector<16xi32>
        %iota3A_1752 = tpu.iota {dimensions = array<i32: 0>} : vector<16xi32>
        %add3A_1753 = arith.constant 1 : i32
        %add3A_1754 = vector.broadcast %add3A_1753 : i32 to vector<16xi32>
        %add3A_1755 = arith.addi %iota3A_1752, %add3A_1754 : vector<16xi32>
        %jit3A_1756 = arith.constant 16 : i32
        %eq3A_1757 = arith.constant 0 : i32
        %eq3A_1758 = arith.cmpi eq, %jit3A_1756, %eq3A_1757 : i32
        %jit3A_1759 = arith.constant 1 : i32
        %select_n3A_1760 = arith.select %eq3A_1758, %jit3A_1759, %jit3A_1756 : i32
        %rem3A_1761 = vector.broadcast %select_n3A_1760 : i32 to vector<16xi32>
        %rem3A_1762 = arith.remsi %add3A_1755, %rem3A_1761 : vector<16xi32>
        %ne3A_1763 = arith.constant 0 : i32
        %ne3A_1764 = vector.broadcast %ne3A_1763 : i32 to vector<16xi32>
        %ne3A_1765 = arith.cmpi ne, %rem3A_1762, %ne3A_1764 : vector<16xi32>
        %lt3A_1766 = arith.constant 0 : i32
        %lt3A_1767 = vector.broadcast %lt3A_1766 : i32 to vector<16xi32>
        %lt3A_1768 = arith.cmpi slt, %rem3A_1762, %lt3A_1767 : vector<16xi32>
        %lt3A_1769 = arith.constant 0 : i32
        %lt3A_1770 = arith.cmpi slt, %select_n3A_1760, %lt3A_1769 : i32
        %ne3A_1771 = vector.broadcast %lt3A_1770 : i1 to vector<16xi1>
        %ne3A_1772 = vector.broadcast %ne3A_1771 : vector<16xi1> to vector<16xi1>
        %ne3A_1773 = arith.xori %lt3A_1768, %ne3A_1772 : vector<16xi1>
        %and3A_1774 = arith.andi %ne3A_1773, %ne3A_1765 : vector<16xi1>
        %add3A_1775 = vector.broadcast %select_n3A_1760 : i32 to vector<16xi32>
        %add3A_1776 = arith.addi %rem3A_1762, %add3A_1775 : vector<16xi32>
        %select_n3A_1777 = arith.select %and3A_1774, %add3A_1776, %rem3A_1762 : vector<16xi1>, vector<16xi32>
        %broadcast_in_dim3A_1778 = vector.shape_cast %select_n3A_1777 : vector<16xi32> to vector<16x1xi32>
        %gather3A_1779 = vector.shape_cast %broadcast_in_dim3A_1778 : vector<16x1xi32> to vector<16xi32>
        %gather3A_1780 = tpu.dynamic_gather %min3A_1751[%gather3A_1779] in [0] : vector<16xi32>, vector<16xi32> -> vector<16xi32>
        %min3A_1781 = arith.minsi %min3A_1751, %gather3A_1780 : vector<16xi32>
        %broadcast_in_dim3A_1782 = arith.constant 0 : i32
        %broadcast_in_dim3A_1783 = vector.broadcast %broadcast_in_dim3A_1782 : i32 to vector<16xi32>
        %add3A_1784 = vector.broadcast %scan3A_1526 : i32 to vector<16xi32>
        %add3A_1785 = arith.addi %broadcast_in_dim3A_1783, %add3A_1784 : vector<16xi32>
        %get3A_1786 = arith.constant 0 : index
        %get3A_1787 = tpu.vector_load %arg5[%get3A_1786] {strides = array<i32>} : memref<128xi32, #tpu.memory_space<vmem>>, vector<16xi32>,
        %get3A_1788 = vector.shape_cast %get3A_1787 : vector<16xi32> to vector<16xi32>
        %iota3A_1789 = tpu.iota {dimensions = array<i32: 0>} : vector<16xi32>
        %add3A_1790 = arith.constant 0 : i32
        %add3A_1791 = vector.broadcast %add3A_1790 : i32 to vector<16xi32>
        %add3A_1792 = arith.addi %iota3A_1789, %add3A_1791 : vector<16xi32>
        %eq3A_1793 = arith.cmpi eq, %add3A_1792, %add3A_1785 : vector<16xi32>
        %select_n3A_1794 = arith.select %eq3A_1793, %min3A_1781, %get3A_1788 : vector<16xi1>, vector<16xi32>
        %swap3A_1795 = arith.constant 0 : index
        %swap3A_1796 = tpu.vector_load %arg5[%swap3A_1795] {strides = array<i32>} : memref<128xi32, #tpu.memory_space<vmem>>, vector<16xi32>,
        %swap3A_1797 = vector.shape_cast %swap3A_1796 : vector<16xi32> to vector<16xi32>
        %swap3A_1798 = vector.shape_cast %select_n3A_1794 : vector<16xi32> to vector<16xi32>
        tpu.vector_store %arg5[%swap3A_1795], %swap3A_1798 {strides = array<i32>} : memref<128xi32, #tpu.memory_space<vmem>>, vector<16xi32>,
        %get3A_1799 = arith.constant 16 : index
        %get3A_1800 = tpu.vector_load %arg5[%get3A_1799] {strides = array<i32>} : memref<128xi32, #tpu.memory_space<vmem>>, vector<16xi32>,
        %get3A_1801 = vector.shape_cast %get3A_1800 : vector<16xi32> to vector<16xi32>
        %iota3A_1802 = tpu.iota {dimensions = array<i32: 0>} : vector<16xi32>
        %add3A_1803 = arith.constant 16 : i32
        %add3A_1804 = vector.broadcast %add3A_1803 : i32 to vector<16xi32>
        %add3A_1805 = arith.addi %iota3A_1802, %add3A_1804 : vector<16xi32>
        %eq3A_1806 = arith.cmpi eq, %add3A_1805, %add3A_1785 : vector<16xi32>
        %select_n3A_1807 = arith.select %eq3A_1806, %min3A_1781, %get3A_1801 : vector<16xi1>, vector<16xi32>
        %swap3A_1808 = arith.constant 16 : index
        %swap3A_1809 = tpu.vector_load %arg5[%swap3A_1808] {strides = array<i32>} : memref<128xi32, #tpu.memory_space<vmem>>, vector<16xi32>,
        %swap3A_1810 = vector.shape_cast %swap3A_1809 : vector<16xi32> to vector<16xi32>
        %swap3A_1811 = vector.shape_cast %select_n3A_1807 : vector<16xi32> to vector<16xi32>
        tpu.vector_store %arg5[%swap3A_1808], %swap3A_1811 {strides = array<i32>} : memref<128xi32, #tpu.memory_space<vmem>>, vector<16xi32>,
        %get3A_1812 = arith.constant 32 : index
        %get3A_1813 = tpu.vector_load %arg5[%get3A_1812] {strides = array<i32>} : memref<128xi32, #tpu.memory_space<vmem>>, vector<16xi32>,
        %get3A_1814 = vector.shape_cast %get3A_1813 : vector<16xi32> to vector<16xi32>
        %iota3A_1815 = tpu.iota {dimensions = array<i32: 0>} : vector<16xi32>
        %add3A_1816 = arith.constant 32 : i32
        %add3A_1817 = vector.broadcast %add3A_1816 : i32 to vector<16xi32>
        %add3A_1818 = arith.addi %iota3A_1815, %add3A_1817 : vector<16xi32>
        %eq3A_1819 = arith.cmpi eq, %add3A_1818, %add3A_1785 : vector<16xi32>
        %select_n3A_1820 = arith.select %eq3A_1819, %min3A_1781, %get3A_1814 : vector<16xi1>, vector<16xi32>
        %swap3A_1821 = arith.constant 32 : index
        %swap3A_1822 = tpu.vector_load %arg5[%swap3A_1821] {strides = array<i32>} : memref<128xi32, #tpu.memory_space<vmem>>, vector<16xi32>,
        %swap3A_1823 = vector.shape_cast %swap3A_1822 : vector<16xi32> to vector<16xi32>
        %swap3A_1824 = vector.shape_cast %select_n3A_1820 : vector<16xi32> to vector<16xi32>
        tpu.vector_store %arg5[%swap3A_1821], %swap3A_1824 {strides = array<i32>} : memref<128xi32, #tpu.memory_space<vmem>>, vector<16xi32>,
        %get3A_1825 = arith.constant 48 : index
        %get3A_1826 = tpu.vector_load %arg5[%get3A_1825] {strides = array<i32>} : memref<128xi32, #tpu.memory_space<vmem>>, vector<16xi32>,
        %get3A_1827 = vector.shape_cast %get3A_1826 : vector<16xi32> to vector<16xi32>
        %iota3A_1828 = tpu.iota {dimensions = array<i32: 0>} : vector<16xi32>
        %add3A_1829 = arith.constant 48 : i32
        %add3A_1830 = vector.broadcast %add3A_1829 : i32 to vector<16xi32>
        %add3A_1831 = arith.addi %iota3A_1828, %add3A_1830 : vector<16xi32>
        %eq3A_1832 = arith.cmpi eq, %add3A_1831, %add3A_1785 : vector<16xi32>
        %select_n3A_1833 = arith.select %eq3A_1832, %min3A_1781, %get3A_1827 : vector<16xi1>, vector<16xi32>
        %swap3A_1834 = arith.constant 48 : index
        %swap3A_1835 = tpu.vector_load %arg5[%swap3A_1834] {strides = array<i32>} : memref<128xi32, #tpu.memory_space<vmem>>, vector<16xi32>,
        %swap3A_1836 = vector.shape_cast %swap3A_1835 : vector<16xi32> to vector<16xi32>
        %swap3A_1837 = vector.shape_cast %select_n3A_1833 : vector<16xi32> to vector<16xi32>
        tpu.vector_store %arg5[%swap3A_1834], %swap3A_1837 {strides = array<i32>} : memref<128xi32, #tpu.memory_space<vmem>>, vector<16xi32>,
        scf.yield %min3A_1657, %min3A_1781 : vector<16xf32>, vector<16xi32>
      }
      %scan3A_171 = arith.constant 50 : i32
      %iota3A_172 = tpu.iota {dimensions = array<i32: 0>} : vector<16xi32>
      %add3A_173 = arith.constant 0 : i32
      %add3A_174 = vector.broadcast %add3A_173 : i32 to vector<16xi32>
      %add3A_175 = arith.addi %iota3A_172, %add3A_174 : vector<16xi32>
      %iota3A_176 = tpu.iota {dimensions = array<i32: 0>} : vector<16xi32>
      %add3A_177 = arith.constant 16 : i32
      %add3A_178 = vector.broadcast %add3A_177 : i32 to vector<16xi32>
      %add3A_179 = arith.addi %iota3A_176, %add3A_178 : vector<16xi32>
      %iota3A_180 = tpu.iota {dimensions = array<i32: 0>} : vector<16xi32>
      %add3A_181 = arith.constant 32 : i32
      %add3A_182 = vector.broadcast %add3A_181 : i32 to vector<16xi32>
      %add3A_183 = arith.addi %iota3A_180, %add3A_182 : vector<16xi32>
      %iota3A_184 = tpu.iota {dimensions = array<i32: 0>} : vector<16xi32>
      %add3A_185 = arith.constant 48 : i32
      %add3A_186 = vector.broadcast %add3A_185 : i32 to vector<16xi32>
      %add3A_187 = arith.addi %iota3A_184, %add3A_186 : vector<16xi32>
      %broadcast_in_dim3A_188 = arith.constant 0 : i32
      %broadcast_in_dim3A_189 = vector.broadcast %broadcast_in_dim3A_188 : i32 to vector<16xi32>
      %get3A = arith.constant 0 : index
      %get3A_190 = tpu.vector_load %arg5[%get3A] {strides = array<i32>} : memref<128xi32, #tpu.memory_space<vmem>>, vector<16xi32>,
      %get3A_191 = vector.shape_cast %get3A_190 : vector<16xi32> to vector<16xi32>
      %swap3A_192 = arith.constant 0 : index
      %swap3A_193 = tpu.vector_load %arg6[%swap3A_192] {strides = array<i32>} : memref<128xi32, #tpu.memory_space<vmem>>, vector<16xi32>,
      %swap3A_194 = vector.shape_cast %swap3A_193 : vector<16xi32> to vector<16xi32>
      %swap3A_195 = vector.shape_cast %get3A_191 : vector<16xi32> to vector<16xi32>
      tpu.vector_store %arg6[%swap3A_192], %swap3A_195 {strides = array<i32>} : memref<128xi32, #tpu.memory_space<vmem>>, vector<16xi32>,
      %get3A_196 = arith.constant 16 : index
      %get3A_197 = tpu.vector_load %arg5[%get3A_196] {strides = array<i32>} : memref<128xi32, #tpu.memory_space<vmem>>, vector<16xi32>,
      %get3A_198 = vector.shape_cast %get3A_197 : vector<16xi32> to vector<16xi32>
      %swap3A_199 = arith.constant 16 : index
      %swap3A_200 = tpu.vector_load %arg6[%swap3A_199] {strides = array<i32>} : memref<128xi32, #tpu.memory_space<vmem>>, vector<16xi32>,
      %swap3A_201 = vector.shape_cast %swap3A_200 : vector<16xi32> to vector<16xi32>
      %swap3A_202 = vector.shape_cast %get3A_198 : vector<16xi32> to vector<16xi32>
      tpu.vector_store %arg6[%swap3A_199], %swap3A_202 {strides = array<i32>} : memref<128xi32, #tpu.memory_space<vmem>>, vector<16xi32>,
      %get3A_203 = arith.constant 32 : index
      %get3A_204 = tpu.vector_load %arg5[%get3A_203] {strides = array<i32>} : memref<128xi32, #tpu.memory_space<vmem>>, vector<16xi32>,
      %get3A_205 = vector.shape_cast %get3A_204 : vector<16xi32> to vector<16xi32>
      %swap3A_206 = arith.constant 32 : index
      %swap3A_207 = tpu.vector_load %arg6[%swap3A_206] {strides = array<i32>} : memref<128xi32, #tpu.memory_space<vmem>>, vector<16xi32>,
      %swap3A_208 = vector.shape_cast %swap3A_207 : vector<16xi32> to vector<16xi32>
      %swap3A_209 = vector.shape_cast %get3A_205 : vector<16xi32> to vector<16xi32>
      tpu.vector_store %arg6[%swap3A_206], %swap3A_209 {strides = array<i32>} : memref<128xi32, #tpu.memory_space<vmem>>, vector<16xi32>,
      %get3A_210 = arith.constant 48 : index
      %get3A_211 = tpu.vector_load %arg5[%get3A_210] {strides = array<i32>} : memref<128xi32, #tpu.memory_space<vmem>>, vector<16xi32>,
      %get3A_212 = vector.shape_cast %get3A_211 : vector<16xi32> to vector<16xi32>
      %swap3A_213 = arith.constant 48 : index
      %swap3A_214 = tpu.vector_load %arg6[%swap3A_213] {strides = array<i32>} : memref<128xi32, #tpu.memory_space<vmem>>, vector<16xi32>,
      %swap3A_215 = vector.shape_cast %swap3A_214 : vector<16xi32> to vector<16xi32>
      %swap3A_216 = vector.shape_cast %get3A_212 : vector<16xi32> to vector<16xi32>
      tpu.vector_store %arg6[%swap3A_213], %swap3A_216 {strides = array<i32>} : memref<128xi32, #tpu.memory_space<vmem>>, vector<16xi32>,
      %broadcast_in_dim3A_217 = arith.constant 0 : i32
      %broadcast_in_dim3A_218 = vector.broadcast %broadcast_in_dim3A_217 : i32 to vector<16xi32>
      %get3A_219 = arith.constant 0 : index
      %get3A_220 = tpu.vector_load %arg5[%get3A_219] {strides = array<i32>} : memref<128xi32, #tpu.memory_space<vmem>>, vector<16xi32>,
      %get3A_221 = vector.shape_cast %get3A_220 : vector<16xi32> to vector<16xi32>
      %eq3A_222 = arith.constant 745 : i32
      %eq3A_223 = vector.broadcast %eq3A_222 : i32 to vector<16xi32>
      %eq3A_224 = arith.cmpi eq, %get3A_221, %eq3A_223 : vector<16xi32>
      %lt3A_225 = arith.constant 50 : i32
      %lt3A_226 = vector.broadcast %lt3A_225 : i32 to vector<16xi32>
      %lt3A_227 = arith.cmpi slt, %add3A_175, %lt3A_226 : vector<16xi32>
      %and3A = arith.andi %eq3A_224, %lt3A_227 : vector<16xi1>
      %jit3A_228 = arith.constant 1 : i32
      %jit3A_229 = arith.constant 0 : i32
      %broadcast_in_dim3A_230 = vector.broadcast %jit3A_228 : i32 to vector<16xi32>
      %broadcast_in_dim3A_231 = vector.broadcast %jit3A_229 : i32 to vector<16xi32>
      %select_n3A_232 = arith.select %and3A, %broadcast_in_dim3A_230, %broadcast_in_dim3A_231 : vector<16xi1>, vector<16xi32>
      %add3A_233 = arith.addi %broadcast_in_dim3A_218, %select_n3A_232 : vector<16xi32>
      %get3A_234 = arith.constant 16 : index
      %get3A_235 = tpu.vector_load %arg5[%get3A_234] {strides = array<i32>} : memref<128xi32, #tpu.memory_space<vmem>>, vector<16xi32>,
      %get3A_236 = vector.shape_cast %get3A_235 : vector<16xi32> to vector<16xi32>
      %eq3A_237 = arith.constant 745 : i32
      %eq3A_238 = vector.broadcast %eq3A_237 : i32 to vector<16xi32>
      %eq3A_239 = arith.cmpi eq, %get3A_236, %eq3A_238 : vector<16xi32>
      %lt3A_240 = arith.constant 50 : i32
      %lt3A_241 = vector.broadcast %lt3A_240 : i32 to vector<16xi32>
      %lt3A_242 = arith.cmpi slt, %add3A_179, %lt3A_241 : vector<16xi32>
      %and3A_243 = arith.andi %eq3A_239, %lt3A_242 : vector<16xi1>
      %jit3A_244 = arith.constant 1 : i32
      %jit3A_245 = arith.constant 0 : i32
      %broadcast_in_dim3A_246 = vector.broadcast %jit3A_244 : i32 to vector<16xi32>
      %broadcast_in_dim3A_247 = vector.broadcast %jit3A_245 : i32 to vector<16xi32>
      %select_n3A_248 = arith.select %and3A_243, %broadcast_in_dim3A_246, %broadcast_in_dim3A_247 : vector<16xi1>, vector<16xi32>
      %add3A_249 = arith.addi %add3A_233, %select_n3A_248 : vector<16xi32>
      %get3A_250 = arith.constant 32 : index
      %get3A_251 = tpu.vector_load %arg5[%get3A_250] {strides = array<i32>} : memref<128xi32, #tpu.memory_space<vmem>>, vector<16xi32>,
      %get3A_252 = vector.shape_cast %get3A_251 : vector<16xi32> to vector<16xi32>
      %eq3A_253 = arith.constant 745 : i32
      %eq3A_254 = vector.broadcast %eq3A_253 : i32 to vector<16xi32>
      %eq3A_255 = arith.cmpi eq, %get3A_252, %eq3A_254 : vector<16xi32>
      %lt3A_256 = arith.constant 50 : i32
      %lt3A_257 = vector.broadcast %lt3A_256 : i32 to vector<16xi32>
      %lt3A_258 = arith.cmpi slt, %add3A_183, %lt3A_257 : vector<16xi32>
      %and3A_259 = arith.andi %eq3A_255, %lt3A_258 : vector<16xi1>
      %jit3A_260 = arith.constant 1 : i32
      %jit3A_261 = arith.constant 0 : i32
      %broadcast_in_dim3A_262 = vector.broadcast %jit3A_260 : i32 to vector<16xi32>
      %broadcast_in_dim3A_263 = vector.broadcast %jit3A_261 : i32 to vector<16xi32>
      %select_n3A_264 = arith.select %and3A_259, %broadcast_in_dim3A_262, %broadcast_in_dim3A_263 : vector<16xi1>, vector<16xi32>
      %add3A_265 = arith.addi %add3A_249, %select_n3A_264 : vector<16xi32>
      %get3A_266 = arith.constant 48 : index
      %get3A_267 = tpu.vector_load %arg5[%get3A_266] {strides = array<i32>} : memref<128xi32, #tpu.memory_space<vmem>>, vector<16xi32>,
      %get3A_268 = vector.shape_cast %get3A_267 : vector<16xi32> to vector<16xi32>
      %eq3A_269 = arith.constant 745 : i32
      %eq3A_270 = vector.broadcast %eq3A_269 : i32 to vector<16xi32>
      %eq3A_271 = arith.cmpi eq, %get3A_268, %eq3A_270 : vector<16xi32>
      %lt3A_272 = arith.constant 50 : i32
      %lt3A_273 = vector.broadcast %lt3A_272 : i32 to vector<16xi32>
      %lt3A_274 = arith.cmpi slt, %add3A_187, %lt3A_273 : vector<16xi32>
      %and3A_275 = arith.andi %eq3A_271, %lt3A_274 : vector<16xi1>
      %jit3A_276 = arith.constant 1 : i32
      %jit3A_277 = arith.constant 0 : i32
      %broadcast_in_dim3A_278 = vector.broadcast %jit3A_276 : i32 to vector<16xi32>
      %broadcast_in_dim3A_279 = vector.broadcast %jit3A_277 : i32 to vector<16xi32>
      %select_n3A_280 = arith.select %and3A_275, %broadcast_in_dim3A_278, %broadcast_in_dim3A_279 : vector<16xi1>, vector<16xi32>
      %add3A_281 = arith.addi %add3A_265, %select_n3A_280 : vector<16xi32>
      %iota3A_282 = tpu.iota {dimensions = array<i32: 0>} : vector<16xi32>
      %add3A_283 = arith.constant 8 : i32
      %add3A_284 = vector.broadcast %add3A_283 : i32 to vector<16xi32>
      %add3A_285 = arith.addi %iota3A_282, %add3A_284 : vector<16xi32>
      %jit3A_286 = arith.constant 16 : i32
      %eq3A_287 = arith.constant 0 : i32
      %eq3A_288 = arith.cmpi eq, %jit3A_286, %eq3A_287 : i32
      %jit3A_289 = arith.constant 1 : i32
      %select_n3A_290 = arith.select %eq3A_288, %jit3A_289, %jit3A_286 : i32
      %rem3A = vector.broadcast %select_n3A_290 : i32 to vector<16xi32>
      %rem3A_291 = arith.remsi %add3A_285, %rem3A : vector<16xi32>
      %ne3A = arith.constant 0 : i32
      %ne3A_292 = vector.broadcast %ne3A : i32 to vector<16xi32>
      %ne3A_293 = arith.cmpi ne, %rem3A_291, %ne3A_292 : vector<16xi32>
      %lt3A_294 = arith.constant 0 : i32
      %lt3A_295 = vector.broadcast %lt3A_294 : i32 to vector<16xi32>
      %lt3A_296 = arith.cmpi slt, %rem3A_291, %lt3A_295 : vector<16xi32>
      %lt3A_297 = arith.constant 0 : i32
      %lt3A_298 = arith.cmpi slt, %select_n3A_290, %lt3A_297 : i32
      %ne3A_299 = vector.broadcast %lt3A_298 : i1 to vector<16xi1>
      %ne3A_300 = vector.broadcast %ne3A_299 : vector<16xi1> to vector<16xi1>
      %ne3A_301 = arith.xori %lt3A_296, %ne3A_300 : vector<16xi1>
      %and3A_302 = arith.andi %ne3A_301, %ne3A_293 : vector<16xi1>
      %add3A_303 = vector.broadcast %select_n3A_290 : i32 to vector<16xi32>
      %add3A_304 = arith.addi %rem3A_291, %add3A_303 : vector<16xi32>
      %select_n3A_305 = arith.select %and3A_302, %add3A_304, %rem3A_291 : vector<16xi1>, vector<16xi32>
      %broadcast_in_dim3A_306 = vector.shape_cast %select_n3A_305 : vector<16xi32> to vector<16x1xi32>
      %gather3A = vector.shape_cast %broadcast_in_dim3A_306 : vector<16x1xi32> to vector<16xi32>
      %gather3A_307 = tpu.dynamic_gather %add3A_281[%gather3A] in [0] : vector<16xi32>, vector<16xi32> -> vector<16xi32>
      %add3A_308 = arith.addi %add3A_281, %gather3A_307 : vector<16xi32>
      %iota3A_309 = tpu.iota {dimensions = array<i32: 0>} : vector<16xi32>
      %add3A_310 = arith.constant 4 : i32
      %add3A_311 = vector.broadcast %add3A_310 : i32 to vector<16xi32>
      %add3A_312 = arith.addi %iota3A_309, %add3A_311 : vector<16xi32>
      %jit3A_313 = arith.constant 16 : i32
      %eq3A_314 = arith.constant 0 : i32
      %eq3A_315 = arith.cmpi eq, %jit3A_313, %eq3A_314 : i32
      %jit3A_316 = arith.constant 1 : i32
      %select_n3A_317 = arith.select %eq3A_315, %jit3A_316, %jit3A_313 : i32
      %rem3A_318 = vector.broadcast %select_n3A_317 : i32 to vector<16xi32>
      %rem3A_319 = arith.remsi %add3A_312, %rem3A_318 : vector<16xi32>
      %ne3A_320 = arith.constant 0 : i32
      %ne3A_321 = vector.broadcast %ne3A_320 : i32 to vector<16xi32>
      %ne3A_322 = arith.cmpi ne, %rem3A_319, %ne3A_321 : vector<16xi32>
      %lt3A_323 = arith.constant 0 : i32
      %lt3A_324 = vector.broadcast %lt3A_323 : i32 to vector<16xi32>
      %lt3A_325 = arith.cmpi slt, %rem3A_319, %lt3A_324 : vector<16xi32>
      %lt3A_326 = arith.constant 0 : i32
      %lt3A_327 = arith.cmpi slt, %select_n3A_317, %lt3A_326 : i32
      %ne3A_328 = vector.broadcast %lt3A_327 : i1 to vector<16xi1>
      %ne3A_329 = vector.broadcast %ne3A_328 : vector<16xi1> to vector<16xi1>
      %ne3A_330 = arith.xori %lt3A_325, %ne3A_329 : vector<16xi1>
      %and3A_331 = arith.andi %ne3A_330, %ne3A_322 : vector<16xi1>
      %add3A_332 = vector.broadcast %select_n3A_317 : i32 to vector<16xi32>
      %add3A_333 = arith.addi %rem3A_319, %add3A_332 : vector<16xi32>
      %select_n3A_334 = arith.select %and3A_331, %add3A_333, %rem3A_319 : vector<16xi1>, vector<16xi32>
      %broadcast_in_dim3A_335 = vector.shape_cast %select_n3A_334 : vector<16xi32> to vector<16x1xi32>
      %gather3A_336 = vector.shape_cast %broadcast_in_dim3A_335 : vector<16x1xi32> to vector<16xi32>
      %gather3A_337 = tpu.dynamic_gather %add3A_308[%gather3A_336] in [0] : vector<16xi32>, vector<16xi32> -> vector<16xi32>
      %add3A_338 = arith.addi %add3A_308, %gather3A_337 : vector<16xi32>
      %iota3A_339 = tpu.iota {dimensions = array<i32: 0>} : vector<16xi32>
      %add3A_340 = arith.constant 2 : i32
      %add3A_341 = vector.broadcast %add3A_340 : i32 to vector<16xi32>
      %add3A_342 = arith.addi %iota3A_339, %add3A_341 : vector<16xi32>
      %jit3A_343 = arith.constant 16 : i32
      %eq3A_344 = arith.constant 0 : i32
      %eq3A_345 = arith.cmpi eq, %jit3A_343, %eq3A_344 : i32
      %jit3A_346 = arith.constant 1 : i32
      %select_n3A_347 = arith.select %eq3A_345, %jit3A_346, %jit3A_343 : i32
      %rem3A_348 = vector.broadcast %select_n3A_347 : i32 to vector<16xi32>
      %rem3A_349 = arith.remsi %add3A_342, %rem3A_348 : vector<16xi32>
      %ne3A_350 = arith.constant 0 : i32
      %ne3A_351 = vector.broadcast %ne3A_350 : i32 to vector<16xi32>
      %ne3A_352 = arith.cmpi ne, %rem3A_349, %ne3A_351 : vector<16xi32>
      %lt3A_353 = arith.constant 0 : i32
      %lt3A_354 = vector.broadcast %lt3A_353 : i32 to vector<16xi32>
      %lt3A_355 = arith.cmpi slt, %rem3A_349, %lt3A_354 : vector<16xi32>
      %lt3A_356 = arith.constant 0 : i32
      %lt3A_357 = arith.cmpi slt, %select_n3A_347, %lt3A_356 : i32
      %ne3A_358 = vector.broadcast %lt3A_357 : i1 to vector<16xi1>
      %ne3A_359 = vector.broadcast %ne3A_358 : vector<16xi1> to vector<16xi1>
      %ne3A_360 = arith.xori %lt3A_355, %ne3A_359 : vector<16xi1>
      %and3A_361 = arith.andi %ne3A_360, %ne3A_352 : vector<16xi1>
      %add3A_362 = vector.broadcast %select_n3A_347 : i32 to vector<16xi32>
      %add3A_363 = arith.addi %rem3A_349, %add3A_362 : vector<16xi32>
      %select_n3A_364 = arith.select %and3A_361, %add3A_363, %rem3A_349 : vector<16xi1>, vector<16xi32>
      %broadcast_in_dim3A_365 = vector.shape_cast %select_n3A_364 : vector<16xi32> to vector<16x1xi32>
      %gather3A_366 = vector.shape_cast %broadcast_in_dim3A_365 : vector<16x1xi32> to vector<16xi32>
      %gather3A_367 = tpu.dynamic_gather %add3A_338[%gather3A_366] in [0] : vector<16xi32>, vector<16xi32> -> vector<16xi32>
      %add3A_368 = arith.addi %add3A_338, %gather3A_367 : vector<16xi32>
      %iota3A_369 = tpu.iota {dimensions = array<i32: 0>} : vector<16xi32>
      %add3A_370 = arith.constant 1 : i32
      %add3A_371 = vector.broadcast %add3A_370 : i32 to vector<16xi32>
      %add3A_372 = arith.addi %iota3A_369, %add3A_371 : vector<16xi32>
      %jit3A_373 = arith.constant 16 : i32
      %eq3A_374 = arith.constant 0 : i32
      %eq3A_375 = arith.cmpi eq, %jit3A_373, %eq3A_374 : i32
      %jit3A_376 = arith.constant 1 : i32
      %select_n3A_377 = arith.select %eq3A_375, %jit3A_376, %jit3A_373 : i32
      %rem3A_378 = vector.broadcast %select_n3A_377 : i32 to vector<16xi32>
      %rem3A_379 = arith.remsi %add3A_372, %rem3A_378 : vector<16xi32>
      %ne3A_380 = arith.constant 0 : i32
      %ne3A_381 = vector.broadcast %ne3A_380 : i32 to vector<16xi32>
      %ne3A_382 = arith.cmpi ne, %rem3A_379, %ne3A_381 : vector<16xi32>
      %lt3A_383 = arith.constant 0 : i32
      %lt3A_384 = vector.broadcast %lt3A_383 : i32 to vector<16xi32>
      %lt3A_385 = arith.cmpi slt, %rem3A_379, %lt3A_384 : vector<16xi32>
      %lt3A_386 = arith.constant 0 : i32
      %lt3A_387 = arith.cmpi slt, %select_n3A_377, %lt3A_386 : i32
      %ne3A_388 = vector.broadcast %lt3A_387 : i1 to vector<16xi1>
      %ne3A_389 = vector.broadcast %ne3A_388 : vector<16xi1> to vector<16xi1>
      %ne3A_390 = arith.xori %lt3A_385, %ne3A_389 : vector<16xi1>
      %and3A_391 = arith.andi %ne3A_390, %ne3A_382 : vector<16xi1>
      %add3A_392 = vector.broadcast %select_n3A_377 : i32 to vector<16xi32>
      %add3A_393 = arith.addi %rem3A_379, %add3A_392 : vector<16xi32>
      %select_n3A_394 = arith.select %and3A_391, %add3A_393, %rem3A_379 : vector<16xi1>, vector<16xi32>
      %broadcast_in_dim3A_395 = vector.shape_cast %select_n3A_394 : vector<16xi32> to vector<16x1xi32>
      %gather3A_396 = vector.shape_cast %broadcast_in_dim3A_395 : vector<16x1xi32> to vector<16xi32>
      %gather3A_397 = tpu.dynamic_gather %add3A_368[%gather3A_396] in [0] : vector<16xi32>, vector<16xi32> -> vector<16xi32>
      %add3A_398 = arith.addi %add3A_368, %gather3A_397 : vector<16xi32>
      %gt3A = arith.constant 0 : i32
      %gt3A_399 = vector.broadcast %gt3A : i32 to vector<16xi32>
      %gt3A_400 = arith.cmpi sgt, %add3A_398, %gt3A_399 : vector<16xi32>
      %jit3A_401 = arith.constant 1 : i32
      %jit3A_402 = arith.constant 0 : i32
      %broadcast_in_dim3A_403 = vector.broadcast %jit3A_401 : i32 to vector<16xi32>
      %broadcast_in_dim3A_404 = vector.broadcast %jit3A_402 : i32 to vector<16xi32>
      %select_n3A_405 = arith.select %gt3A_400, %broadcast_in_dim3A_403, %broadcast_in_dim3A_404 : vector<16xi1>, vector<16xi32>
      %add3A_406 = arith.addi %broadcast_in_dim3A_189, %select_n3A_405 : vector<16xi32>
      %get3A_407 = arith.constant 48 : index
      %get3A_408 = tpu.vector_load %arg6[%get3A_407] {strides = array<i32>} : memref<128xi32, #tpu.memory_space<vmem>>, vector<16xi32>,
      %get3A_409 = vector.shape_cast %get3A_408 : vector<16xi32> to vector<16xi32>
      %iota3A_410 = tpu.iota {dimensions = array<i32: 0>} : vector<16xi32>
      %eq3A_411 = arith.constant 2 : i32
      %eq3A_412 = vector.broadcast %eq3A_411 : i32 to vector<16xi32>
      %eq3A_413 = arith.cmpi eq, %iota3A_410, %eq3A_412 : vector<16xi32>
      %and3A_414 = arith.andi %eq3A_413, %gt3A_400 : vector<16xi1>
      %jit3A_415 = arith.constant 1073741824 : i32
      %broadcast_in_dim3A_416 = vector.broadcast %jit3A_415 : i32 to vector<16xi32>
      %select_n3A_417 = arith.select %and3A_414, %broadcast_in_dim3A_416, %get3A_409 : vector<16xi1>, vector<16xi32>
      %swap3A_418 = arith.constant 48 : index
      %swap3A_419 = tpu.vector_load %arg6[%swap3A_418] {strides = array<i32>} : memref<128xi32, #tpu.memory_space<vmem>>, vector<16xi32>,
      %swap3A_420 = vector.shape_cast %swap3A_419 : vector<16xi32> to vector<16xi32>
      %swap3A_421 = vector.shape_cast %select_n3A_417 : vector<16xi32> to vector<16xi32>
      tpu.vector_store %arg6[%swap3A_418], %swap3A_421 {strides = array<i32>} : memref<128xi32, #tpu.memory_space<vmem>>, vector<16xi32>,
      %broadcast_in_dim3A_422 = arith.constant 0 : i32
      %broadcast_in_dim3A_423 = vector.broadcast %broadcast_in_dim3A_422 : i32 to vector<16xi32>
      %get3A_424 = arith.constant 0 : index
      %get3A_425 = tpu.vector_load %arg5[%get3A_424] {strides = array<i32>} : memref<128xi32, #tpu.memory_space<vmem>>, vector<16xi32>,
      %get3A_426 = vector.shape_cast %get3A_425 : vector<16xi32> to vector<16xi32>
      %eq3A_427 = arith.constant 317 : i32
      %eq3A_428 = vector.broadcast %eq3A_427 : i32 to vector<16xi32>
      %eq3A_429 = arith.cmpi eq, %get3A_426, %eq3A_428 : vector<16xi32>
      %lt3A_430 = arith.constant 50 : i32
      %lt3A_431 = vector.broadcast %lt3A_430 : i32 to vector<16xi32>
      %lt3A_432 = arith.cmpi slt, %add3A_175, %lt3A_431 : vector<16xi32>
      %and3A_433 = arith.andi %eq3A_429, %lt3A_432 : vector<16xi1>
      %jit3A_434 = arith.constant 1 : i32
      %jit3A_435 = arith.constant 0 : i32
      %broadcast_in_dim3A_436 = vector.broadcast %jit3A_434 : i32 to vector<16xi32>
      %broadcast_in_dim3A_437 = vector.broadcast %jit3A_435 : i32 to vector<16xi32>
      %select_n3A_438 = arith.select %and3A_433, %broadcast_in_dim3A_436, %broadcast_in_dim3A_437 : vector<16xi1>, vector<16xi32>
      %add3A_439 = arith.addi %broadcast_in_dim3A_423, %select_n3A_438 : vector<16xi32>
      %get3A_440 = arith.constant 16 : index
      %get3A_441 = tpu.vector_load %arg5[%get3A_440] {strides = array<i32>} : memref<128xi32, #tpu.memory_space<vmem>>, vector<16xi32>,
      %get3A_442 = vector.shape_cast %get3A_441 : vector<16xi32> to vector<16xi32>
      %eq3A_443 = arith.constant 317 : i32
      %eq3A_444 = vector.broadcast %eq3A_443 : i32 to vector<16xi32>
      %eq3A_445 = arith.cmpi eq, %get3A_442, %eq3A_444 : vector<16xi32>
      %lt3A_446 = arith.constant 50 : i32
      %lt3A_447 = vector.broadcast %lt3A_446 : i32 to vector<16xi32>
      %lt3A_448 = arith.cmpi slt, %add3A_179, %lt3A_447 : vector<16xi32>
      %and3A_449 = arith.andi %eq3A_445, %lt3A_448 : vector<16xi1>
      %jit3A_450 = arith.constant 1 : i32
      %jit3A_451 = arith.constant 0 : i32
      %broadcast_in_dim3A_452 = vector.broadcast %jit3A_450 : i32 to vector<16xi32>
      %broadcast_in_dim3A_453 = vector.broadcast %jit3A_451 : i32 to vector<16xi32>
      %select_n3A_454 = arith.select %and3A_449, %broadcast_in_dim3A_452, %broadcast_in_dim3A_453 : vector<16xi1>, vector<16xi32>
      %add3A_455 = arith.addi %add3A_439, %select_n3A_454 : vector<16xi32>
      %get3A_456 = arith.constant 32 : index
      %get3A_457 = tpu.vector_load %arg5[%get3A_456] {strides = array<i32>} : memref<128xi32, #tpu.memory_space<vmem>>, vector<16xi32>,
      %get3A_458 = vector.shape_cast %get3A_457 : vector<16xi32> to vector<16xi32>
      %eq3A_459 = arith.constant 317 : i32
      %eq3A_460 = vector.broadcast %eq3A_459 : i32 to vector<16xi32>
      %eq3A_461 = arith.cmpi eq, %get3A_458, %eq3A_460 : vector<16xi32>
      %lt3A_462 = arith.constant 50 : i32
      %lt3A_463 = vector.broadcast %lt3A_462 : i32 to vector<16xi32>
      %lt3A_464 = arith.cmpi slt, %add3A_183, %lt3A_463 : vector<16xi32>
      %and3A_465 = arith.andi %eq3A_461, %lt3A_464 : vector<16xi1>
      %jit3A_466 = arith.constant 1 : i32
      %jit3A_467 = arith.constant 0 : i32
      %broadcast_in_dim3A_468 = vector.broadcast %jit3A_466 : i32 to vector<16xi32>
      %broadcast_in_dim3A_469 = vector.broadcast %jit3A_467 : i32 to vector<16xi32>
      %select_n3A_470 = arith.select %and3A_465, %broadcast_in_dim3A_468, %broadcast_in_dim3A_469 : vector<16xi1>, vector<16xi32>
      %add3A_471 = arith.addi %add3A_455, %select_n3A_470 : vector<16xi32>
      %get3A_472 = arith.constant 48 : index
      %get3A_473 = tpu.vector_load %arg5[%get3A_472] {strides = array<i32>} : memref<128xi32, #tpu.memory_space<vmem>>, vector<16xi32>,
      %get3A_474 = vector.shape_cast %get3A_473 : vector<16xi32> to vector<16xi32>
      %eq3A_475 = arith.constant 317 : i32
      %eq3A_476 = vector.broadcast %eq3A_475 : i32 to vector<16xi32>
      %eq3A_477 = arith.cmpi eq, %get3A_474, %eq3A_476 : vector<16xi32>
      %lt3A_478 = arith.constant 50 : i32
      %lt3A_479 = vector.broadcast %lt3A_478 : i32 to vector<16xi32>
      %lt3A_480 = arith.cmpi slt, %add3A_187, %lt3A_479 : vector<16xi32>
      %and3A_481 = arith.andi %eq3A_477, %lt3A_480 : vector<16xi1>
      %jit3A_482 = arith.constant 1 : i32
      %jit3A_483 = arith.constant 0 : i32
      %broadcast_in_dim3A_484 = vector.broadcast %jit3A_482 : i32 to vector<16xi32>
      %broadcast_in_dim3A_485 = vector.broadcast %jit3A_483 : i32 to vector<16xi32>
      %select_n3A_486 = arith.select %and3A_481, %broadcast_in_dim3A_484, %broadcast_in_dim3A_485 : vector<16xi1>, vector<16xi32>
      %add3A_487 = arith.addi %add3A_471, %select_n3A_486 : vector<16xi32>
      %iota3A_488 = tpu.iota {dimensions = array<i32: 0>} : vector<16xi32>
      %add3A_489 = arith.constant 8 : i32
      %add3A_490 = vector.broadcast %add3A_489 : i32 to vector<16xi32>
      %add3A_491 = arith.addi %iota3A_488, %add3A_490 : vector<16xi32>
      %jit3A_492 = arith.constant 16 : i32
      %eq3A_493 = arith.constant 0 : i32
      %eq3A_494 = arith.cmpi eq, %jit3A_492, %eq3A_493 : i32
      %jit3A_495 = arith.constant 1 : i32
      %select_n3A_496 = arith.select %eq3A_494, %jit3A_495, %jit3A_492 : i32
      %rem3A_497 = vector.broadcast %select_n3A_496 : i32 to vector<16xi32>
      %rem3A_498 = arith.remsi %add3A_491, %rem3A_497 : vector<16xi32>
      %ne3A_499 = arith.constant 0 : i32
      %ne3A_500 = vector.broadcast %ne3A_499 : i32 to vector<16xi32>
      %ne3A_501 = arith.cmpi ne, %rem3A_498, %ne3A_500 : vector<16xi32>
      %lt3A_502 = arith.constant 0 : i32
      %lt3A_503 = vector.broadcast %lt3A_502 : i32 to vector<16xi32>
      %lt3A_504 = arith.cmpi slt, %rem3A_498, %lt3A_503 : vector<16xi32>
      %lt3A_505 = arith.constant 0 : i32
      %lt3A_506 = arith.cmpi slt, %select_n3A_496, %lt3A_505 : i32
      %ne3A_507 = vector.broadcast %lt3A_506 : i1 to vector<16xi1>
      %ne3A_508 = vector.broadcast %ne3A_507 : vector<16xi1> to vector<16xi1>
      %ne3A_509 = arith.xori %lt3A_504, %ne3A_508 : vector<16xi1>
      %and3A_510 = arith.andi %ne3A_509, %ne3A_501 : vector<16xi1>
      %add3A_511 = vector.broadcast %select_n3A_496 : i32 to vector<16xi32>
      %add3A_512 = arith.addi %rem3A_498, %add3A_511 : vector<16xi32>
      %select_n3A_513 = arith.select %and3A_510, %add3A_512, %rem3A_498 : vector<16xi1>, vector<16xi32>
      %broadcast_in_dim3A_514 = vector.shape_cast %select_n3A_513 : vector<16xi32> to vector<16x1xi32>
      %gather3A_515 = vector.shape_cast %broadcast_in_dim3A_514 : vector<16x1xi32> to vector<16xi32>
      %gather3A_516 = tpu.dynamic_gather %add3A_487[%gather3A_515] in [0] : vector<16xi32>, vector<16xi32> -> vector<16xi32>
      %add3A_517 = arith.addi %add3A_487, %gather3A_516 : vector<16xi32>
      %iota3A_518 = tpu.iota {dimensions = array<i32: 0>} : vector<16xi32>
      %add3A_519 = arith.constant 4 : i32
      %add3A_520 = vector.broadcast %add3A_519 : i32 to vector<16xi32>
      %add3A_521 = arith.addi %iota3A_518, %add3A_520 : vector<16xi32>
      %jit3A_522 = arith.constant 16 : i32
      %eq3A_523 = arith.constant 0 : i32
      %eq3A_524 = arith.cmpi eq, %jit3A_522, %eq3A_523 : i32
      %jit3A_525 = arith.constant 1 : i32
      %select_n3A_526 = arith.select %eq3A_524, %jit3A_525, %jit3A_522 : i32
      %rem3A_527 = vector.broadcast %select_n3A_526 : i32 to vector<16xi32>
      %rem3A_528 = arith.remsi %add3A_521, %rem3A_527 : vector<16xi32>
      %ne3A_529 = arith.constant 0 : i32
      %ne3A_530 = vector.broadcast %ne3A_529 : i32 to vector<16xi32>
      %ne3A_531 = arith.cmpi ne, %rem3A_528, %ne3A_530 : vector<16xi32>
      %lt3A_532 = arith.constant 0 : i32
      %lt3A_533 = vector.broadcast %lt3A_532 : i32 to vector<16xi32>
      %lt3A_534 = arith.cmpi slt, %rem3A_528, %lt3A_533 : vector<16xi32>
      %lt3A_535 = arith.constant 0 : i32
      %lt3A_536 = arith.cmpi slt, %select_n3A_526, %lt3A_535 : i32
      %ne3A_537 = vector.broadcast %lt3A_536 : i1 to vector<16xi1>
      %ne3A_538 = vector.broadcast %ne3A_537 : vector<16xi1> to vector<16xi1>
      %ne3A_539 = arith.xori %lt3A_534, %ne3A_538 : vector<16xi1>
      %and3A_540 = arith.andi %ne3A_539, %ne3A_531 : vector<16xi1>
      %add3A_541 = vector.broadcast %select_n3A_526 : i32 to vector<16xi32>
      %add3A_542 = arith.addi %rem3A_528, %add3A_541 : vector<16xi32>
      %select_n3A_543 = arith.select %and3A_540, %add3A_542, %rem3A_528 : vector<16xi1>, vector<16xi32>
      %broadcast_in_dim3A_544 = vector.shape_cast %select_n3A_543 : vector<16xi32> to vector<16x1xi32>
      %gather3A_545 = vector.shape_cast %broadcast_in_dim3A_544 : vector<16x1xi32> to vector<16xi32>
      %gather3A_546 = tpu.dynamic_gather %add3A_517[%gather3A_545] in [0] : vector<16xi32>, vector<16xi32> -> vector<16xi32>
      %add3A_547 = arith.addi %add3A_517, %gather3A_546 : vector<16xi32>
      %iota3A_548 = tpu.iota {dimensions = array<i32: 0>} : vector<16xi32>
      %add3A_549 = arith.constant 2 : i32
      %add3A_550 = vector.broadcast %add3A_549 : i32 to vector<16xi32>
      %add3A_551 = arith.addi %iota3A_548, %add3A_550 : vector<16xi32>
      %jit3A_552 = arith.constant 16 : i32
      %eq3A_553 = arith.constant 0 : i32
      %eq3A_554 = arith.cmpi eq, %jit3A_552, %eq3A_553 : i32
      %jit3A_555 = arith.constant 1 : i32
      %select_n3A_556 = arith.select %eq3A_554, %jit3A_555, %jit3A_552 : i32
      %rem3A_557 = vector.broadcast %select_n3A_556 : i32 to vector<16xi32>
      %rem3A_558 = arith.remsi %add3A_551, %rem3A_557 : vector<16xi32>
      %ne3A_559 = arith.constant 0 : i32
      %ne3A_560 = vector.broadcast %ne3A_559 : i32 to vector<16xi32>
      %ne3A_561 = arith.cmpi ne, %rem3A_558, %ne3A_560 : vector<16xi32>
      %lt3A_562 = arith.constant 0 : i32
      %lt3A_563 = vector.broadcast %lt3A_562 : i32 to vector<16xi32>
      %lt3A_564 = arith.cmpi slt, %rem3A_558, %lt3A_563 : vector<16xi32>
      %lt3A_565 = arith.constant 0 : i32
      %lt3A_566 = arith.cmpi slt, %select_n3A_556, %lt3A_565 : i32
      %ne3A_567 = vector.broadcast %lt3A_566 : i1 to vector<16xi1>
      %ne3A_568 = vector.broadcast %ne3A_567 : vector<16xi1> to vector<16xi1>
      %ne3A_569 = arith.xori %lt3A_564, %ne3A_568 : vector<16xi1>
      %and3A_570 = arith.andi %ne3A_569, %ne3A_561 : vector<16xi1>
      %add3A_571 = vector.broadcast %select_n3A_556 : i32 to vector<16xi32>
      %add3A_572 = arith.addi %rem3A_558, %add3A_571 : vector<16xi32>
      %select_n3A_573 = arith.select %and3A_570, %add3A_572, %rem3A_558 : vector<16xi1>, vector<16xi32>
      %broadcast_in_dim3A_574 = vector.shape_cast %select_n3A_573 : vector<16xi32> to vector<16x1xi32>
      %gather3A_575 = vector.shape_cast %broadcast_in_dim3A_574 : vector<16x1xi32> to vector<16xi32>
      %gather3A_576 = tpu.dynamic_gather %add3A_547[%gather3A_575] in [0] : vector<16xi32>, vector<16xi32> -> vector<16xi32>
      %add3A_577 = arith.addi %add3A_547, %gather3A_576 : vector<16xi32>
      %iota3A_578 = tpu.iota {dimensions = array<i32: 0>} : vector<16xi32>
      %add3A_579 = arith.constant 1 : i32
      %add3A_580 = vector.broadcast %add3A_579 : i32 to vector<16xi32>
      %add3A_581 = arith.addi %iota3A_578, %add3A_580 : vector<16xi32>
      %jit3A_582 = arith.constant 16 : i32
      %eq3A_583 = arith.constant 0 : i32
      %eq3A_584 = arith.cmpi eq, %jit3A_582, %eq3A_583 : i32
      %jit3A_585 = arith.constant 1 : i32
      %select_n3A_586 = arith.select %eq3A_584, %jit3A_585, %jit3A_582 : i32
      %rem3A_587 = vector.broadcast %select_n3A_586 : i32 to vector<16xi32>
      %rem3A_588 = arith.remsi %add3A_581, %rem3A_587 : vector<16xi32>
      %ne3A_589 = arith.constant 0 : i32
      %ne3A_590 = vector.broadcast %ne3A_589 : i32 to vector<16xi32>
      %ne3A_591 = arith.cmpi ne, %rem3A_588, %ne3A_590 : vector<16xi32>
      %lt3A_592 = arith.constant 0 : i32
      %lt3A_593 = vector.broadcast %lt3A_592 : i32 to vector<16xi32>
      %lt3A_594 = arith.cmpi slt, %rem3A_588, %lt3A_593 : vector<16xi32>
      %lt3A_595 = arith.constant 0 : i32
      %lt3A_596 = arith.cmpi slt, %select_n3A_586, %lt3A_595 : i32
      %ne3A_597 = vector.broadcast %lt3A_596 : i1 to vector<16xi1>
      %ne3A_598 = vector.broadcast %ne3A_597 : vector<16xi1> to vector<16xi1>
      %ne3A_599 = arith.xori %lt3A_594, %ne3A_598 : vector<16xi1>
      %and3A_600 = arith.andi %ne3A_599, %ne3A_591 : vector<16xi1>
      %add3A_601 = vector.broadcast %select_n3A_586 : i32 to vector<16xi32>
      %add3A_602 = arith.addi %rem3A_588, %add3A_601 : vector<16xi32>
      %select_n3A_603 = arith.select %and3A_600, %add3A_602, %rem3A_588 : vector<16xi1>, vector<16xi32>
      %broadcast_in_dim3A_604 = vector.shape_cast %select_n3A_603 : vector<16xi32> to vector<16x1xi32>
      %gather3A_605 = vector.shape_cast %broadcast_in_dim3A_604 : vector<16x1xi32> to vector<16xi32>
      %gather3A_606 = tpu.dynamic_gather %add3A_577[%gather3A_605] in [0] : vector<16xi32>, vector<16xi32> -> vector<16xi32>
      %add3A_607 = arith.addi %add3A_577, %gather3A_606 : vector<16xi32>
      %gt3A_608 = arith.constant 0 : i32
      %gt3A_609 = vector.broadcast %gt3A_608 : i32 to vector<16xi32>
      %gt3A_610 = arith.cmpi sgt, %add3A_607, %gt3A_609 : vector<16xi32>
      %jit3A_611 = arith.constant 1 : i32
      %jit3A_612 = arith.constant 0 : i32
      %broadcast_in_dim3A_613 = vector.broadcast %jit3A_611 : i32 to vector<16xi32>
      %broadcast_in_dim3A_614 = vector.broadcast %jit3A_612 : i32 to vector<16xi32>
      %select_n3A_615 = arith.select %gt3A_610, %broadcast_in_dim3A_613, %broadcast_in_dim3A_614 : vector<16xi1>, vector<16xi32>
      %add3A_616 = arith.addi %add3A_406, %select_n3A_615 : vector<16xi32>
      %get3A_617 = arith.constant 48 : index
      %get3A_618 = tpu.vector_load %arg6[%get3A_617] {strides = array<i32>} : memref<128xi32, #tpu.memory_space<vmem>>, vector<16xi32>,
      %get3A_619 = vector.shape_cast %get3A_618 : vector<16xi32> to vector<16xi32>
      %iota3A_620 = tpu.iota {dimensions = array<i32: 0>} : vector<16xi32>
      %eq3A_621 = arith.constant 3 : i32
      %eq3A_622 = vector.broadcast %eq3A_621 : i32 to vector<16xi32>
      %eq3A_623 = arith.cmpi eq, %iota3A_620, %eq3A_622 : vector<16xi32>
      %and3A_624 = arith.andi %eq3A_623, %gt3A_610 : vector<16xi1>
      %jit3A_625 = arith.constant 1073741824 : i32
      %broadcast_in_dim3A_626 = vector.broadcast %jit3A_625 : i32 to vector<16xi32>
      %select_n3A_627 = arith.select %and3A_624, %broadcast_in_dim3A_626, %get3A_619 : vector<16xi1>, vector<16xi32>
      %swap3A_628 = arith.constant 48 : index
      %swap3A_629 = tpu.vector_load %arg6[%swap3A_628] {strides = array<i32>} : memref<128xi32, #tpu.memory_space<vmem>>, vector<16xi32>,
      %swap3A_630 = vector.shape_cast %swap3A_629 : vector<16xi32> to vector<16xi32>
      %swap3A_631 = vector.shape_cast %select_n3A_627 : vector<16xi32> to vector<16xi32>
      tpu.vector_store %arg6[%swap3A_628], %swap3A_631 {strides = array<i32>} : memref<128xi32, #tpu.memory_space<vmem>>, vector<16xi32>,
      %broadcast_in_dim3A_632 = arith.constant 0 : i32
      %broadcast_in_dim3A_633 = vector.broadcast %broadcast_in_dim3A_632 : i32 to vector<16xi32>
      %get3A_634 = arith.constant 0 : index
      %get3A_635 = tpu.vector_load %arg5[%get3A_634] {strides = array<i32>} : memref<128xi32, #tpu.memory_space<vmem>>, vector<16xi32>,
      %get3A_636 = vector.shape_cast %get3A_635 : vector<16xi32> to vector<16xi32>
      %eq3A_637 = arith.constant 444 : i32
      %eq3A_638 = vector.broadcast %eq3A_637 : i32 to vector<16xi32>
      %eq3A_639 = arith.cmpi eq, %get3A_636, %eq3A_638 : vector<16xi32>
      %lt3A_640 = arith.constant 50 : i32
      %lt3A_641 = vector.broadcast %lt3A_640 : i32 to vector<16xi32>
      %lt3A_642 = arith.cmpi slt, %add3A_175, %lt3A_641 : vector<16xi32>
      %and3A_643 = arith.andi %eq3A_639, %lt3A_642 : vector<16xi1>
      %jit3A_644 = arith.constant 1 : i32
      %jit3A_645 = arith.constant 0 : i32
      %broadcast_in_dim3A_646 = vector.broadcast %jit3A_644 : i32 to vector<16xi32>
      %broadcast_in_dim3A_647 = vector.broadcast %jit3A_645 : i32 to vector<16xi32>
      %select_n3A_648 = arith.select %and3A_643, %broadcast_in_dim3A_646, %broadcast_in_dim3A_647 : vector<16xi1>, vector<16xi32>
      %add3A_649 = arith.addi %broadcast_in_dim3A_633, %select_n3A_648 : vector<16xi32>
      %get3A_650 = arith.constant 16 : index
      %get3A_651 = tpu.vector_load %arg5[%get3A_650] {strides = array<i32>} : memref<128xi32, #tpu.memory_space<vmem>>, vector<16xi32>,
      %get3A_652 = vector.shape_cast %get3A_651 : vector<16xi32> to vector<16xi32>
      %eq3A_653 = arith.constant 444 : i32
      %eq3A_654 = vector.broadcast %eq3A_653 : i32 to vector<16xi32>
      %eq3A_655 = arith.cmpi eq, %get3A_652, %eq3A_654 : vector<16xi32>
      %lt3A_656 = arith.constant 50 : i32
      %lt3A_657 = vector.broadcast %lt3A_656 : i32 to vector<16xi32>
      %lt3A_658 = arith.cmpi slt, %add3A_179, %lt3A_657 : vector<16xi32>
      %and3A_659 = arith.andi %eq3A_655, %lt3A_658 : vector<16xi1>
      %jit3A_660 = arith.constant 1 : i32
      %jit3A_661 = arith.constant 0 : i32
      %broadcast_in_dim3A_662 = vector.broadcast %jit3A_660 : i32 to vector<16xi32>
      %broadcast_in_dim3A_663 = vector.broadcast %jit3A_661 : i32 to vector<16xi32>
      %select_n3A_664 = arith.select %and3A_659, %broadcast_in_dim3A_662, %broadcast_in_dim3A_663 : vector<16xi1>, vector<16xi32>
      %add3A_665 = arith.addi %add3A_649, %select_n3A_664 : vector<16xi32>
      %get3A_666 = arith.constant 32 : index
      %get3A_667 = tpu.vector_load %arg5[%get3A_666] {strides = array<i32>} : memref<128xi32, #tpu.memory_space<vmem>>, vector<16xi32>,
      %get3A_668 = vector.shape_cast %get3A_667 : vector<16xi32> to vector<16xi32>
      %eq3A_669 = arith.constant 444 : i32
      %eq3A_670 = vector.broadcast %eq3A_669 : i32 to vector<16xi32>
      %eq3A_671 = arith.cmpi eq, %get3A_668, %eq3A_670 : vector<16xi32>
      %lt3A_672 = arith.constant 50 : i32
      %lt3A_673 = vector.broadcast %lt3A_672 : i32 to vector<16xi32>
      %lt3A_674 = arith.cmpi slt, %add3A_183, %lt3A_673 : vector<16xi32>
      %and3A_675 = arith.andi %eq3A_671, %lt3A_674 : vector<16xi1>
      %jit3A_676 = arith.constant 1 : i32
      %jit3A_677 = arith.constant 0 : i32
      %broadcast_in_dim3A_678 = vector.broadcast %jit3A_676 : i32 to vector<16xi32>
      %broadcast_in_dim3A_679 = vector.broadcast %jit3A_677 : i32 to vector<16xi32>
      %select_n3A_680 = arith.select %and3A_675, %broadcast_in_dim3A_678, %broadcast_in_dim3A_679 : vector<16xi1>, vector<16xi32>
      %add3A_681 = arith.addi %add3A_665, %select_n3A_680 : vector<16xi32>
      %get3A_682 = arith.constant 48 : index
      %get3A_683 = tpu.vector_load %arg5[%get3A_682] {strides = array<i32>} : memref<128xi32, #tpu.memory_space<vmem>>, vector<16xi32>,
      %get3A_684 = vector.shape_cast %get3A_683 : vector<16xi32> to vector<16xi32>
      %eq3A_685 = arith.constant 444 : i32
      %eq3A_686 = vector.broadcast %eq3A_685 : i32 to vector<16xi32>
      %eq3A_687 = arith.cmpi eq, %get3A_684, %eq3A_686 : vector<16xi32>
      %lt3A_688 = arith.constant 50 : i32
      %lt3A_689 = vector.broadcast %lt3A_688 : i32 to vector<16xi32>
      %lt3A_690 = arith.cmpi slt, %add3A_187, %lt3A_689 : vector<16xi32>
      %and3A_691 = arith.andi %eq3A_687, %lt3A_690 : vector<16xi1>
      %jit3A_692 = arith.constant 1 : i32
      %jit3A_693 = arith.constant 0 : i32
      %broadcast_in_dim3A_694 = vector.broadcast %jit3A_692 : i32 to vector<16xi32>
      %broadcast_in_dim3A_695 = vector.broadcast %jit3A_693 : i32 to vector<16xi32>
      %select_n3A_696 = arith.select %and3A_691, %broadcast_in_dim3A_694, %broadcast_in_dim3A_695 : vector<16xi1>, vector<16xi32>
      %add3A_697 = arith.addi %add3A_681, %select_n3A_696 : vector<16xi32>
      %iota3A_698 = tpu.iota {dimensions = array<i32: 0>} : vector<16xi32>
      %add3A_699 = arith.constant 8 : i32
      %add3A_700 = vector.broadcast %add3A_699 : i32 to vector<16xi32>
      %add3A_701 = arith.addi %iota3A_698, %add3A_700 : vector<16xi32>
      %jit3A_702 = arith.constant 16 : i32
      %eq3A_703 = arith.constant 0 : i32
      %eq3A_704 = arith.cmpi eq, %jit3A_702, %eq3A_703 : i32
      %jit3A_705 = arith.constant 1 : i32
      %select_n3A_706 = arith.select %eq3A_704, %jit3A_705, %jit3A_702 : i32
      %rem3A_707 = vector.broadcast %select_n3A_706 : i32 to vector<16xi32>
      %rem3A_708 = arith.remsi %add3A_701, %rem3A_707 : vector<16xi32>
      %ne3A_709 = arith.constant 0 : i32
      %ne3A_710 = vector.broadcast %ne3A_709 : i32 to vector<16xi32>
      %ne3A_711 = arith.cmpi ne, %rem3A_708, %ne3A_710 : vector<16xi32>
      %lt3A_712 = arith.constant 0 : i32
      %lt3A_713 = vector.broadcast %lt3A_712 : i32 to vector<16xi32>
      %lt3A_714 = arith.cmpi slt, %rem3A_708, %lt3A_713 : vector<16xi32>
      %lt3A_715 = arith.constant 0 : i32
      %lt3A_716 = arith.cmpi slt, %select_n3A_706, %lt3A_715 : i32
      %ne3A_717 = vector.broadcast %lt3A_716 : i1 to vector<16xi1>
      %ne3A_718 = vector.broadcast %ne3A_717 : vector<16xi1> to vector<16xi1>
      %ne3A_719 = arith.xori %lt3A_714, %ne3A_718 : vector<16xi1>
      %and3A_720 = arith.andi %ne3A_719, %ne3A_711 : vector<16xi1>
      %add3A_721 = vector.broadcast %select_n3A_706 : i32 to vector<16xi32>
      %add3A_722 = arith.addi %rem3A_708, %add3A_721 : vector<16xi32>
      %select_n3A_723 = arith.select %and3A_720, %add3A_722, %rem3A_708 : vector<16xi1>, vector<16xi32>
      %broadcast_in_dim3A_724 = vector.shape_cast %select_n3A_723 : vector<16xi32> to vector<16x1xi32>
      %gather3A_725 = vector.shape_cast %broadcast_in_dim3A_724 : vector<16x1xi32> to vector<16xi32>
      %gather3A_726 = tpu.dynamic_gather %add3A_697[%gather3A_725] in [0] : vector<16xi32>, vector<16xi32> -> vector<16xi32>
      %add3A_727 = arith.addi %add3A_697, %gather3A_726 : vector<16xi32>
      %iota3A_728 = tpu.iota {dimensions = array<i32: 0>} : vector<16xi32>
      %add3A_729 = arith.constant 4 : i32
      %add3A_730 = vector.broadcast %add3A_729 : i32 to vector<16xi32>
      %add3A_731 = arith.addi %iota3A_728, %add3A_730 : vector<16xi32>
      %jit3A_732 = arith.constant 16 : i32
      %eq3A_733 = arith.constant 0 : i32
      %eq3A_734 = arith.cmpi eq, %jit3A_732, %eq3A_733 : i32
      %jit3A_735 = arith.constant 1 : i32
      %select_n3A_736 = arith.select %eq3A_734, %jit3A_735, %jit3A_732 : i32
      %rem3A_737 = vector.broadcast %select_n3A_736 : i32 to vector<16xi32>
      %rem3A_738 = arith.remsi %add3A_731, %rem3A_737 : vector<16xi32>
      %ne3A_739 = arith.constant 0 : i32
      %ne3A_740 = vector.broadcast %ne3A_739 : i32 to vector<16xi32>
      %ne3A_741 = arith.cmpi ne, %rem3A_738, %ne3A_740 : vector<16xi32>
      %lt3A_742 = arith.constant 0 : i32
      %lt3A_743 = vector.broadcast %lt3A_742 : i32 to vector<16xi32>
      %lt3A_744 = arith.cmpi slt, %rem3A_738, %lt3A_743 : vector<16xi32>
      %lt3A_745 = arith.constant 0 : i32
      %lt3A_746 = arith.cmpi slt, %select_n3A_736, %lt3A_745 : i32
      %ne3A_747 = vector.broadcast %lt3A_746 : i1 to vector<16xi1>
      %ne3A_748 = vector.broadcast %ne3A_747 : vector<16xi1> to vector<16xi1>
      %ne3A_749 = arith.xori %lt3A_744, %ne3A_748 : vector<16xi1>
      %and3A_750 = arith.andi %ne3A_749, %ne3A_741 : vector<16xi1>
      %add3A_751 = vector.broadcast %select_n3A_736 : i32 to vector<16xi32>
      %add3A_752 = arith.addi %rem3A_738, %add3A_751 : vector<16xi32>
      %select_n3A_753 = arith.select %and3A_750, %add3A_752, %rem3A_738 : vector<16xi1>, vector<16xi32>
      %broadcast_in_dim3A_754 = vector.shape_cast %select_n3A_753 : vector<16xi32> to vector<16x1xi32>
      %gather3A_755 = vector.shape_cast %broadcast_in_dim3A_754 : vector<16x1xi32> to vector<16xi32>
      %gather3A_756 = tpu.dynamic_gather %add3A_727[%gather3A_755] in [0] : vector<16xi32>, vector<16xi32> -> vector<16xi32>
      %add3A_757 = arith.addi %add3A_727, %gather3A_756 : vector<16xi32>
      %iota3A_758 = tpu.iota {dimensions = array<i32: 0>} : vector<16xi32>
      %add3A_759 = arith.constant 2 : i32
      %add3A_760 = vector.broadcast %add3A_759 : i32 to vector<16xi32>
      %add3A_761 = arith.addi %iota3A_758, %add3A_760 : vector<16xi32>
      %jit3A_762 = arith.constant 16 : i32
      %eq3A_763 = arith.constant 0 : i32
      %eq3A_764 = arith.cmpi eq, %jit3A_762, %eq3A_763 : i32
      %jit3A_765 = arith.constant 1 : i32
      %select_n3A_766 = arith.select %eq3A_764, %jit3A_765, %jit3A_762 : i32
      %rem3A_767 = vector.broadcast %select_n3A_766 : i32 to vector<16xi32>
      %rem3A_768 = arith.remsi %add3A_761, %rem3A_767 : vector<16xi32>
      %ne3A_769 = arith.constant 0 : i32
      %ne3A_770 = vector.broadcast %ne3A_769 : i32 to vector<16xi32>
      %ne3A_771 = arith.cmpi ne, %rem3A_768, %ne3A_770 : vector<16xi32>
      %lt3A_772 = arith.constant 0 : i32
      %lt3A_773 = vector.broadcast %lt3A_772 : i32 to vector<16xi32>
      %lt3A_774 = arith.cmpi slt, %rem3A_768, %lt3A_773 : vector<16xi32>
      %lt3A_775 = arith.constant 0 : i32
      %lt3A_776 = arith.cmpi slt, %select_n3A_766, %lt3A_775 : i32
      %ne3A_777 = vector.broadcast %lt3A_776 : i1 to vector<16xi1>
      %ne3A_778 = vector.broadcast %ne3A_777 : vector<16xi1> to vector<16xi1>
      %ne3A_779 = arith.xori %lt3A_774, %ne3A_778 : vector<16xi1>
      %and3A_780 = arith.andi %ne3A_779, %ne3A_771 : vector<16xi1>
      %add3A_781 = vector.broadcast %select_n3A_766 : i32 to vector<16xi32>
      %add3A_782 = arith.addi %rem3A_768, %add3A_781 : vector<16xi32>
      %select_n3A_783 = arith.select %and3A_780, %add3A_782, %rem3A_768 : vector<16xi1>, vector<16xi32>
      %broadcast_in_dim3A_784 = vector.shape_cast %select_n3A_783 : vector<16xi32> to vector<16x1xi32>
      %gather3A_785 = vector.shape_cast %broadcast_in_dim3A_784 : vector<16x1xi32> to vector<16xi32>
      %gather3A_786 = tpu.dynamic_gather %add3A_757[%gather3A_785] in [0] : vector<16xi32>, vector<16xi32> -> vector<16xi32>
      %add3A_787 = arith.addi %add3A_757, %gather3A_786 : vector<16xi32>
      %iota3A_788 = tpu.iota {dimensions = array<i32: 0>} : vector<16xi32>
      %add3A_789 = arith.constant 1 : i32
      %add3A_790 = vector.broadcast %add3A_789 : i32 to vector<16xi32>
      %add3A_791 = arith.addi %iota3A_788, %add3A_790 : vector<16xi32>
      %jit3A_792 = arith.constant 16 : i32
      %eq3A_793 = arith.constant 0 : i32
      %eq3A_794 = arith.cmpi eq, %jit3A_792, %eq3A_793 : i32
      %jit3A_795 = arith.constant 1 : i32
      %select_n3A_796 = arith.select %eq3A_794, %jit3A_795, %jit3A_792 : i32
      %rem3A_797 = vector.broadcast %select_n3A_796 : i32 to vector<16xi32>
      %rem3A_798 = arith.remsi %add3A_791, %rem3A_797 : vector<16xi32>
      %ne3A_799 = arith.constant 0 : i32
      %ne3A_800 = vector.broadcast %ne3A_799 : i32 to vector<16xi32>
      %ne3A_801 = arith.cmpi ne, %rem3A_798, %ne3A_800 : vector<16xi32>
      %lt3A_802 = arith.constant 0 : i32
      %lt3A_803 = vector.broadcast %lt3A_802 : i32 to vector<16xi32>
      %lt3A_804 = arith.cmpi slt, %rem3A_798, %lt3A_803 : vector<16xi32>
      %lt3A_805 = arith.constant 0 : i32
      %lt3A_806 = arith.cmpi slt, %select_n3A_796, %lt3A_805 : i32
      %ne3A_807 = vector.broadcast %lt3A_806 : i1 to vector<16xi1>
      %ne3A_808 = vector.broadcast %ne3A_807 : vector<16xi1> to vector<16xi1>
      %ne3A_809 = arith.xori %lt3A_804, %ne3A_808 : vector<16xi1>
      %and3A_810 = arith.andi %ne3A_809, %ne3A_801 : vector<16xi1>
      %add3A_811 = vector.broadcast %select_n3A_796 : i32 to vector<16xi32>
      %add3A_812 = arith.addi %rem3A_798, %add3A_811 : vector<16xi32>
      %select_n3A_813 = arith.select %and3A_810, %add3A_812, %rem3A_798 : vector<16xi1>, vector<16xi32>
      %broadcast_in_dim3A_814 = vector.shape_cast %select_n3A_813 : vector<16xi32> to vector<16x1xi32>
      %gather3A_815 = vector.shape_cast %broadcast_in_dim3A_814 : vector<16x1xi32> to vector<16xi32>
      %gather3A_816 = tpu.dynamic_gather %add3A_787[%gather3A_815] in [0] : vector<16xi32>, vector<16xi32> -> vector<16xi32>
      %add3A_817 = arith.addi %add3A_787, %gather3A_816 : vector<16xi32>
      %gt3A_818 = arith.constant 0 : i32
      %gt3A_819 = vector.broadcast %gt3A_818 : i32 to vector<16xi32>
      %gt3A_820 = arith.cmpi sgt, %add3A_817, %gt3A_819 : vector<16xi32>
      %jit3A_821 = arith.constant 1 : i32
      %jit3A_822 = arith.constant 0 : i32
      %broadcast_in_dim3A_823 = vector.broadcast %jit3A_821 : i32 to vector<16xi32>
      %broadcast_in_dim3A_824 = vector.broadcast %jit3A_822 : i32 to vector<16xi32>
      %select_n3A_825 = arith.select %gt3A_820, %broadcast_in_dim3A_823, %broadcast_in_dim3A_824 : vector<16xi1>, vector<16xi32>
      %add3A_826 = arith.addi %add3A_616, %select_n3A_825 : vector<16xi32>
      %get3A_827 = arith.constant 48 : index
      %get3A_828 = tpu.vector_load %arg6[%get3A_827] {strides = array<i32>} : memref<128xi32, #tpu.memory_space<vmem>>, vector<16xi32>,
      %get3A_829 = vector.shape_cast %get3A_828 : vector<16xi32> to vector<16xi32>
      %iota3A_830 = tpu.iota {dimensions = array<i32: 0>} : vector<16xi32>
      %eq3A_831 = arith.constant 4 : i32
      %eq3A_832 = vector.broadcast %eq3A_831 : i32 to vector<16xi32>
      %eq3A_833 = arith.cmpi eq, %iota3A_830, %eq3A_832 : vector<16xi32>
      %and3A_834 = arith.andi %eq3A_833, %gt3A_820 : vector<16xi1>
      %jit3A_835 = arith.constant 1073741824 : i32
      %broadcast_in_dim3A_836 = vector.broadcast %jit3A_835 : i32 to vector<16xi32>
      %select_n3A_837 = arith.select %and3A_834, %broadcast_in_dim3A_836, %get3A_829 : vector<16xi1>, vector<16xi32>
      %swap3A_838 = arith.constant 48 : index
      %swap3A_839 = tpu.vector_load %arg6[%swap3A_838] {strides = array<i32>} : memref<128xi32, #tpu.memory_space<vmem>>, vector<16xi32>,
      %swap3A_840 = vector.shape_cast %swap3A_839 : vector<16xi32> to vector<16xi32>
      %swap3A_841 = vector.shape_cast %select_n3A_837 : vector<16xi32> to vector<16xi32>
      tpu.vector_store %arg6[%swap3A_838], %swap3A_841 {strides = array<i32>} : memref<128xi32, #tpu.memory_space<vmem>>, vector<16xi32>,
      %broadcast_in_dim3A_842 = arith.constant 0 : i32
      %broadcast_in_dim3A_843 = vector.broadcast %broadcast_in_dim3A_842 : i32 to vector<16xi32>
      %get3A_844 = arith.constant 0 : index
      %get3A_845 = tpu.vector_load %arg5[%get3A_844] {strides = array<i32>} : memref<128xi32, #tpu.memory_space<vmem>>, vector<16xi32>,
      %get3A_846 = vector.shape_cast %get3A_845 : vector<16xi32> to vector<16xi32>
      %eq3A_847 = arith.constant 556 : i32
      %eq3A_848 = vector.broadcast %eq3A_847 : i32 to vector<16xi32>
      %eq3A_849 = arith.cmpi eq, %get3A_846, %eq3A_848 : vector<16xi32>
      %lt3A_850 = arith.constant 50 : i32
      %lt3A_851 = vector.broadcast %lt3A_850 : i32 to vector<16xi32>
      %lt3A_852 = arith.cmpi slt, %add3A_175, %lt3A_851 : vector<16xi32>
      %and3A_853 = arith.andi %eq3A_849, %lt3A_852 : vector<16xi1>
      %jit3A_854 = arith.constant 1 : i32
      %jit3A_855 = arith.constant 0 : i32
      %broadcast_in_dim3A_856 = vector.broadcast %jit3A_854 : i32 to vector<16xi32>
      %broadcast_in_dim3A_857 = vector.broadcast %jit3A_855 : i32 to vector<16xi32>
      %select_n3A_858 = arith.select %and3A_853, %broadcast_in_dim3A_856, %broadcast_in_dim3A_857 : vector<16xi1>, vector<16xi32>
      %add3A_859 = arith.addi %broadcast_in_dim3A_843, %select_n3A_858 : vector<16xi32>
      %get3A_860 = arith.constant 16 : index
      %get3A_861 = tpu.vector_load %arg5[%get3A_860] {strides = array<i32>} : memref<128xi32, #tpu.memory_space<vmem>>, vector<16xi32>,
      %get3A_862 = vector.shape_cast %get3A_861 : vector<16xi32> to vector<16xi32>
      %eq3A_863 = arith.constant 556 : i32
      %eq3A_864 = vector.broadcast %eq3A_863 : i32 to vector<16xi32>
      %eq3A_865 = arith.cmpi eq, %get3A_862, %eq3A_864 : vector<16xi32>
      %lt3A_866 = arith.constant 50 : i32
      %lt3A_867 = vector.broadcast %lt3A_866 : i32 to vector<16xi32>
      %lt3A_868 = arith.cmpi slt, %add3A_179, %lt3A_867 : vector<16xi32>
      %and3A_869 = arith.andi %eq3A_865, %lt3A_868 : vector<16xi1>
      %jit3A_870 = arith.constant 1 : i32
      %jit3A_871 = arith.constant 0 : i32
      %broadcast_in_dim3A_872 = vector.broadcast %jit3A_870 : i32 to vector<16xi32>
      %broadcast_in_dim3A_873 = vector.broadcast %jit3A_871 : i32 to vector<16xi32>
      %select_n3A_874 = arith.select %and3A_869, %broadcast_in_dim3A_872, %broadcast_in_dim3A_873 : vector<16xi1>, vector<16xi32>
      %add3A_875 = arith.addi %add3A_859, %select_n3A_874 : vector<16xi32>
      %get3A_876 = arith.constant 32 : index
      %get3A_877 = tpu.vector_load %arg5[%get3A_876] {strides = array<i32>} : memref<128xi32, #tpu.memory_space<vmem>>, vector<16xi32>,
      %get3A_878 = vector.shape_cast %get3A_877 : vector<16xi32> to vector<16xi32>
      %eq3A_879 = arith.constant 556 : i32
      %eq3A_880 = vector.broadcast %eq3A_879 : i32 to vector<16xi32>
      %eq3A_881 = arith.cmpi eq, %get3A_878, %eq3A_880 : vector<16xi32>
      %lt3A_882 = arith.constant 50 : i32
      %lt3A_883 = vector.broadcast %lt3A_882 : i32 to vector<16xi32>
      %lt3A_884 = arith.cmpi slt, %add3A_183, %lt3A_883 : vector<16xi32>
      %and3A_885 = arith.andi %eq3A_881, %lt3A_884 : vector<16xi1>
      %jit3A_886 = arith.constant 1 : i32
      %jit3A_887 = arith.constant 0 : i32
      %broadcast_in_dim3A_888 = vector.broadcast %jit3A_886 : i32 to vector<16xi32>
      %broadcast_in_dim3A_889 = vector.broadcast %jit3A_887 : i32 to vector<16xi32>
      %select_n3A_890 = arith.select %and3A_885, %broadcast_in_dim3A_888, %broadcast_in_dim3A_889 : vector<16xi1>, vector<16xi32>
      %add3A_891 = arith.addi %add3A_875, %select_n3A_890 : vector<16xi32>
      %get3A_892 = arith.constant 48 : index
      %get3A_893 = tpu.vector_load %arg5[%get3A_892] {strides = array<i32>} : memref<128xi32, #tpu.memory_space<vmem>>, vector<16xi32>,
      %get3A_894 = vector.shape_cast %get3A_893 : vector<16xi32> to vector<16xi32>
      %eq3A_895 = arith.constant 556 : i32
      %eq3A_896 = vector.broadcast %eq3A_895 : i32 to vector<16xi32>
      %eq3A_897 = arith.cmpi eq, %get3A_894, %eq3A_896 : vector<16xi32>
      %lt3A_898 = arith.constant 50 : i32
      %lt3A_899 = vector.broadcast %lt3A_898 : i32 to vector<16xi32>
      %lt3A_900 = arith.cmpi slt, %add3A_187, %lt3A_899 : vector<16xi32>
      %and3A_901 = arith.andi %eq3A_897, %lt3A_900 : vector<16xi1>
      %jit3A_902 = arith.constant 1 : i32
      %jit3A_903 = arith.constant 0 : i32
      %broadcast_in_dim3A_904 = vector.broadcast %jit3A_902 : i32 to vector<16xi32>
      %broadcast_in_dim3A_905 = vector.broadcast %jit3A_903 : i32 to vector<16xi32>
      %select_n3A_906 = arith.select %and3A_901, %broadcast_in_dim3A_904, %broadcast_in_dim3A_905 : vector<16xi1>, vector<16xi32>
      %add3A_907 = arith.addi %add3A_891, %select_n3A_906 : vector<16xi32>
      %iota3A_908 = tpu.iota {dimensions = array<i32: 0>} : vector<16xi32>
      %add3A_909 = arith.constant 8 : i32
      %add3A_910 = vector.broadcast %add3A_909 : i32 to vector<16xi32>
      %add3A_911 = arith.addi %iota3A_908, %add3A_910 : vector<16xi32>
      %jit3A_912 = arith.constant 16 : i32
      %eq3A_913 = arith.constant 0 : i32
      %eq3A_914 = arith.cmpi eq, %jit3A_912, %eq3A_913 : i32
      %jit3A_915 = arith.constant 1 : i32
      %select_n3A_916 = arith.select %eq3A_914, %jit3A_915, %jit3A_912 : i32
      %rem3A_917 = vector.broadcast %select_n3A_916 : i32 to vector<16xi32>
      %rem3A_918 = arith.remsi %add3A_911, %rem3A_917 : vector<16xi32>
      %ne3A_919 = arith.constant 0 : i32
      %ne3A_920 = vector.broadcast %ne3A_919 : i32 to vector<16xi32>
      %ne3A_921 = arith.cmpi ne, %rem3A_918, %ne3A_920 : vector<16xi32>
      %lt3A_922 = arith.constant 0 : i32
      %lt3A_923 = vector.broadcast %lt3A_922 : i32 to vector<16xi32>
      %lt3A_924 = arith.cmpi slt, %rem3A_918, %lt3A_923 : vector<16xi32>
      %lt3A_925 = arith.constant 0 : i32
      %lt3A_926 = arith.cmpi slt, %select_n3A_916, %lt3A_925 : i32
      %ne3A_927 = vector.broadcast %lt3A_926 : i1 to vector<16xi1>
      %ne3A_928 = vector.broadcast %ne3A_927 : vector<16xi1> to vector<16xi1>
      %ne3A_929 = arith.xori %lt3A_924, %ne3A_928 : vector<16xi1>
      %and3A_930 = arith.andi %ne3A_929, %ne3A_921 : vector<16xi1>
      %add3A_931 = vector.broadcast %select_n3A_916 : i32 to vector<16xi32>
      %add3A_932 = arith.addi %rem3A_918, %add3A_931 : vector<16xi32>
      %select_n3A_933 = arith.select %and3A_930, %add3A_932, %rem3A_918 : vector<16xi1>, vector<16xi32>
      %broadcast_in_dim3A_934 = vector.shape_cast %select_n3A_933 : vector<16xi32> to vector<16x1xi32>
      %gather3A_935 = vector.shape_cast %broadcast_in_dim3A_934 : vector<16x1xi32> to vector<16xi32>
      %gather3A_936 = tpu.dynamic_gather %add3A_907[%gather3A_935] in [0] : vector<16xi32>, vector<16xi32> -> vector<16xi32>
      %add3A_937 = arith.addi %add3A_907, %gather3A_936 : vector<16xi32>
      %iota3A_938 = tpu.iota {dimensions = array<i32: 0>} : vector<16xi32>
      %add3A_939 = arith.constant 4 : i32
      %add3A_940 = vector.broadcast %add3A_939 : i32 to vector<16xi32>
      %add3A_941 = arith.addi %iota3A_938, %add3A_940 : vector<16xi32>
      %jit3A_942 = arith.constant 16 : i32
      %eq3A_943 = arith.constant 0 : i32
      %eq3A_944 = arith.cmpi eq, %jit3A_942, %eq3A_943 : i32
      %jit3A_945 = arith.constant 1 : i32
      %select_n3A_946 = arith.select %eq3A_944, %jit3A_945, %jit3A_942 : i32
      %rem3A_947 = vector.broadcast %select_n3A_946 : i32 to vector<16xi32>
      %rem3A_948 = arith.remsi %add3A_941, %rem3A_947 : vector<16xi32>
      %ne3A_949 = arith.constant 0 : i32
      %ne3A_950 = vector.broadcast %ne3A_949 : i32 to vector<16xi32>
      %ne3A_951 = arith.cmpi ne, %rem3A_948, %ne3A_950 : vector<16xi32>
      %lt3A_952 = arith.constant 0 : i32
      %lt3A_953 = vector.broadcast %lt3A_952 : i32 to vector<16xi32>
      %lt3A_954 = arith.cmpi slt, %rem3A_948, %lt3A_953 : vector<16xi32>
      %lt3A_955 = arith.constant 0 : i32
      %lt3A_956 = arith.cmpi slt, %select_n3A_946, %lt3A_955 : i32
      %ne3A_957 = vector.broadcast %lt3A_956 : i1 to vector<16xi1>
      %ne3A_958 = vector.broadcast %ne3A_957 : vector<16xi1> to vector<16xi1>
      %ne3A_959 = arith.xori %lt3A_954, %ne3A_958 : vector<16xi1>
      %and3A_960 = arith.andi %ne3A_959, %ne3A_951 : vector<16xi1>
      %add3A_961 = vector.broadcast %select_n3A_946 : i32 to vector<16xi32>
      %add3A_962 = arith.addi %rem3A_948, %add3A_961 : vector<16xi32>
      %select_n3A_963 = arith.select %and3A_960, %add3A_962, %rem3A_948 : vector<16xi1>, vector<16xi32>
      %broadcast_in_dim3A_964 = vector.shape_cast %select_n3A_963 : vector<16xi32> to vector<16x1xi32>
      %gather3A_965 = vector.shape_cast %broadcast_in_dim3A_964 : vector<16x1xi32> to vector<16xi32>
      %gather3A_966 = tpu.dynamic_gather %add3A_937[%gather3A_965] in [0] : vector<16xi32>, vector<16xi32> -> vector<16xi32>
      %add3A_967 = arith.addi %add3A_937, %gather3A_966 : vector<16xi32>
      %iota3A_968 = tpu.iota {dimensions = array<i32: 0>} : vector<16xi32>
      %add3A_969 = arith.constant 2 : i32
      %add3A_970 = vector.broadcast %add3A_969 : i32 to vector<16xi32>
      %add3A_971 = arith.addi %iota3A_968, %add3A_970 : vector<16xi32>
      %jit3A_972 = arith.constant 16 : i32
      %eq3A_973 = arith.constant 0 : i32
      %eq3A_974 = arith.cmpi eq, %jit3A_972, %eq3A_973 : i32
      %jit3A_975 = arith.constant 1 : i32
      %select_n3A_976 = arith.select %eq3A_974, %jit3A_975, %jit3A_972 : i32
      %rem3A_977 = vector.broadcast %select_n3A_976 : i32 to vector<16xi32>
      %rem3A_978 = arith.remsi %add3A_971, %rem3A_977 : vector<16xi32>
      %ne3A_979 = arith.constant 0 : i32
      %ne3A_980 = vector.broadcast %ne3A_979 : i32 to vector<16xi32>
      %ne3A_981 = arith.cmpi ne, %rem3A_978, %ne3A_980 : vector<16xi32>
      %lt3A_982 = arith.constant 0 : i32
      %lt3A_983 = vector.broadcast %lt3A_982 : i32 to vector<16xi32>
      %lt3A_984 = arith.cmpi slt, %rem3A_978, %lt3A_983 : vector<16xi32>
      %lt3A_985 = arith.constant 0 : i32
      %lt3A_986 = arith.cmpi slt, %select_n3A_976, %lt3A_985 : i32
      %ne3A_987 = vector.broadcast %lt3A_986 : i1 to vector<16xi1>
      %ne3A_988 = vector.broadcast %ne3A_987 : vector<16xi1> to vector<16xi1>
      %ne3A_989 = arith.xori %lt3A_984, %ne3A_988 : vector<16xi1>
      %and3A_990 = arith.andi %ne3A_989, %ne3A_981 : vector<16xi1>
      %add3A_991 = vector.broadcast %select_n3A_976 : i32 to vector<16xi32>
      %add3A_992 = arith.addi %rem3A_978, %add3A_991 : vector<16xi32>
      %select_n3A_993 = arith.select %and3A_990, %add3A_992, %rem3A_978 : vector<16xi1>, vector<16xi32>
      %broadcast_in_dim3A_994 = vector.shape_cast %select_n3A_993 : vector<16xi32> to vector<16x1xi32>
      %gather3A_995 = vector.shape_cast %broadcast_in_dim3A_994 : vector<16x1xi32> to vector<16xi32>
      %gather3A_996 = tpu.dynamic_gather %add3A_967[%gather3A_995] in [0] : vector<16xi32>, vector<16xi32> -> vector<16xi32>
      %add3A_997 = arith.addi %add3A_967, %gather3A_996 : vector<16xi32>
      %iota3A_998 = tpu.iota {dimensions = array<i32: 0>} : vector<16xi32>
      %add3A_999 = arith.constant 1 : i32
      %add3A_1000 = vector.broadcast %add3A_999 : i32 to vector<16xi32>
      %add3A_1001 = arith.addi %iota3A_998, %add3A_1000 : vector<16xi32>
      %jit3A_1002 = arith.constant 16 : i32
      %eq3A_1003 = arith.constant 0 : i32
      %eq3A_1004 = arith.cmpi eq, %jit3A_1002, %eq3A_1003 : i32
      %jit3A_1005 = arith.constant 1 : i32
      %select_n3A_1006 = arith.select %eq3A_1004, %jit3A_1005, %jit3A_1002 : i32
      %rem3A_1007 = vector.broadcast %select_n3A_1006 : i32 to vector<16xi32>
      %rem3A_1008 = arith.remsi %add3A_1001, %rem3A_1007 : vector<16xi32>
      %ne3A_1009 = arith.constant 0 : i32
      %ne3A_1010 = vector.broadcast %ne3A_1009 : i32 to vector<16xi32>
      %ne3A_1011 = arith.cmpi ne, %rem3A_1008, %ne3A_1010 : vector<16xi32>
      %lt3A_1012 = arith.constant 0 : i32
      %lt3A_1013 = vector.broadcast %lt3A_1012 : i32 to vector<16xi32>
      %lt3A_1014 = arith.cmpi slt, %rem3A_1008, %lt3A_1013 : vector<16xi32>
      %lt3A_1015 = arith.constant 0 : i32
      %lt3A_1016 = arith.cmpi slt, %select_n3A_1006, %lt3A_1015 : i32
      %ne3A_1017 = vector.broadcast %lt3A_1016 : i1 to vector<16xi1>
      %ne3A_1018 = vector.broadcast %ne3A_1017 : vector<16xi1> to vector<16xi1>
      %ne3A_1019 = arith.xori %lt3A_1014, %ne3A_1018 : vector<16xi1>
      %and3A_1020 = arith.andi %ne3A_1019, %ne3A_1011 : vector<16xi1>
      %add3A_1021 = vector.broadcast %select_n3A_1006 : i32 to vector<16xi32>
      %add3A_1022 = arith.addi %rem3A_1008, %add3A_1021 : vector<16xi32>
      %select_n3A_1023 = arith.select %and3A_1020, %add3A_1022, %rem3A_1008 : vector<16xi1>, vector<16xi32>
      %broadcast_in_dim3A_1024 = vector.shape_cast %select_n3A_1023 : vector<16xi32> to vector<16x1xi32>
      %gather3A_1025 = vector.shape_cast %broadcast_in_dim3A_1024 : vector<16x1xi32> to vector<16xi32>
      %gather3A_1026 = tpu.dynamic_gather %add3A_997[%gather3A_1025] in [0] : vector<16xi32>, vector<16xi32> -> vector<16xi32>
      %add3A_1027 = arith.addi %add3A_997, %gather3A_1026 : vector<16xi32>
      %gt3A_1028 = arith.constant 0 : i32
      %gt3A_1029 = vector.broadcast %gt3A_1028 : i32 to vector<16xi32>
      %gt3A_1030 = arith.cmpi sgt, %add3A_1027, %gt3A_1029 : vector<16xi32>
      %jit3A_1031 = arith.constant 1 : i32
      %jit3A_1032 = arith.constant 0 : i32
      %broadcast_in_dim3A_1033 = vector.broadcast %jit3A_1031 : i32 to vector<16xi32>
      %broadcast_in_dim3A_1034 = vector.broadcast %jit3A_1032 : i32 to vector<16xi32>
      %select_n3A_1035 = arith.select %gt3A_1030, %broadcast_in_dim3A_1033, %broadcast_in_dim3A_1034 : vector<16xi1>, vector<16xi32>
      %add3A_1036 = arith.addi %add3A_826, %select_n3A_1035 : vector<16xi32>
      %get3A_1037 = arith.constant 48 : index
      %get3A_1038 = tpu.vector_load %arg6[%get3A_1037] {strides = array<i32>} : memref<128xi32, #tpu.memory_space<vmem>>, vector<16xi32>,
      %get3A_1039 = vector.shape_cast %get3A_1038 : vector<16xi32> to vector<16xi32>
      %iota3A_1040 = tpu.iota {dimensions = array<i32: 0>} : vector<16xi32>
      %eq3A_1041 = arith.constant 5 : i32
      %eq3A_1042 = vector.broadcast %eq3A_1041 : i32 to vector<16xi32>
      %eq3A_1043 = arith.cmpi eq, %iota3A_1040, %eq3A_1042 : vector<16xi32>
      %and3A_1044 = arith.andi %eq3A_1043, %gt3A_1030 : vector<16xi1>
      %jit3A_1045 = arith.constant 1073741824 : i32
      %broadcast_in_dim3A_1046 = vector.broadcast %jit3A_1045 : i32 to vector<16xi32>
      %select_n3A_1047 = arith.select %and3A_1044, %broadcast_in_dim3A_1046, %get3A_1039 : vector<16xi1>, vector<16xi32>
      %swap3A_1048 = arith.constant 48 : index
      %swap3A_1049 = tpu.vector_load %arg6[%swap3A_1048] {strides = array<i32>} : memref<128xi32, #tpu.memory_space<vmem>>, vector<16xi32>,
      %swap3A_1050 = vector.shape_cast %swap3A_1049 : vector<16xi32> to vector<16xi32>
      %swap3A_1051 = vector.shape_cast %select_n3A_1047 : vector<16xi32> to vector<16xi32>
      tpu.vector_store %arg6[%swap3A_1048], %swap3A_1051 {strides = array<i32>} : memref<128xi32, #tpu.memory_space<vmem>>, vector<16xi32>,
      %broadcast_in_dim3A_1052 = arith.constant 0 : i32
      %broadcast_in_dim3A_1053 = vector.broadcast %broadcast_in_dim3A_1052 : i32 to vector<16xi32>
      %get3A_1054 = arith.constant 0 : index
      %get3A_1055 = tpu.vector_load %arg5[%get3A_1054] {strides = array<i32>} : memref<128xi32, #tpu.memory_space<vmem>>, vector<16xi32>,
      %get3A_1056 = vector.shape_cast %get3A_1055 : vector<16xi32> to vector<16xi32>
      %eq3A_1057 = arith.constant 673 : i32
      %eq3A_1058 = vector.broadcast %eq3A_1057 : i32 to vector<16xi32>
      %eq3A_1059 = arith.cmpi eq, %get3A_1056, %eq3A_1058 : vector<16xi32>
      %lt3A_1060 = arith.constant 50 : i32
      %lt3A_1061 = vector.broadcast %lt3A_1060 : i32 to vector<16xi32>
      %lt3A_1062 = arith.cmpi slt, %add3A_175, %lt3A_1061 : vector<16xi32>
      %and3A_1063 = arith.andi %eq3A_1059, %lt3A_1062 : vector<16xi1>
      %jit3A_1064 = arith.constant 1 : i32
      %jit3A_1065 = arith.constant 0 : i32
      %broadcast_in_dim3A_1066 = vector.broadcast %jit3A_1064 : i32 to vector<16xi32>
      %broadcast_in_dim3A_1067 = vector.broadcast %jit3A_1065 : i32 to vector<16xi32>
      %select_n3A_1068 = arith.select %and3A_1063, %broadcast_in_dim3A_1066, %broadcast_in_dim3A_1067 : vector<16xi1>, vector<16xi32>
      %add3A_1069 = arith.addi %broadcast_in_dim3A_1053, %select_n3A_1068 : vector<16xi32>
      %get3A_1070 = arith.constant 16 : index
      %get3A_1071 = tpu.vector_load %arg5[%get3A_1070] {strides = array<i32>} : memref<128xi32, #tpu.memory_space<vmem>>, vector<16xi32>,
      %get3A_1072 = vector.shape_cast %get3A_1071 : vector<16xi32> to vector<16xi32>
      %eq3A_1073 = arith.constant 673 : i32
      %eq3A_1074 = vector.broadcast %eq3A_1073 : i32 to vector<16xi32>
      %eq3A_1075 = arith.cmpi eq, %get3A_1072, %eq3A_1074 : vector<16xi32>
      %lt3A_1076 = arith.constant 50 : i32
      %lt3A_1077 = vector.broadcast %lt3A_1076 : i32 to vector<16xi32>
      %lt3A_1078 = arith.cmpi slt, %add3A_179, %lt3A_1077 : vector<16xi32>
      %and3A_1079 = arith.andi %eq3A_1075, %lt3A_1078 : vector<16xi1>
      %jit3A_1080 = arith.constant 1 : i32
      %jit3A_1081 = arith.constant 0 : i32
      %broadcast_in_dim3A_1082 = vector.broadcast %jit3A_1080 : i32 to vector<16xi32>
      %broadcast_in_dim3A_1083 = vector.broadcast %jit3A_1081 : i32 to vector<16xi32>
      %select_n3A_1084 = arith.select %and3A_1079, %broadcast_in_dim3A_1082, %broadcast_in_dim3A_1083 : vector<16xi1>, vector<16xi32>
      %add3A_1085 = arith.addi %add3A_1069, %select_n3A_1084 : vector<16xi32>
      %get3A_1086 = arith.constant 32 : index
      %get3A_1087 = tpu.vector_load %arg5[%get3A_1086] {strides = array<i32>} : memref<128xi32, #tpu.memory_space<vmem>>, vector<16xi32>,
      %get3A_1088 = vector.shape_cast %get3A_1087 : vector<16xi32> to vector<16xi32>
      %eq3A_1089 = arith.constant 673 : i32
      %eq3A_1090 = vector.broadcast %eq3A_1089 : i32 to vector<16xi32>
      %eq3A_1091 = arith.cmpi eq, %get3A_1088, %eq3A_1090 : vector<16xi32>
      %lt3A_1092 = arith.constant 50 : i32
      %lt3A_1093 = vector.broadcast %lt3A_1092 : i32 to vector<16xi32>
      %lt3A_1094 = arith.cmpi slt, %add3A_183, %lt3A_1093 : vector<16xi32>
      %and3A_1095 = arith.andi %eq3A_1091, %lt3A_1094 : vector<16xi1>
      %jit3A_1096 = arith.constant 1 : i32
      %jit3A_1097 = arith.constant 0 : i32
      %broadcast_in_dim3A_1098 = vector.broadcast %jit3A_1096 : i32 to vector<16xi32>
      %broadcast_in_dim3A_1099 = vector.broadcast %jit3A_1097 : i32 to vector<16xi32>
      %select_n3A_1100 = arith.select %and3A_1095, %broadcast_in_dim3A_1098, %broadcast_in_dim3A_1099 : vector<16xi1>, vector<16xi32>
      %add3A_1101 = arith.addi %add3A_1085, %select_n3A_1100 : vector<16xi32>
      %get3A_1102 = arith.constant 48 : index
      %get3A_1103 = tpu.vector_load %arg5[%get3A_1102] {strides = array<i32>} : memref<128xi32, #tpu.memory_space<vmem>>, vector<16xi32>,
      %get3A_1104 = vector.shape_cast %get3A_1103 : vector<16xi32> to vector<16xi32>
      %eq3A_1105 = arith.constant 673 : i32
      %eq3A_1106 = vector.broadcast %eq3A_1105 : i32 to vector<16xi32>
      %eq3A_1107 = arith.cmpi eq, %get3A_1104, %eq3A_1106 : vector<16xi32>
      %lt3A_1108 = arith.constant 50 : i32
      %lt3A_1109 = vector.broadcast %lt3A_1108 : i32 to vector<16xi32>
      %lt3A_1110 = arith.cmpi slt, %add3A_187, %lt3A_1109 : vector<16xi32>
      %and3A_1111 = arith.andi %eq3A_1107, %lt3A_1110 : vector<16xi1>
      %jit3A_1112 = arith.constant 1 : i32
      %jit3A_1113 = arith.constant 0 : i32
      %broadcast_in_dim3A_1114 = vector.broadcast %jit3A_1112 : i32 to vector<16xi32>
      %broadcast_in_dim3A_1115 = vector.broadcast %jit3A_1113 : i32 to vector<16xi32>
      %select_n3A_1116 = arith.select %and3A_1111, %broadcast_in_dim3A_1114, %broadcast_in_dim3A_1115 : vector<16xi1>, vector<16xi32>
      %add3A_1117 = arith.addi %add3A_1101, %select_n3A_1116 : vector<16xi32>
      %iota3A_1118 = tpu.iota {dimensions = array<i32: 0>} : vector<16xi32>
      %add3A_1119 = arith.constant 8 : i32
      %add3A_1120 = vector.broadcast %add3A_1119 : i32 to vector<16xi32>
      %add3A_1121 = arith.addi %iota3A_1118, %add3A_1120 : vector<16xi32>
      %jit3A_1122 = arith.constant 16 : i32
      %eq3A_1123 = arith.constant 0 : i32
      %eq3A_1124 = arith.cmpi eq, %jit3A_1122, %eq3A_1123 : i32
      %jit3A_1125 = arith.constant 1 : i32
      %select_n3A_1126 = arith.select %eq3A_1124, %jit3A_1125, %jit3A_1122 : i32
      %rem3A_1127 = vector.broadcast %select_n3A_1126 : i32 to vector<16xi32>
      %rem3A_1128 = arith.remsi %add3A_1121, %rem3A_1127 : vector<16xi32>
      %ne3A_1129 = arith.constant 0 : i32
      %ne3A_1130 = vector.broadcast %ne3A_1129 : i32 to vector<16xi32>
      %ne3A_1131 = arith.cmpi ne, %rem3A_1128, %ne3A_1130 : vector<16xi32>
      %lt3A_1132 = arith.constant 0 : i32
      %lt3A_1133 = vector.broadcast %lt3A_1132 : i32 to vector<16xi32>
      %lt3A_1134 = arith.cmpi slt, %rem3A_1128, %lt3A_1133 : vector<16xi32>
      %lt3A_1135 = arith.constant 0 : i32
      %lt3A_1136 = arith.cmpi slt, %select_n3A_1126, %lt3A_1135 : i32
      %ne3A_1137 = vector.broadcast %lt3A_1136 : i1 to vector<16xi1>
      %ne3A_1138 = vector.broadcast %ne3A_1137 : vector<16xi1> to vector<16xi1>
      %ne3A_1139 = arith.xori %lt3A_1134, %ne3A_1138 : vector<16xi1>
      %and3A_1140 = arith.andi %ne3A_1139, %ne3A_1131 : vector<16xi1>
      %add3A_1141 = vector.broadcast %select_n3A_1126 : i32 to vector<16xi32>
      %add3A_1142 = arith.addi %rem3A_1128, %add3A_1141 : vector<16xi32>
      %select_n3A_1143 = arith.select %and3A_1140, %add3A_1142, %rem3A_1128 : vector<16xi1>, vector<16xi32>
      %broadcast_in_dim3A_1144 = vector.shape_cast %select_n3A_1143 : vector<16xi32> to vector<16x1xi32>
      %gather3A_1145 = vector.shape_cast %broadcast_in_dim3A_1144 : vector<16x1xi32> to vector<16xi32>
      %gather3A_1146 = tpu.dynamic_gather %add3A_1117[%gather3A_1145] in [0] : vector<16xi32>, vector<16xi32> -> vector<16xi32>
      %add3A_1147 = arith.addi %add3A_1117, %gather3A_1146 : vector<16xi32>
      %iota3A_1148 = tpu.iota {dimensions = array<i32: 0>} : vector<16xi32>
      %add3A_1149 = arith.constant 4 : i32
      %add3A_1150 = vector.broadcast %add3A_1149 : i32 to vector<16xi32>
      %add3A_1151 = arith.addi %iota3A_1148, %add3A_1150 : vector<16xi32>
      %jit3A_1152 = arith.constant 16 : i32
      %eq3A_1153 = arith.constant 0 : i32
      %eq3A_1154 = arith.cmpi eq, %jit3A_1152, %eq3A_1153 : i32
      %jit3A_1155 = arith.constant 1 : i32
      %select_n3A_1156 = arith.select %eq3A_1154, %jit3A_1155, %jit3A_1152 : i32
      %rem3A_1157 = vector.broadcast %select_n3A_1156 : i32 to vector<16xi32>
      %rem3A_1158 = arith.remsi %add3A_1151, %rem3A_1157 : vector<16xi32>
      %ne3A_1159 = arith.constant 0 : i32
      %ne3A_1160 = vector.broadcast %ne3A_1159 : i32 to vector<16xi32>
      %ne3A_1161 = arith.cmpi ne, %rem3A_1158, %ne3A_1160 : vector<16xi32>
      %lt3A_1162 = arith.constant 0 : i32
      %lt3A_1163 = vector.broadcast %lt3A_1162 : i32 to vector<16xi32>
      %lt3A_1164 = arith.cmpi slt, %rem3A_1158, %lt3A_1163 : vector<16xi32>
      %lt3A_1165 = arith.constant 0 : i32
      %lt3A_1166 = arith.cmpi slt, %select_n3A_1156, %lt3A_1165 : i32
      %ne3A_1167 = vector.broadcast %lt3A_1166 : i1 to vector<16xi1>
      %ne3A_1168 = vector.broadcast %ne3A_1167 : vector<16xi1> to vector<16xi1>
      %ne3A_1169 = arith.xori %lt3A_1164, %ne3A_1168 : vector<16xi1>
      %and3A_1170 = arith.andi %ne3A_1169, %ne3A_1161 : vector<16xi1>
      %add3A_1171 = vector.broadcast %select_n3A_1156 : i32 to vector<16xi32>
      %add3A_1172 = arith.addi %rem3A_1158, %add3A_1171 : vector<16xi32>
      %select_n3A_1173 = arith.select %and3A_1170, %add3A_1172, %rem3A_1158 : vector<16xi1>, vector<16xi32>
      %broadcast_in_dim3A_1174 = vector.shape_cast %select_n3A_1173 : vector<16xi32> to vector<16x1xi32>
      %gather3A_1175 = vector.shape_cast %broadcast_in_dim3A_1174 : vector<16x1xi32> to vector<16xi32>
      %gather3A_1176 = tpu.dynamic_gather %add3A_1147[%gather3A_1175] in [0] : vector<16xi32>, vector<16xi32> -> vector<16xi32>
      %add3A_1177 = arith.addi %add3A_1147, %gather3A_1176 : vector<16xi32>
      %iota3A_1178 = tpu.iota {dimensions = array<i32: 0>} : vector<16xi32>
      %add3A_1179 = arith.constant 2 : i32
      %add3A_1180 = vector.broadcast %add3A_1179 : i32 to vector<16xi32>
      %add3A_1181 = arith.addi %iota3A_1178, %add3A_1180 : vector<16xi32>
      %jit3A_1182 = arith.constant 16 : i32
      %eq3A_1183 = arith.constant 0 : i32
      %eq3A_1184 = arith.cmpi eq, %jit3A_1182, %eq3A_1183 : i32
      %jit3A_1185 = arith.constant 1 : i32
      %select_n3A_1186 = arith.select %eq3A_1184, %jit3A_1185, %jit3A_1182 : i32
      %rem3A_1187 = vector.broadcast %select_n3A_1186 : i32 to vector<16xi32>
      %rem3A_1188 = arith.remsi %add3A_1181, %rem3A_1187 : vector<16xi32>
      %ne3A_1189 = arith.constant 0 : i32
      %ne3A_1190 = vector.broadcast %ne3A_1189 : i32 to vector<16xi32>
      %ne3A_1191 = arith.cmpi ne, %rem3A_1188, %ne3A_1190 : vector<16xi32>
      %lt3A_1192 = arith.constant 0 : i32
      %lt3A_1193 = vector.broadcast %lt3A_1192 : i32 to vector<16xi32>
      %lt3A_1194 = arith.cmpi slt, %rem3A_1188, %lt3A_1193 : vector<16xi32>
      %lt3A_1195 = arith.constant 0 : i32
      %lt3A_1196 = arith.cmpi slt, %select_n3A_1186, %lt3A_1195 : i32
      %ne3A_1197 = vector.broadcast %lt3A_1196 : i1 to vector<16xi1>
      %ne3A_1198 = vector.broadcast %ne3A_1197 : vector<16xi1> to vector<16xi1>
      %ne3A_1199 = arith.xori %lt3A_1194, %ne3A_1198 : vector<16xi1>
      %and3A_1200 = arith.andi %ne3A_1199, %ne3A_1191 : vector<16xi1>
      %add3A_1201 = vector.broadcast %select_n3A_1186 : i32 to vector<16xi32>
      %add3A_1202 = arith.addi %rem3A_1188, %add3A_1201 : vector<16xi32>
      %select_n3A_1203 = arith.select %and3A_1200, %add3A_1202, %rem3A_1188 : vector<16xi1>, vector<16xi32>
      %broadcast_in_dim3A_1204 = vector.shape_cast %select_n3A_1203 : vector<16xi32> to vector<16x1xi32>
      %gather3A_1205 = vector.shape_cast %broadcast_in_dim3A_1204 : vector<16x1xi32> to vector<16xi32>
      %gather3A_1206 = tpu.dynamic_gather %add3A_1177[%gather3A_1205] in [0] : vector<16xi32>, vector<16xi32> -> vector<16xi32>
      %add3A_1207 = arith.addi %add3A_1177, %gather3A_1206 : vector<16xi32>
      %iota3A_1208 = tpu.iota {dimensions = array<i32: 0>} : vector<16xi32>
      %add3A_1209 = arith.constant 1 : i32
      %add3A_1210 = vector.broadcast %add3A_1209 : i32 to vector<16xi32>
      %add3A_1211 = arith.addi %iota3A_1208, %add3A_1210 : vector<16xi32>
      %jit3A_1212 = arith.constant 16 : i32
      %eq3A_1213 = arith.constant 0 : i32
      %eq3A_1214 = arith.cmpi eq, %jit3A_1212, %eq3A_1213 : i32
      %jit3A_1215 = arith.constant 1 : i32
      %select_n3A_1216 = arith.select %eq3A_1214, %jit3A_1215, %jit3A_1212 : i32
      %rem3A_1217 = vector.broadcast %select_n3A_1216 : i32 to vector<16xi32>
      %rem3A_1218 = arith.remsi %add3A_1211, %rem3A_1217 : vector<16xi32>
      %ne3A_1219 = arith.constant 0 : i32
      %ne3A_1220 = vector.broadcast %ne3A_1219 : i32 to vector<16xi32>
      %ne3A_1221 = arith.cmpi ne, %rem3A_1218, %ne3A_1220 : vector<16xi32>
      %lt3A_1222 = arith.constant 0 : i32
      %lt3A_1223 = vector.broadcast %lt3A_1222 : i32 to vector<16xi32>
      %lt3A_1224 = arith.cmpi slt, %rem3A_1218, %lt3A_1223 : vector<16xi32>
      %lt3A_1225 = arith.constant 0 : i32
      %lt3A_1226 = arith.cmpi slt, %select_n3A_1216, %lt3A_1225 : i32
      %ne3A_1227 = vector.broadcast %lt3A_1226 : i1 to vector<16xi1>
      %ne3A_1228 = vector.broadcast %ne3A_1227 : vector<16xi1> to vector<16xi1>
      %ne3A_1229 = arith.xori %lt3A_1224, %ne3A_1228 : vector<16xi1>
      %and3A_1230 = arith.andi %ne3A_1229, %ne3A_1221 : vector<16xi1>
      %add3A_1231 = vector.broadcast %select_n3A_1216 : i32 to vector<16xi32>
      %add3A_1232 = arith.addi %rem3A_1218, %add3A_1231 : vector<16xi32>
      %select_n3A_1233 = arith.select %and3A_1230, %add3A_1232, %rem3A_1218 : vector<16xi1>, vector<16xi32>
      %broadcast_in_dim3A_1234 = vector.shape_cast %select_n3A_1233 : vector<16xi32> to vector<16x1xi32>
      %gather3A_1235 = vector.shape_cast %broadcast_in_dim3A_1234 : vector<16x1xi32> to vector<16xi32>
      %gather3A_1236 = tpu.dynamic_gather %add3A_1207[%gather3A_1235] in [0] : vector<16xi32>, vector<16xi32> -> vector<16xi32>
      %add3A_1237 = arith.addi %add3A_1207, %gather3A_1236 : vector<16xi32>
      %gt3A_1238 = arith.constant 0 : i32
      %gt3A_1239 = vector.broadcast %gt3A_1238 : i32 to vector<16xi32>
      %gt3A_1240 = arith.cmpi sgt, %add3A_1237, %gt3A_1239 : vector<16xi32>
      %jit3A_1241 = arith.constant 1 : i32
      %jit3A_1242 = arith.constant 0 : i32
      %broadcast_in_dim3A_1243 = vector.broadcast %jit3A_1241 : i32 to vector<16xi32>
      %broadcast_in_dim3A_1244 = vector.broadcast %jit3A_1242 : i32 to vector<16xi32>
      %select_n3A_1245 = arith.select %gt3A_1240, %broadcast_in_dim3A_1243, %broadcast_in_dim3A_1244 : vector<16xi1>, vector<16xi32>
      %add3A_1246 = arith.addi %add3A_1036, %select_n3A_1245 : vector<16xi32>
      %get3A_1247 = arith.constant 48 : index
      %get3A_1248 = tpu.vector_load %arg6[%get3A_1247] {strides = array<i32>} : memref<128xi32, #tpu.memory_space<vmem>>, vector<16xi32>,
      %get3A_1249 = vector.shape_cast %get3A_1248 : vector<16xi32> to vector<16xi32>
      %iota3A_1250 = tpu.iota {dimensions = array<i32: 0>} : vector<16xi32>
      %eq3A_1251 = arith.constant 6 : i32
      %eq3A_1252 = vector.broadcast %eq3A_1251 : i32 to vector<16xi32>
      %eq3A_1253 = arith.cmpi eq, %iota3A_1250, %eq3A_1252 : vector<16xi32>
      %and3A_1254 = arith.andi %eq3A_1253, %gt3A_1240 : vector<16xi1>
      %jit3A_1255 = arith.constant 1073741824 : i32
      %broadcast_in_dim3A_1256 = vector.broadcast %jit3A_1255 : i32 to vector<16xi32>
      %select_n3A_1257 = arith.select %and3A_1254, %broadcast_in_dim3A_1256, %get3A_1249 : vector<16xi1>, vector<16xi32>
      %swap3A_1258 = arith.constant 48 : index
      %swap3A_1259 = tpu.vector_load %arg6[%swap3A_1258] {strides = array<i32>} : memref<128xi32, #tpu.memory_space<vmem>>, vector<16xi32>,
      %swap3A_1260 = vector.shape_cast %swap3A_1259 : vector<16xi32> to vector<16xi32>
      %swap3A_1261 = vector.shape_cast %select_n3A_1257 : vector<16xi32> to vector<16xi32>
      tpu.vector_store %arg6[%swap3A_1258], %swap3A_1261 {strides = array<i32>} : memref<128xi32, #tpu.memory_space<vmem>>, vector<16xi32>,
      %sub3A = arith.constant 55 : i32
      %sub3A_1262 = vector.broadcast %sub3A : i32 to vector<16xi32>
      %sub3A_1263 = arith.subi %sub3A_1262, %add3A_1246 : vector<16xi32>
      %broadcast_in_dim3A_1264 = arith.constant -1 : i32
      %broadcast_in_dim3A_1265 = vector.broadcast %broadcast_in_dim3A_1264 : i32 to vector<16xi32>
      %swap3A_1266 = arith.constant 0 : index
      %swap3A_1267 = tpu.vector_load %arg7[%swap3A_1266] {strides = array<i32>} : memref<128xi32, #tpu.memory_space<vmem>>, vector<16xi32>,
      %swap3A_1268 = vector.shape_cast %swap3A_1267 : vector<16xi32> to vector<16xi32>
      %swap3A_1269 = vector.shape_cast %broadcast_in_dim3A_1265 : vector<16xi32> to vector<16xi32>
      tpu.vector_store %arg7[%swap3A_1266], %swap3A_1269 {strides = array<i32>} : memref<128xi32, #tpu.memory_space<vmem>>, vector<16xi32>,
      %broadcast_in_dim3A_1270 = arith.constant -1 : i32
      %broadcast_in_dim3A_1271 = vector.broadcast %broadcast_in_dim3A_1270 : i32 to vector<16xi32>
      %swap3A_1272 = arith.constant 16 : index
      %swap3A_1273 = tpu.vector_load %arg7[%swap3A_1272] {strides = array<i32>} : memref<128xi32, #tpu.memory_space<vmem>>, vector<16xi32>,
      %swap3A_1274 = vector.shape_cast %swap3A_1273 : vector<16xi32> to vector<16xi32>
      %swap3A_1275 = vector.shape_cast %broadcast_in_dim3A_1271 : vector<16xi32> to vector<16xi32>
      tpu.vector_store %arg7[%swap3A_1272], %swap3A_1275 {strides = array<i32>} : memref<128xi32, #tpu.memory_space<vmem>>, vector<16xi32>,
      %broadcast_in_dim3A_1276 = arith.constant -1 : i32
      %broadcast_in_dim3A_1277 = vector.broadcast %broadcast_in_dim3A_1276 : i32 to vector<16xi32>
      %swap3A_1278 = arith.constant 32 : index
      %swap3A_1279 = tpu.vector_load %arg7[%swap3A_1278] {strides = array<i32>} : memref<128xi32, #tpu.memory_space<vmem>>, vector<16xi32>,
      %swap3A_1280 = vector.shape_cast %swap3A_1279 : vector<16xi32> to vector<16xi32>
      %swap3A_1281 = vector.shape_cast %broadcast_in_dim3A_1277 : vector<16xi32> to vector<16xi32>
      tpu.vector_store %arg7[%swap3A_1278], %swap3A_1281 {strides = array<i32>} : memref<128xi32, #tpu.memory_space<vmem>>, vector<16xi32>,
      %broadcast_in_dim3A_1282 = arith.constant -1 : i32
      %broadcast_in_dim3A_1283 = vector.broadcast %broadcast_in_dim3A_1282 : i32 to vector<16xi32>
      %swap3A_1284 = arith.constant 48 : index
      %swap3A_1285 = tpu.vector_load %arg7[%swap3A_1284] {strides = array<i32>} : memref<128xi32, #tpu.memory_space<vmem>>, vector<16xi32>,
      %swap3A_1286 = vector.shape_cast %swap3A_1285 : vector<16xi32> to vector<16xi32>
      %swap3A_1287 = vector.shape_cast %broadcast_in_dim3A_1283 : vector<16xi32> to vector<16xi32>
      tpu.vector_store %arg7[%swap3A_1284], %swap3A_1287 {strides = array<i32>} : memref<128xi32, #tpu.memory_space<vmem>>, vector<16xi32>,
      %scan3A_1288 = arith.constant 0 : i32
      %scan3A_1289 = arith.constant 0 : i32
      %scan3A_1290 = arith.constant 55 : i32
      %scan3A_1291 = arith.addi %scan3A_1289, %scan3A_1290 : i32
      %scan3A_1292 = arith.constant 1 : i32
      %scan3A_1293 = scf.for %scan3A_1526 = %scan3A_1289 to %scan3A_1291 step %scan3A_1292 iter_args(%scan3A_1527 = %scan3A_1288) -> (i32)  : i32 {
        %broadcast_in_dim3A_1528 = arith.constant 0 : i32
        %broadcast_in_dim3A_1529 = vector.broadcast %broadcast_in_dim3A_1528 : i32 to vector<16xi32>
        %add3A_1530 = vector.broadcast %scan3A_1526 : i32 to vector<16xi32>
        %add3A_1531 = arith.addi %broadcast_in_dim3A_1529, %add3A_1530 : vector<16xi32>
        %broadcast_in_dim3A_1532 = arith.constant 1073741824 : i32
        %broadcast_in_dim3A_1533 = vector.broadcast %broadcast_in_dim3A_1532 : i32 to vector<16xi32>
        %get3A_1534 = arith.constant 0 : index
        %get3A_1535 = tpu.vector_load %arg6[%get3A_1534] {strides = array<i32>} : memref<128xi32, #tpu.memory_space<vmem>>, vector<16xi32>,
        %get3A_1536 = vector.shape_cast %get3A_1535 : vector<16xi32> to vector<16xi32>
        %iota3A_1537 = tpu.iota {dimensions = array<i32: 0>} : vector<16xi32>
        %add3A_1538 = arith.constant 0 : i32
        %add3A_1539 = vector.broadcast %add3A_1538 : i32 to vector<16xi32>
        %add3A_1540 = arith.addi %iota3A_1537, %add3A_1539 : vector<16xi32>
        %eq3A_1541 = arith.cmpi eq, %add3A_1540, %add3A_1531 : vector<16xi32>
        %jit3A_1542 = arith.constant 1073741824 : i32
        %broadcast_in_dim3A_1543 = vector.broadcast %jit3A_1542 : i32 to vector<16xi32>
        %select_n3A_1544 = arith.select %eq3A_1541, %get3A_1536, %broadcast_in_dim3A_1543 : vector<16xi1>, vector<16xi32>
        %min3A = arith.minsi %broadcast_in_dim3A_1533, %select_n3A_1544 : vector<16xi32>
        %get3A_1545 = arith.constant 16 : index
        %get3A_1546 = tpu.vector_load %arg6[%get3A_1545] {strides = array<i32>} : memref<128xi32, #tpu.memory_space<vmem>>, vector<16xi32>,
        %get3A_1547 = vector.shape_cast %get3A_1546 : vector<16xi32> to vector<16xi32>
        %iota3A_1548 = tpu.iota {dimensions = array<i32: 0>} : vector<16xi32>
        %add3A_1549 = arith.constant 16 : i32
        %add3A_1550 = vector.broadcast %add3A_1549 : i32 to vector<16xi32>
        %add3A_1551 = arith.addi %iota3A_1548, %add3A_1550 : vector<16xi32>
        %eq3A_1552 = arith.cmpi eq, %add3A_1551, %add3A_1531 : vector<16xi32>
        %jit3A_1553 = arith.constant 1073741824 : i32
        %broadcast_in_dim3A_1554 = vector.broadcast %jit3A_1553 : i32 to vector<16xi32>
        %select_n3A_1555 = arith.select %eq3A_1552, %get3A_1547, %broadcast_in_dim3A_1554 : vector<16xi1>, vector<16xi32>
        %min3A_1556 = arith.minsi %min3A, %select_n3A_1555 : vector<16xi32>
        %get3A_1557 = arith.constant 32 : index
        %get3A_1558 = tpu.vector_load %arg6[%get3A_1557] {strides = array<i32>} : memref<128xi32, #tpu.memory_space<vmem>>, vector<16xi32>,
        %get3A_1559 = vector.shape_cast %get3A_1558 : vector<16xi32> to vector<16xi32>
        %iota3A_1560 = tpu.iota {dimensions = array<i32: 0>} : vector<16xi32>
        %add3A_1561 = arith.constant 32 : i32
        %add3A_1562 = vector.broadcast %add3A_1561 : i32 to vector<16xi32>
        %add3A_1563 = arith.addi %iota3A_1560, %add3A_1562 : vector<16xi32>
        %eq3A_1564 = arith.cmpi eq, %add3A_1563, %add3A_1531 : vector<16xi32>
        %jit3A_1565 = arith.constant 1073741824 : i32
        %broadcast_in_dim3A_1566 = vector.broadcast %jit3A_1565 : i32 to vector<16xi32>
        %select_n3A_1567 = arith.select %eq3A_1564, %get3A_1559, %broadcast_in_dim3A_1566 : vector<16xi1>, vector<16xi32>
        %min3A_1568 = arith.minsi %min3A_1556, %select_n3A_1567 : vector<16xi32>
        %get3A_1569 = arith.constant 48 : index
        %get3A_1570 = tpu.vector_load %arg6[%get3A_1569] {strides = array<i32>} : memref<128xi32, #tpu.memory_space<vmem>>, vector<16xi32>,
        %get3A_1571 = vector.shape_cast %get3A_1570 : vector<16xi32> to vector<16xi32>
        %iota3A_1572 = tpu.iota {dimensions = array<i32: 0>} : vector<16xi32>
        %add3A_1573 = arith.constant 48 : i32
        %add3A_1574 = vector.broadcast %add3A_1573 : i32 to vector<16xi32>
        %add3A_1575 = arith.addi %iota3A_1572, %add3A_1574 : vector<16xi32>
        %eq3A_1576 = arith.cmpi eq, %add3A_1575, %add3A_1531 : vector<16xi32>
        %jit3A_1577 = arith.constant 1073741824 : i32
        %broadcast_in_dim3A_1578 = vector.broadcast %jit3A_1577 : i32 to vector<16xi32>
        %select_n3A_1579 = arith.select %eq3A_1576, %get3A_1571, %broadcast_in_dim3A_1578 : vector<16xi1>, vector<16xi32>
        %min3A_1580 = arith.minsi %min3A_1568, %select_n3A_1579 : vector<16xi32>
        %iota3A_1581 = tpu.iota {dimensions = array<i32: 0>} : vector<16xi32>
        %add3A_1582 = arith.constant 8 : i32
        %add3A_1583 = vector.broadcast %add3A_1582 : i32 to vector<16xi32>
        %add3A_1584 = arith.addi %iota3A_1581, %add3A_1583 : vector<16xi32>
        %jit3A_1585 = arith.constant 16 : i32
        %eq3A_1586 = arith.constant 0 : i32
        %eq3A_1587 = arith.cmpi eq, %jit3A_1585, %eq3A_1586 : i32
        %jit3A_1588 = arith.constant 1 : i32
        %select_n3A_1589 = arith.select %eq3A_1587, %jit3A_1588, %jit3A_1585 : i32
        %rem3A_1590 = vector.broadcast %select_n3A_1589 : i32 to vector<16xi32>
        %rem3A_1591 = arith.remsi %add3A_1584, %rem3A_1590 : vector<16xi32>
        %ne3A_1592 = arith.constant 0 : i32
        %ne3A_1593 = vector.broadcast %ne3A_1592 : i32 to vector<16xi32>
        %ne3A_1594 = arith.cmpi ne, %rem3A_1591, %ne3A_1593 : vector<16xi32>
        %lt3A_1595 = arith.constant 0 : i32
        %lt3A_1596 = vector.broadcast %lt3A_1595 : i32 to vector<16xi32>
        %lt3A_1597 = arith.cmpi slt, %rem3A_1591, %lt3A_1596 : vector<16xi32>
        %lt3A_1598 = arith.constant 0 : i32
        %lt3A_1599 = arith.cmpi slt, %select_n3A_1589, %lt3A_1598 : i32
        %ne3A_1600 = vector.broadcast %lt3A_1599 : i1 to vector<16xi1>
        %ne3A_1601 = vector.broadcast %ne3A_1600 : vector<16xi1> to vector<16xi1>
        %ne3A_1602 = arith.xori %lt3A_1597, %ne3A_1601 : vector<16xi1>
        %and3A_1603 = arith.andi %ne3A_1602, %ne3A_1594 : vector<16xi1>
        %add3A_1604 = vector.broadcast %select_n3A_1589 : i32 to vector<16xi32>
        %add3A_1605 = arith.addi %rem3A_1591, %add3A_1604 : vector<16xi32>
        %select_n3A_1606 = arith.select %and3A_1603, %add3A_1605, %rem3A_1591 : vector<16xi1>, vector<16xi32>
        %broadcast_in_dim3A_1607 = vector.shape_cast %select_n3A_1606 : vector<16xi32> to vector<16x1xi32>
        %gather3A_1608 = vector.shape_cast %broadcast_in_dim3A_1607 : vector<16x1xi32> to vector<16xi32>
        %gather3A_1609 = tpu.dynamic_gather %min3A_1580[%gather3A_1608] in [0] : vector<16xi32>, vector<16xi32> -> vector<16xi32>
        %min3A_1610 = arith.minsi %min3A_1580, %gather3A_1609 : vector<16xi32>
        %iota3A_1611 = tpu.iota {dimensions = array<i32: 0>} : vector<16xi32>
        %add3A_1612 = arith.constant 4 : i32
        %add3A_1613 = vector.broadcast %add3A_1612 : i32 to vector<16xi32>
        %add3A_1614 = arith.addi %iota3A_1611, %add3A_1613 : vector<16xi32>
        %jit3A_1615 = arith.constant 16 : i32
        %eq3A_1616 = arith.constant 0 : i32
        %eq3A_1617 = arith.cmpi eq, %jit3A_1615, %eq3A_1616 : i32
        %jit3A_1618 = arith.constant 1 : i32
        %select_n3A_1619 = arith.select %eq3A_1617, %jit3A_1618, %jit3A_1615 : i32
        %rem3A_1620 = vector.broadcast %select_n3A_1619 : i32 to vector<16xi32>
        %rem3A_1621 = arith.remsi %add3A_1614, %rem3A_1620 : vector<16xi32>
        %ne3A_1622 = arith.constant 0 : i32
        %ne3A_1623 = vector.broadcast %ne3A_1622 : i32 to vector<16xi32>
        %ne3A_1624 = arith.cmpi ne, %rem3A_1621, %ne3A_1623 : vector<16xi32>
        %lt3A_1625 = arith.constant 0 : i32
        %lt3A_1626 = vector.broadcast %lt3A_1625 : i32 to vector<16xi32>
        %lt3A_1627 = arith.cmpi slt, %rem3A_1621, %lt3A_1626 : vector<16xi32>
        %lt3A_1628 = arith.constant 0 : i32
        %lt3A_1629 = arith.cmpi slt, %select_n3A_1619, %lt3A_1628 : i32
        %ne3A_1630 = vector.broadcast %lt3A_1629 : i1 to vector<16xi1>
        %ne3A_1631 = vector.broadcast %ne3A_1630 : vector<16xi1> to vector<16xi1>
        %ne3A_1632 = arith.xori %lt3A_1627, %ne3A_1631 : vector<16xi1>
        %and3A_1633 = arith.andi %ne3A_1632, %ne3A_1624 : vector<16xi1>
        %add3A_1634 = vector.broadcast %select_n3A_1619 : i32 to vector<16xi32>
        %add3A_1635 = arith.addi %rem3A_1621, %add3A_1634 : vector<16xi32>
        %select_n3A_1636 = arith.select %and3A_1633, %add3A_1635, %rem3A_1621 : vector<16xi1>, vector<16xi32>
        %broadcast_in_dim3A_1637 = vector.shape_cast %select_n3A_1636 : vector<16xi32> to vector<16x1xi32>
        %gather3A_1638 = vector.shape_cast %broadcast_in_dim3A_1637 : vector<16x1xi32> to vector<16xi32>
        %gather3A_1639 = tpu.dynamic_gather %min3A_1610[%gather3A_1638] in [0] : vector<16xi32>, vector<16xi32> -> vector<16xi32>
        %min3A_1640 = arith.minsi %min3A_1610, %gather3A_1639 : vector<16xi32>
        %iota3A_1641 = tpu.iota {dimensions = array<i32: 0>} : vector<16xi32>
        %add3A_1642 = arith.constant 2 : i32
        %add3A_1643 = vector.broadcast %add3A_1642 : i32 to vector<16xi32>
        %add3A_1644 = arith.addi %iota3A_1641, %add3A_1643 : vector<16xi32>
        %jit3A_1645 = arith.constant 16 : i32
        %eq3A_1646 = arith.constant 0 : i32
        %eq3A_1647 = arith.cmpi eq, %jit3A_1645, %eq3A_1646 : i32
        %jit3A_1648 = arith.constant 1 : i32
        %select_n3A_1649 = arith.select %eq3A_1647, %jit3A_1648, %jit3A_1645 : i32
        %rem3A_1650 = vector.broadcast %select_n3A_1649 : i32 to vector<16xi32>
        %rem3A_1651 = arith.remsi %add3A_1644, %rem3A_1650 : vector<16xi32>
        %ne3A_1652 = arith.constant 0 : i32
        %ne3A_1653 = vector.broadcast %ne3A_1652 : i32 to vector<16xi32>
        %ne3A_1654 = arith.cmpi ne, %rem3A_1651, %ne3A_1653 : vector<16xi32>
        %lt3A_1655 = arith.constant 0 : i32
        %lt3A_1656 = vector.broadcast %lt3A_1655 : i32 to vector<16xi32>
        %lt3A_1657 = arith.cmpi slt, %rem3A_1651, %lt3A_1656 : vector<16xi32>
        %lt3A_1658 = arith.constant 0 : i32
        %lt3A_1659 = arith.cmpi slt, %select_n3A_1649, %lt3A_1658 : i32
        %ne3A_1660 = vector.broadcast %lt3A_1659 : i1 to vector<16xi1>
        %ne3A_1661 = vector.broadcast %ne3A_1660 : vector<16xi1> to vector<16xi1>
        %ne3A_1662 = arith.xori %lt3A_1657, %ne3A_1661 : vector<16xi1>
        %and3A_1663 = arith.andi %ne3A_1662, %ne3A_1654 : vector<16xi1>
        %add3A_1664 = vector.broadcast %select_n3A_1649 : i32 to vector<16xi32>
        %add3A_1665 = arith.addi %rem3A_1651, %add3A_1664 : vector<16xi32>
        %select_n3A_1666 = arith.select %and3A_1663, %add3A_1665, %rem3A_1651 : vector<16xi1>, vector<16xi32>
        %broadcast_in_dim3A_1667 = vector.shape_cast %select_n3A_1666 : vector<16xi32> to vector<16x1xi32>
        %gather3A_1668 = vector.shape_cast %broadcast_in_dim3A_1667 : vector<16x1xi32> to vector<16xi32>
        %gather3A_1669 = tpu.dynamic_gather %min3A_1640[%gather3A_1668] in [0] : vector<16xi32>, vector<16xi32> -> vector<16xi32>
        %min3A_1670 = arith.minsi %min3A_1640, %gather3A_1669 : vector<16xi32>
        %iota3A_1671 = tpu.iota {dimensions = array<i32: 0>} : vector<16xi32>
        %add3A_1672 = arith.constant 1 : i32
        %add3A_1673 = vector.broadcast %add3A_1672 : i32 to vector<16xi32>
        %add3A_1674 = arith.addi %iota3A_1671, %add3A_1673 : vector<16xi32>
        %jit3A_1675 = arith.constant 16 : i32
        %eq3A_1676 = arith.constant 0 : i32
        %eq3A_1677 = arith.cmpi eq, %jit3A_1675, %eq3A_1676 : i32
        %jit3A_1678 = arith.constant 1 : i32
        %select_n3A_1679 = arith.select %eq3A_1677, %jit3A_1678, %jit3A_1675 : i32
        %rem3A_1680 = vector.broadcast %select_n3A_1679 : i32 to vector<16xi32>
        %rem3A_1681 = arith.remsi %add3A_1674, %rem3A_1680 : vector<16xi32>
        %ne3A_1682 = arith.constant 0 : i32
        %ne3A_1683 = vector.broadcast %ne3A_1682 : i32 to vector<16xi32>
        %ne3A_1684 = arith.cmpi ne, %rem3A_1681, %ne3A_1683 : vector<16xi32>
        %lt3A_1685 = arith.constant 0 : i32
        %lt3A_1686 = vector.broadcast %lt3A_1685 : i32 to vector<16xi32>
        %lt3A_1687 = arith.cmpi slt, %rem3A_1681, %lt3A_1686 : vector<16xi32>
        %lt3A_1688 = arith.constant 0 : i32
        %lt3A_1689 = arith.cmpi slt, %select_n3A_1679, %lt3A_1688 : i32
        %ne3A_1690 = vector.broadcast %lt3A_1689 : i1 to vector<16xi1>
        %ne3A_1691 = vector.broadcast %ne3A_1690 : vector<16xi1> to vector<16xi1>
        %ne3A_1692 = arith.xori %lt3A_1687, %ne3A_1691 : vector<16xi1>
        %and3A_1693 = arith.andi %ne3A_1692, %ne3A_1684 : vector<16xi1>
        %add3A_1694 = vector.broadcast %select_n3A_1679 : i32 to vector<16xi32>
        %add3A_1695 = arith.addi %rem3A_1681, %add3A_1694 : vector<16xi32>
        %select_n3A_1696 = arith.select %and3A_1693, %add3A_1695, %rem3A_1681 : vector<16xi1>, vector<16xi32>
        %broadcast_in_dim3A_1697 = vector.shape_cast %select_n3A_1696 : vector<16xi32> to vector<16x1xi32>
        %gather3A_1698 = vector.shape_cast %broadcast_in_dim3A_1697 : vector<16x1xi32> to vector<16xi32>
        %gather3A_1699 = tpu.dynamic_gather %min3A_1670[%gather3A_1698] in [0] : vector<16xi32>, vector<16xi32> -> vector<16xi32>
        %min3A_1700 = arith.minsi %min3A_1670, %gather3A_1699 : vector<16xi32>
        %broadcast_in_dim3A_1701 = arith.constant 0 : i32
        %broadcast_in_dim3A_1702 = vector.broadcast %broadcast_in_dim3A_1701 : i32 to vector<16xi32>
        %get3A_1703 = arith.constant 0 : index
        %get3A_1704 = tpu.vector_load %arg6[%get3A_1703] {strides = array<i32>} : memref<128xi32, #tpu.memory_space<vmem>>, vector<16xi32>,
        %get3A_1705 = vector.shape_cast %get3A_1704 : vector<16xi32> to vector<16xi32>
        %lt3A_1706 = arith.cmpi slt, %get3A_1705, %min3A_1700 : vector<16xi32>
        %jit3A_1707 = arith.constant 1 : i32
        %jit3A_1708 = arith.constant 0 : i32
        %broadcast_in_dim3A_1709 = vector.broadcast %jit3A_1707 : i32 to vector<16xi32>
        %broadcast_in_dim3A_1710 = vector.broadcast %jit3A_1708 : i32 to vector<16xi32>
        %select_n3A_1711 = arith.select %lt3A_1706, %broadcast_in_dim3A_1709, %broadcast_in_dim3A_1710 : vector<16xi1>, vector<16xi32>
        %add3A_1712 = arith.addi %broadcast_in_dim3A_1702, %select_n3A_1711 : vector<16xi32>
        %get3A_1713 = arith.constant 16 : index
        %get3A_1714 = tpu.vector_load %arg6[%get3A_1713] {strides = array<i32>} : memref<128xi32, #tpu.memory_space<vmem>>, vector<16xi32>,
        %get3A_1715 = vector.shape_cast %get3A_1714 : vector<16xi32> to vector<16xi32>
        %lt3A_1716 = arith.cmpi slt, %get3A_1715, %min3A_1700 : vector<16xi32>
        %jit3A_1717 = arith.constant 1 : i32
        %jit3A_1718 = arith.constant 0 : i32
        %broadcast_in_dim3A_1719 = vector.broadcast %jit3A_1717 : i32 to vector<16xi32>
        %broadcast_in_dim3A_1720 = vector.broadcast %jit3A_1718 : i32 to vector<16xi32>
        %select_n3A_1721 = arith.select %lt3A_1716, %broadcast_in_dim3A_1719, %broadcast_in_dim3A_1720 : vector<16xi1>, vector<16xi32>
        %add3A_1722 = arith.addi %add3A_1712, %select_n3A_1721 : vector<16xi32>
        %get3A_1723 = arith.constant 32 : index
        %get3A_1724 = tpu.vector_load %arg6[%get3A_1723] {strides = array<i32>} : memref<128xi32, #tpu.memory_space<vmem>>, vector<16xi32>,
        %get3A_1725 = vector.shape_cast %get3A_1724 : vector<16xi32> to vector<16xi32>
        %lt3A_1726 = arith.cmpi slt, %get3A_1725, %min3A_1700 : vector<16xi32>
        %jit3A_1727 = arith.constant 1 : i32
        %jit3A_1728 = arith.constant 0 : i32
        %broadcast_in_dim3A_1729 = vector.broadcast %jit3A_1727 : i32 to vector<16xi32>
        %broadcast_in_dim3A_1730 = vector.broadcast %jit3A_1728 : i32 to vector<16xi32>
        %select_n3A_1731 = arith.select %lt3A_1726, %broadcast_in_dim3A_1729, %broadcast_in_dim3A_1730 : vector<16xi1>, vector<16xi32>
        %add3A_1732 = arith.addi %add3A_1722, %select_n3A_1731 : vector<16xi32>
        %get3A_1733 = arith.constant 48 : index
        %get3A_1734 = tpu.vector_load %arg6[%get3A_1733] {strides = array<i32>} : memref<128xi32, #tpu.memory_space<vmem>>, vector<16xi32>,
        %get3A_1735 = vector.shape_cast %get3A_1734 : vector<16xi32> to vector<16xi32>
        %lt3A_1736 = arith.cmpi slt, %get3A_1735, %min3A_1700 : vector<16xi32>
        %jit3A_1737 = arith.constant 1 : i32
        %jit3A_1738 = arith.constant 0 : i32
        %broadcast_in_dim3A_1739 = vector.broadcast %jit3A_1737 : i32 to vector<16xi32>
        %broadcast_in_dim3A_1740 = vector.broadcast %jit3A_1738 : i32 to vector<16xi32>
        %select_n3A_1741 = arith.select %lt3A_1736, %broadcast_in_dim3A_1739, %broadcast_in_dim3A_1740 : vector<16xi1>, vector<16xi32>
        %add3A_1742 = arith.addi %add3A_1732, %select_n3A_1741 : vector<16xi32>
        %iota3A_1743 = tpu.iota {dimensions = array<i32: 0>} : vector<16xi32>
        %add3A_1744 = arith.constant 8 : i32
        %add3A_1745 = vector.broadcast %add3A_1744 : i32 to vector<16xi32>
        %add3A_1746 = arith.addi %iota3A_1743, %add3A_1745 : vector<16xi32>
        %jit3A_1747 = arith.constant 16 : i32
        %eq3A_1748 = arith.constant 0 : i32
        %eq3A_1749 = arith.cmpi eq, %jit3A_1747, %eq3A_1748 : i32
        %jit3A_1750 = arith.constant 1 : i32
        %select_n3A_1751 = arith.select %eq3A_1749, %jit3A_1750, %jit3A_1747 : i32
        %rem3A_1752 = vector.broadcast %select_n3A_1751 : i32 to vector<16xi32>
        %rem3A_1753 = arith.remsi %add3A_1746, %rem3A_1752 : vector<16xi32>
        %ne3A_1754 = arith.constant 0 : i32
        %ne3A_1755 = vector.broadcast %ne3A_1754 : i32 to vector<16xi32>
        %ne3A_1756 = arith.cmpi ne, %rem3A_1753, %ne3A_1755 : vector<16xi32>
        %lt3A_1757 = arith.constant 0 : i32
        %lt3A_1758 = vector.broadcast %lt3A_1757 : i32 to vector<16xi32>
        %lt3A_1759 = arith.cmpi slt, %rem3A_1753, %lt3A_1758 : vector<16xi32>
        %lt3A_1760 = arith.constant 0 : i32
        %lt3A_1761 = arith.cmpi slt, %select_n3A_1751, %lt3A_1760 : i32
        %ne3A_1762 = vector.broadcast %lt3A_1761 : i1 to vector<16xi1>
        %ne3A_1763 = vector.broadcast %ne3A_1762 : vector<16xi1> to vector<16xi1>
        %ne3A_1764 = arith.xori %lt3A_1759, %ne3A_1763 : vector<16xi1>
        %and3A_1765 = arith.andi %ne3A_1764, %ne3A_1756 : vector<16xi1>
        %add3A_1766 = vector.broadcast %select_n3A_1751 : i32 to vector<16xi32>
        %add3A_1767 = arith.addi %rem3A_1753, %add3A_1766 : vector<16xi32>
        %select_n3A_1768 = arith.select %and3A_1765, %add3A_1767, %rem3A_1753 : vector<16xi1>, vector<16xi32>
        %broadcast_in_dim3A_1769 = vector.shape_cast %select_n3A_1768 : vector<16xi32> to vector<16x1xi32>
        %gather3A_1770 = vector.shape_cast %broadcast_in_dim3A_1769 : vector<16x1xi32> to vector<16xi32>
        %gather3A_1771 = tpu.dynamic_gather %add3A_1742[%gather3A_1770] in [0] : vector<16xi32>, vector<16xi32> -> vector<16xi32>
        %add3A_1772 = arith.addi %add3A_1742, %gather3A_1771 : vector<16xi32>
        %iota3A_1773 = tpu.iota {dimensions = array<i32: 0>} : vector<16xi32>
        %add3A_1774 = arith.constant 4 : i32
        %add3A_1775 = vector.broadcast %add3A_1774 : i32 to vector<16xi32>
        %add3A_1776 = arith.addi %iota3A_1773, %add3A_1775 : vector<16xi32>
        %jit3A_1777 = arith.constant 16 : i32
        %eq3A_1778 = arith.constant 0 : i32
        %eq3A_1779 = arith.cmpi eq, %jit3A_1777, %eq3A_1778 : i32
        %jit3A_1780 = arith.constant 1 : i32
        %select_n3A_1781 = arith.select %eq3A_1779, %jit3A_1780, %jit3A_1777 : i32
        %rem3A_1782 = vector.broadcast %select_n3A_1781 : i32 to vector<16xi32>
        %rem3A_1783 = arith.remsi %add3A_1776, %rem3A_1782 : vector<16xi32>
        %ne3A_1784 = arith.constant 0 : i32
        %ne3A_1785 = vector.broadcast %ne3A_1784 : i32 to vector<16xi32>
        %ne3A_1786 = arith.cmpi ne, %rem3A_1783, %ne3A_1785 : vector<16xi32>
        %lt3A_1787 = arith.constant 0 : i32
        %lt3A_1788 = vector.broadcast %lt3A_1787 : i32 to vector<16xi32>
        %lt3A_1789 = arith.cmpi slt, %rem3A_1783, %lt3A_1788 : vector<16xi32>
        %lt3A_1790 = arith.constant 0 : i32
        %lt3A_1791 = arith.cmpi slt, %select_n3A_1781, %lt3A_1790 : i32
        %ne3A_1792 = vector.broadcast %lt3A_1791 : i1 to vector<16xi1>
        %ne3A_1793 = vector.broadcast %ne3A_1792 : vector<16xi1> to vector<16xi1>
        %ne3A_1794 = arith.xori %lt3A_1789, %ne3A_1793 : vector<16xi1>
        %and3A_1795 = arith.andi %ne3A_1794, %ne3A_1786 : vector<16xi1>
        %add3A_1796 = vector.broadcast %select_n3A_1781 : i32 to vector<16xi32>
        %add3A_1797 = arith.addi %rem3A_1783, %add3A_1796 : vector<16xi32>
        %select_n3A_1798 = arith.select %and3A_1795, %add3A_1797, %rem3A_1783 : vector<16xi1>, vector<16xi32>
        %broadcast_in_dim3A_1799 = vector.shape_cast %select_n3A_1798 : vector<16xi32> to vector<16x1xi32>
        %gather3A_1800 = vector.shape_cast %broadcast_in_dim3A_1799 : vector<16x1xi32> to vector<16xi32>
        %gather3A_1801 = tpu.dynamic_gather %add3A_1772[%gather3A_1800] in [0] : vector<16xi32>, vector<16xi32> -> vector<16xi32>
        %add3A_1802 = arith.addi %add3A_1772, %gather3A_1801 : vector<16xi32>
        %iota3A_1803 = tpu.iota {dimensions = array<i32: 0>} : vector<16xi32>
        %add3A_1804 = arith.constant 2 : i32
        %add3A_1805 = vector.broadcast %add3A_1804 : i32 to vector<16xi32>
        %add3A_1806 = arith.addi %iota3A_1803, %add3A_1805 : vector<16xi32>
        %jit3A_1807 = arith.constant 16 : i32
        %eq3A_1808 = arith.constant 0 : i32
        %eq3A_1809 = arith.cmpi eq, %jit3A_1807, %eq3A_1808 : i32
        %jit3A_1810 = arith.constant 1 : i32
        %select_n3A_1811 = arith.select %eq3A_1809, %jit3A_1810, %jit3A_1807 : i32
        %rem3A_1812 = vector.broadcast %select_n3A_1811 : i32 to vector<16xi32>
        %rem3A_1813 = arith.remsi %add3A_1806, %rem3A_1812 : vector<16xi32>
        %ne3A_1814 = arith.constant 0 : i32
        %ne3A_1815 = vector.broadcast %ne3A_1814 : i32 to vector<16xi32>
        %ne3A_1816 = arith.cmpi ne, %rem3A_1813, %ne3A_1815 : vector<16xi32>
        %lt3A_1817 = arith.constant 0 : i32
        %lt3A_1818 = vector.broadcast %lt3A_1817 : i32 to vector<16xi32>
        %lt3A_1819 = arith.cmpi slt, %rem3A_1813, %lt3A_1818 : vector<16xi32>
        %lt3A_1820 = arith.constant 0 : i32
        %lt3A_1821 = arith.cmpi slt, %select_n3A_1811, %lt3A_1820 : i32
        %ne3A_1822 = vector.broadcast %lt3A_1821 : i1 to vector<16xi1>
        %ne3A_1823 = vector.broadcast %ne3A_1822 : vector<16xi1> to vector<16xi1>
        %ne3A_1824 = arith.xori %lt3A_1819, %ne3A_1823 : vector<16xi1>
        %and3A_1825 = arith.andi %ne3A_1824, %ne3A_1816 : vector<16xi1>
        %add3A_1826 = vector.broadcast %select_n3A_1811 : i32 to vector<16xi32>
        %add3A_1827 = arith.addi %rem3A_1813, %add3A_1826 : vector<16xi32>
        %select_n3A_1828 = arith.select %and3A_1825, %add3A_1827, %rem3A_1813 : vector<16xi1>, vector<16xi32>
        %broadcast_in_dim3A_1829 = vector.shape_cast %select_n3A_1828 : vector<16xi32> to vector<16x1xi32>
        %gather3A_1830 = vector.shape_cast %broadcast_in_dim3A_1829 : vector<16x1xi32> to vector<16xi32>
        %gather3A_1831 = tpu.dynamic_gather %add3A_1802[%gather3A_1830] in [0] : vector<16xi32>, vector<16xi32> -> vector<16xi32>
        %add3A_1832 = arith.addi %add3A_1802, %gather3A_1831 : vector<16xi32>
        %iota3A_1833 = tpu.iota {dimensions = array<i32: 0>} : vector<16xi32>
        %add3A_1834 = arith.constant 1 : i32
        %add3A_1835 = vector.broadcast %add3A_1834 : i32 to vector<16xi32>
        %add3A_1836 = arith.addi %iota3A_1833, %add3A_1835 : vector<16xi32>
        %jit3A_1837 = arith.constant 16 : i32
        %eq3A_1838 = arith.constant 0 : i32
        %eq3A_1839 = arith.cmpi eq, %jit3A_1837, %eq3A_1838 : i32
        %jit3A_1840 = arith.constant 1 : i32
        %select_n3A_1841 = arith.select %eq3A_1839, %jit3A_1840, %jit3A_1837 : i32
        %rem3A_1842 = vector.broadcast %select_n3A_1841 : i32 to vector<16xi32>
        %rem3A_1843 = arith.remsi %add3A_1836, %rem3A_1842 : vector<16xi32>
        %ne3A_1844 = arith.constant 0 : i32
        %ne3A_1845 = vector.broadcast %ne3A_1844 : i32 to vector<16xi32>
        %ne3A_1846 = arith.cmpi ne, %rem3A_1843, %ne3A_1845 : vector<16xi32>
        %lt3A_1847 = arith.constant 0 : i32
        %lt3A_1848 = vector.broadcast %lt3A_1847 : i32 to vector<16xi32>
        %lt3A_1849 = arith.cmpi slt, %rem3A_1843, %lt3A_1848 : vector<16xi32>
        %lt3A_1850 = arith.constant 0 : i32
        %lt3A_1851 = arith.cmpi slt, %select_n3A_1841, %lt3A_1850 : i32
        %ne3A_1852 = vector.broadcast %lt3A_1851 : i1 to vector<16xi1>
        %ne3A_1853 = vector.broadcast %ne3A_1852 : vector<16xi1> to vector<16xi1>
        %ne3A_1854 = arith.xori %lt3A_1849, %ne3A_1853 : vector<16xi1>
        %and3A_1855 = arith.andi %ne3A_1854, %ne3A_1846 : vector<16xi1>
        %add3A_1856 = vector.broadcast %select_n3A_1841 : i32 to vector<16xi32>
        %add3A_1857 = arith.addi %rem3A_1843, %add3A_1856 : vector<16xi32>
        %select_n3A_1858 = arith.select %and3A_1855, %add3A_1857, %rem3A_1843 : vector<16xi1>, vector<16xi32>
        %broadcast_in_dim3A_1859 = vector.shape_cast %select_n3A_1858 : vector<16xi32> to vector<16x1xi32>
        %gather3A_1860 = vector.shape_cast %broadcast_in_dim3A_1859 : vector<16x1xi32> to vector<16xi32>
        %gather3A_1861 = tpu.dynamic_gather %add3A_1832[%gather3A_1860] in [0] : vector<16xi32>, vector<16xi32> -> vector<16xi32>
        %add3A_1862 = arith.addi %add3A_1832, %gather3A_1861 : vector<16xi32>
        %get3A_1863 = arith.constant 0 : index
        %get3A_1864 = tpu.vector_load %arg7[%get3A_1863] {strides = array<i32>} : memref<128xi32, #tpu.memory_space<vmem>>, vector<16xi32>,
        %get3A_1865 = vector.shape_cast %get3A_1864 : vector<16xi32> to vector<16xi32>
        %eq3A_1866 = arith.cmpi eq, %add3A_175, %add3A_1862 : vector<16xi32>
        %lt3A_1867 = arith.constant 1073741824 : i32
        %lt3A_1868 = vector.broadcast %lt3A_1867 : i32 to vector<16xi32>
        %lt3A_1869 = arith.cmpi slt, %min3A_1700, %lt3A_1868 : vector<16xi32>
        %and3A_1870 = arith.andi %eq3A_1866, %lt3A_1869 : vector<16xi1>
        %select_n3A_1871 = arith.select %and3A_1870, %min3A_1700, %get3A_1865 : vector<16xi1>, vector<16xi32>
        %swap3A_1872 = arith.constant 0 : index
        %swap3A_1873 = tpu.vector_load %arg7[%swap3A_1872] {strides = array<i32>} : memref<128xi32, #tpu.memory_space<vmem>>, vector<16xi32>,
        %swap3A_1874 = vector.shape_cast %swap3A_1873 : vector<16xi32> to vector<16xi32>
        %swap3A_1875 = vector.shape_cast %select_n3A_1871 : vector<16xi32> to vector<16xi32>
        tpu.vector_store %arg7[%swap3A_1872], %swap3A_1875 {strides = array<i32>} : memref<128xi32, #tpu.memory_space<vmem>>, vector<16xi32>,
        %get3A_1876 = arith.constant 16 : index
        %get3A_1877 = tpu.vector_load %arg7[%get3A_1876] {strides = array<i32>} : memref<128xi32, #tpu.memory_space<vmem>>, vector<16xi32>,
        %get3A_1878 = vector.shape_cast %get3A_1877 : vector<16xi32> to vector<16xi32>
        %eq3A_1879 = arith.cmpi eq, %add3A_179, %add3A_1862 : vector<16xi32>
        %lt3A_1880 = arith.constant 1073741824 : i32
        %lt3A_1881 = vector.broadcast %lt3A_1880 : i32 to vector<16xi32>
        %lt3A_1882 = arith.cmpi slt, %min3A_1700, %lt3A_1881 : vector<16xi32>
        %and3A_1883 = arith.andi %eq3A_1879, %lt3A_1882 : vector<16xi1>
        %select_n3A_1884 = arith.select %and3A_1883, %min3A_1700, %get3A_1878 : vector<16xi1>, vector<16xi32>
        %swap3A_1885 = arith.constant 16 : index
        %swap3A_1886 = tpu.vector_load %arg7[%swap3A_1885] {strides = array<i32>} : memref<128xi32, #tpu.memory_space<vmem>>, vector<16xi32>,
        %swap3A_1887 = vector.shape_cast %swap3A_1886 : vector<16xi32> to vector<16xi32>
        %swap3A_1888 = vector.shape_cast %select_n3A_1884 : vector<16xi32> to vector<16xi32>
        tpu.vector_store %arg7[%swap3A_1885], %swap3A_1888 {strides = array<i32>} : memref<128xi32, #tpu.memory_space<vmem>>, vector<16xi32>,
        %get3A_1889 = arith.constant 32 : index
        %get3A_1890 = tpu.vector_load %arg7[%get3A_1889] {strides = array<i32>} : memref<128xi32, #tpu.memory_space<vmem>>, vector<16xi32>,
        %get3A_1891 = vector.shape_cast %get3A_1890 : vector<16xi32> to vector<16xi32>
        %eq3A_1892 = arith.cmpi eq, %add3A_183, %add3A_1862 : vector<16xi32>
        %lt3A_1893 = arith.constant 1073741824 : i32
        %lt3A_1894 = vector.broadcast %lt3A_1893 : i32 to vector<16xi32>
        %lt3A_1895 = arith.cmpi slt, %min3A_1700, %lt3A_1894 : vector<16xi32>
        %and3A_1896 = arith.andi %eq3A_1892, %lt3A_1895 : vector<16xi1>
        %select_n3A_1897 = arith.select %and3A_1896, %min3A_1700, %get3A_1891 : vector<16xi1>, vector<16xi32>
        %swap3A_1898 = arith.constant 32 : index
        %swap3A_1899 = tpu.vector_load %arg7[%swap3A_1898] {strides = array<i32>} : memref<128xi32, #tpu.memory_space<vmem>>, vector<16xi32>,
        %swap3A_1900 = vector.shape_cast %swap3A_1899 : vector<16xi32> to vector<16xi32>
        %swap3A_1901 = vector.shape_cast %select_n3A_1897 : vector<16xi32> to vector<16xi32>
        tpu.vector_store %arg7[%swap3A_1898], %swap3A_1901 {strides = array<i32>} : memref<128xi32, #tpu.memory_space<vmem>>, vector<16xi32>,
        %get3A_1902 = arith.constant 48 : index
        %get3A_1903 = tpu.vector_load %arg7[%get3A_1902] {strides = array<i32>} : memref<128xi32, #tpu.memory_space<vmem>>, vector<16xi32>,
        %get3A_1904 = vector.shape_cast %get3A_1903 : vector<16xi32> to vector<16xi32>
        %eq3A_1905 = arith.cmpi eq, %add3A_187, %add3A_1862 : vector<16xi32>
        %lt3A_1906 = arith.constant 1073741824 : i32
        %lt3A_1907 = vector.broadcast %lt3A_1906 : i32 to vector<16xi32>
        %lt3A_1908 = arith.cmpi slt, %min3A_1700, %lt3A_1907 : vector<16xi32>
        %and3A_1909 = arith.andi %eq3A_1905, %lt3A_1908 : vector<16xi1>
        %select_n3A_1910 = arith.select %and3A_1909, %min3A_1700, %get3A_1904 : vector<16xi1>, vector<16xi32>
        %swap3A_1911 = arith.constant 48 : index
        %swap3A_1912 = tpu.vector_load %arg7[%swap3A_1911] {strides = array<i32>} : memref<128xi32, #tpu.memory_space<vmem>>, vector<16xi32>,
        %swap3A_1913 = vector.shape_cast %swap3A_1912 : vector<16xi32> to vector<16xi32>
        %swap3A_1914 = vector.shape_cast %select_n3A_1910 : vector<16xi32> to vector<16xi32>
        tpu.vector_store %arg7[%swap3A_1911], %swap3A_1914 {strides = array<i32>} : memref<128xi32, #tpu.memory_space<vmem>>, vector<16xi32>,
        %scan3A_1915 = arith.constant 0 : i32
        scf.yield %scan3A_1915 : i32
      }
      %scan3A_1294 = arith.constant 55 : i32
      %get3A_1295 = arith.constant 0 : index
      %get3A_1296 = tpu.vector_load %arg7[%get3A_1295] {strides = array<i32>} : memref<128xi32, #tpu.memory_space<vmem>>, vector<16xi32>,
      %get3A_1297 = vector.shape_cast %get3A_1296 : vector<16xi32> to vector<16xi32>
      %max3A = arith.constant 0 : i32
      %max3A_1298 = vector.broadcast %max3A : i32 to vector<16xi32>
      %max3A_1299 = arith.maxsi %get3A_1297, %max3A_1298 : vector<16xi32>
      %mul3A_1300 = arith.constant 896 : i32
      %mul3A_1301 = arith.muli %add3A, %mul3A_1300 : i32
      %add3A_1302 = vector.broadcast %mul3A_1301 : i32 to vector<16xi32>
      %add3A_1303 = arith.addi %max3A_1299, %add3A_1302 : vector<16xi32>
      %swap3A_1304 = arith.constant 0 : index
      %swap3A_1305 = tpu.vector_load %arg11[%swap3A_1304] {strides = array<i32>} : memref<64xi32, #tpu.memory_space<vmem>>, vector<16xi32>,
      %swap3A_1306 = vector.shape_cast %swap3A_1305 : vector<16xi32> to vector<16xi32>
      %swap3A_1307 = vector.shape_cast %add3A_1303 : vector<16xi32> to vector<16xi32>
      tpu.vector_store %arg11[%swap3A_1304], %swap3A_1307 {strides = array<i32>} : memref<64xi32, #tpu.memory_space<vmem>>, vector<16xi32>,
      %get3A_1308 = arith.constant 16 : index
      %get3A_1309 = tpu.vector_load %arg7[%get3A_1308] {strides = array<i32>} : memref<128xi32, #tpu.memory_space<vmem>>, vector<16xi32>,
      %get3A_1310 = vector.shape_cast %get3A_1309 : vector<16xi32> to vector<16xi32>
      %max3A_1311 = arith.constant 0 : i32
      %max3A_1312 = vector.broadcast %max3A_1311 : i32 to vector<16xi32>
      %max3A_1313 = arith.maxsi %get3A_1310, %max3A_1312 : vector<16xi32>
      %mul3A_1314 = arith.constant 896 : i32
      %mul3A_1315 = arith.muli %add3A, %mul3A_1314 : i32
      %add3A_1316 = vector.broadcast %mul3A_1315 : i32 to vector<16xi32>
      %add3A_1317 = arith.addi %max3A_1313, %add3A_1316 : vector<16xi32>
      %swap3A_1318 = arith.constant 16 : index
      %swap3A_1319 = tpu.vector_load %arg11[%swap3A_1318] {strides = array<i32>} : memref<64xi32, #tpu.memory_space<vmem>>, vector<16xi32>,
      %swap3A_1320 = vector.shape_cast %swap3A_1319 : vector<16xi32> to vector<16xi32>
      %swap3A_1321 = vector.shape_cast %add3A_1317 : vector<16xi32> to vector<16xi32>
      tpu.vector_store %arg11[%swap3A_1318], %swap3A_1321 {strides = array<i32>} : memref<64xi32, #tpu.memory_space<vmem>>, vector<16xi32>,
      %get3A_1322 = arith.constant 32 : index
      %get3A_1323 = tpu.vector_load %arg7[%get3A_1322] {strides = array<i32>} : memref<128xi32, #tpu.memory_space<vmem>>, vector<16xi32>,
      %get3A_1324 = vector.shape_cast %get3A_1323 : vector<16xi32> to vector<16xi32>
      %max3A_1325 = arith.constant 0 : i32
      %max3A_1326 = vector.broadcast %max3A_1325 : i32 to vector<16xi32>
      %max3A_1327 = arith.maxsi %get3A_1324, %max3A_1326 : vector<16xi32>
      %mul3A_1328 = arith.constant 896 : i32
      %mul3A_1329 = arith.muli %add3A, %mul3A_1328 : i32
      %add3A_1330 = vector.broadcast %mul3A_1329 : i32 to vector<16xi32>
      %add3A_1331 = arith.addi %max3A_1327, %add3A_1330 : vector<16xi32>
      %swap3A_1332 = arith.constant 32 : index
      %swap3A_1333 = tpu.vector_load %arg11[%swap3A_1332] {strides = array<i32>} : memref<64xi32, #tpu.memory_space<vmem>>, vector<16xi32>,
      %swap3A_1334 = vector.shape_cast %swap3A_1333 : vector<16xi32> to vector<16xi32>
      %swap3A_1335 = vector.shape_cast %add3A_1331 : vector<16xi32> to vector<16xi32>
      tpu.vector_store %arg11[%swap3A_1332], %swap3A_1335 {strides = array<i32>} : memref<64xi32, #tpu.memory_space<vmem>>, vector<16xi32>,
      %get3A_1336 = arith.constant 48 : index
      %get3A_1337 = tpu.vector_load %arg7[%get3A_1336] {strides = array<i32>} : memref<128xi32, #tpu.memory_space<vmem>>, vector<16xi32>,
      %get3A_1338 = vector.shape_cast %get3A_1337 : vector<16xi32> to vector<16xi32>
      %max3A_1339 = arith.constant 0 : i32
      %max3A_1340 = vector.broadcast %max3A_1339 : i32 to vector<16xi32>
      %max3A_1341 = arith.maxsi %get3A_1338, %max3A_1340 : vector<16xi32>
      %mul3A_1342 = arith.constant 896 : i32
      %mul3A_1343 = arith.muli %add3A, %mul3A_1342 : i32
      %add3A_1344 = vector.broadcast %mul3A_1343 : i32 to vector<16xi32>
      %add3A_1345 = arith.addi %max3A_1341, %add3A_1344 : vector<16xi32>
      %swap3A_1346 = arith.constant 48 : index
      %swap3A_1347 = tpu.vector_load %arg11[%swap3A_1346] {strides = array<i32>} : memref<64xi32, #tpu.memory_space<vmem>>, vector<16xi32>,
      %swap3A_1348 = vector.shape_cast %swap3A_1347 : vector<16xi32> to vector<16xi32>
      %swap3A_1349 = vector.shape_cast %add3A_1345 : vector<16xi32> to vector<16xi32>
      tpu.vector_store %arg11[%swap3A_1346], %swap3A_1349 {strides = array<i32>} : memref<64xi32, #tpu.memory_space<vmem>>, vector<16xi32>,
      "tpu.region"() ({
        %run_scoped3A = tpu.sem_alloc : memref<!tpu.dma_semaphore, #tpu.memory_space<semaphore_mem>>
        %dma_start3A = arith.constant 0 : i32
        %dma_start3A_1526 = tpu.memref_slice %arg2[%dma_start3A] : memref<7168xf32, #tpu.memory_space<hbm>> -> memref<7168xf32, #tpu.memory_space<hbm>>
        tpu.enqueue_indirect_dma source(%dma_start3A_1526 : memref<7168xf32, #tpu.memory_space<hbm>>) target(%arg12 : memref<64xf32, #tpu.memory_space<vmem>>) offsets(%arg11 : memref<64xi32, #tpu.memory_space<vmem>>) semaphore(%run_scoped3A : memref<!tpu.dma_semaphore, #tpu.memory_space<semaphore_mem>>)
        %dma_wait3A = arith.constant 0 : i32
        %dma_wait3A_1527 = tpu.memref_slice %arg2[%dma_wait3A] : memref<7168xf32, #tpu.memory_space<hbm>> -> memref<7168xf32, #tpu.memory_space<hbm>>
        tpu.wait_indirect_dma semaphore(%run_scoped3A : memref<!tpu.dma_semaphore, #tpu.memory_space<semaphore_mem>>) src(%dma_wait3A_1527 : memref<7168xf32, #tpu.memory_space<hbm>>) dst(%arg12 : memref<64xf32, #tpu.memory_space<vmem>>)
        tpu.yield
      }) : () -> ()
      %get3A_1350 = arith.constant 0 : index
      %get3A_1351 = tpu.vector_load %arg7[%get3A_1350] {strides = array<i32>} : memref<128xi32, #tpu.memory_space<vmem>>, vector<16xi32>,
      %get3A_1352 = vector.shape_cast %get3A_1351 : vector<16xi32> to vector<16xi32>
      %lt3A_1353 = arith.cmpi slt, %add3A_175, %sub3A_1263 : vector<16xi32>
      %ge3A = arith.constant 0 : i32
      %ge3A_1354 = vector.broadcast %ge3A : i32 to vector<16xi32>
      %ge3A_1355 = arith.cmpi sge, %get3A_1352, %ge3A_1354 : vector<16xi32>
      %and3A_1356 = arith.andi %lt3A_1353, %ge3A_1355 : vector<16xi1>
      %get3A_1357 = arith.constant 0 : index
      %get3A_1358 = tpu.vector_load %arg12[%get3A_1357] {strides = array<i32>} : memref<64xf32, #tpu.memory_space<vmem>>, vector<16xf32>,
      %get3A_1359 = vector.shape_cast %get3A_1358 : vector<16xf32> to vector<16xf32>
      %jit3A_1360 = arith.constant 1.000000e+09 : f32
      %broadcast_in_dim3A_1361 = vector.broadcast %jit3A_1360 : f32 to vector<16xf32>
      %select_n3A_1362 = arith.select %and3A_1356, %get3A_1359, %broadcast_in_dim3A_1361 : vector<16xi1>, vector<16xf32>
      %swap3A_1363 = arith.constant 0 : index
      %swap3A_1364 = tpu.vector_load %arg8[%swap3A_1363] {strides = array<i32>} : memref<128xf32, #tpu.memory_space<vmem>>, vector<16xf32>,
      %swap3A_1365 = vector.shape_cast %swap3A_1364 : vector<16xf32> to vector<16xf32>
      %swap3A_1366 = vector.shape_cast %select_n3A_1362 : vector<16xf32> to vector<16xf32>
      tpu.vector_store %arg8[%swap3A_1363], %swap3A_1366 {strides = array<i32>} : memref<128xf32, #tpu.memory_space<vmem>>, vector<16xf32>,
      %get3A_1367 = arith.constant 16 : index
      %get3A_1368 = tpu.vector_load %arg7[%get3A_1367] {strides = array<i32>} : memref<128xi32, #tpu.memory_space<vmem>>, vector<16xi32>,
      %get3A_1369 = vector.shape_cast %get3A_1368 : vector<16xi32> to vector<16xi32>
      %lt3A_1370 = arith.cmpi slt, %add3A_179, %sub3A_1263 : vector<16xi32>
      %ge3A_1371 = arith.constant 0 : i32
      %ge3A_1372 = vector.broadcast %ge3A_1371 : i32 to vector<16xi32>
      %ge3A_1373 = arith.cmpi sge, %get3A_1369, %ge3A_1372 : vector<16xi32>
      %and3A_1374 = arith.andi %lt3A_1370, %ge3A_1373 : vector<16xi1>
      %get3A_1375 = arith.constant 16 : index
      %get3A_1376 = tpu.vector_load %arg12[%get3A_1375] {strides = array<i32>} : memref<64xf32, #tpu.memory_space<vmem>>, vector<16xf32>,
      %get3A_1377 = vector.shape_cast %get3A_1376 : vector<16xf32> to vector<16xf32>
      %jit3A_1378 = arith.constant 1.000000e+09 : f32
      %broadcast_in_dim3A_1379 = vector.broadcast %jit3A_1378 : f32 to vector<16xf32>
      %select_n3A_1380 = arith.select %and3A_1374, %get3A_1377, %broadcast_in_dim3A_1379 : vector<16xi1>, vector<16xf32>
      %swap3A_1381 = arith.constant 16 : index
      %swap3A_1382 = tpu.vector_load %arg8[%swap3A_1381] {strides = array<i32>} : memref<128xf32, #tpu.memory_space<vmem>>, vector<16xf32>,
      %swap3A_1383 = vector.shape_cast %swap3A_1382 : vector<16xf32> to vector<16xf32>
      %swap3A_1384 = vector.shape_cast %select_n3A_1380 : vector<16xf32> to vector<16xf32>
      tpu.vector_store %arg8[%swap3A_1381], %swap3A_1384 {strides = array<i32>} : memref<128xf32, #tpu.memory_space<vmem>>, vector<16xf32>,
      %get3A_1385 = arith.constant 32 : index
      %get3A_1386 = tpu.vector_load %arg7[%get3A_1385] {strides = array<i32>} : memref<128xi32, #tpu.memory_space<vmem>>, vector<16xi32>,
      %get3A_1387 = vector.shape_cast %get3A_1386 : vector<16xi32> to vector<16xi32>
      %lt3A_1388 = arith.cmpi slt, %add3A_183, %sub3A_1263 : vector<16xi32>
      %ge3A_1389 = arith.constant 0 : i32
      %ge3A_1390 = vector.broadcast %ge3A_1389 : i32 to vector<16xi32>
      %ge3A_1391 = arith.cmpi sge, %get3A_1387, %ge3A_1390 : vector<16xi32>
      %and3A_1392 = arith.andi %lt3A_1388, %ge3A_1391 : vector<16xi1>
      %get3A_1393 = arith.constant 32 : index
      %get3A_1394 = tpu.vector_load %arg12[%get3A_1393] {strides = array<i32>} : memref<64xf32, #tpu.memory_space<vmem>>, vector<16xf32>,
      %get3A_1395 = vector.shape_cast %get3A_1394 : vector<16xf32> to vector<16xf32>
      %jit3A_1396 = arith.constant 1.000000e+09 : f32
      %broadcast_in_dim3A_1397 = vector.broadcast %jit3A_1396 : f32 to vector<16xf32>
      %select_n3A_1398 = arith.select %and3A_1392, %get3A_1395, %broadcast_in_dim3A_1397 : vector<16xi1>, vector<16xf32>
      %swap3A_1399 = arith.constant 32 : index
      %swap3A_1400 = tpu.vector_load %arg8[%swap3A_1399] {strides = array<i32>} : memref<128xf32, #tpu.memory_space<vmem>>, vector<16xf32>,
      %swap3A_1401 = vector.shape_cast %swap3A_1400 : vector<16xf32> to vector<16xf32>
      %swap3A_1402 = vector.shape_cast %select_n3A_1398 : vector<16xf32> to vector<16xf32>
      tpu.vector_store %arg8[%swap3A_1399], %swap3A_1402 {strides = array<i32>} : memref<128xf32, #tpu.memory_space<vmem>>, vector<16xf32>,
      %get3A_1403 = arith.constant 48 : index
      %get3A_1404 = tpu.vector_load %arg7[%get3A_1403] {strides = array<i32>} : memref<128xi32, #tpu.memory_space<vmem>>, vector<16xi32>,
      %get3A_1405 = vector.shape_cast %get3A_1404 : vector<16xi32> to vector<16xi32>
      %lt3A_1406 = arith.cmpi slt, %add3A_187, %sub3A_1263 : vector<16xi32>
      %ge3A_1407 = arith.constant 0 : i32
      %ge3A_1408 = vector.broadcast %ge3A_1407 : i32 to vector<16xi32>
      %ge3A_1409 = arith.cmpi sge, %get3A_1405, %ge3A_1408 : vector<16xi32>
      %and3A_1410 = arith.andi %lt3A_1406, %ge3A_1409 : vector<16xi1>
      %get3A_1411 = arith.constant 48 : index
      %get3A_1412 = tpu.vector_load %arg12[%get3A_1411] {strides = array<i32>} : memref<64xf32, #tpu.memory_space<vmem>>, vector<16xf32>,
      %get3A_1413 = vector.shape_cast %get3A_1412 : vector<16xf32> to vector<16xf32>
      %jit3A_1414 = arith.constant 1.000000e+09 : f32
      %broadcast_in_dim3A_1415 = vector.broadcast %jit3A_1414 : f32 to vector<16xf32>
      %select_n3A_1416 = arith.select %and3A_1410, %get3A_1413, %broadcast_in_dim3A_1415 : vector<16xi1>, vector<16xf32>
      %swap3A_1417 = arith.constant 48 : index
      %swap3A_1418 = tpu.vector_load %arg8[%swap3A_1417] {strides = array<i32>} : memref<128xf32, #tpu.memory_space<vmem>>, vector<16xf32>,
      %swap3A_1419 = vector.shape_cast %swap3A_1418 : vector<16xf32> to vector<16xf32>
      %swap3A_1420 = vector.shape_cast %select_n3A_1416 : vector<16xf32> to vector<16xf32>
      tpu.vector_store %arg8[%swap3A_1417], %swap3A_1420 {strides = array<i32>} : memref<128xf32, #tpu.memory_space<vmem>>, vector<16xf32>,
      %broadcast_in_dim3A_1421 = arith.constant -1.000000e+00 : f32
      %broadcast_in_dim3A_1422 = vector.broadcast %broadcast_in_dim3A_1421 : f32 to vector<16xf32>
      %broadcast_in_dim3A_1423 = arith.constant -1 : i32
      %broadcast_in_dim3A_1424 = vector.broadcast %broadcast_in_dim3A_1423 : i32 to vector<16xi32>
      %scan3A_1425 = arith.constant 0 : i32
      %scan3A_1426 = arith.constant 50 : i32
      %scan3A_1427 = arith.addi %scan3A_1425, %scan3A_1426 : i32
      %scan3A_1428 = arith.constant 1 : i32
      %scan3A_1429:2 = scf.for %scan3A_1526 = %scan3A_1425 to %scan3A_1427 step %scan3A_1428 iter_args(%scan3A_1527 = %broadcast_in_dim3A_1422, %scan3A_1528 = %broadcast_in_dim3A_1424) -> (vector<16xf32>, vector<16xi32>)  : i32 {
        %broadcast_in_dim3A_1529 = arith.constant 3.000000e+09 : f32
        %broadcast_in_dim3A_1530 = vector.broadcast %broadcast_in_dim3A_1529 : f32 to vector<16xf32>
        %broadcast_in_dim3A_1531 = arith.constant 1073741824 : i32
        %broadcast_in_dim3A_1532 = vector.broadcast %broadcast_in_dim3A_1531 : i32 to vector<16xi32>
        %get3A_1533 = arith.constant 0 : index
        %get3A_1534 = tpu.vector_load %arg8[%get3A_1533] {strides = array<i32>} : memref<128xf32, #tpu.memory_space<vmem>>, vector<16xf32>,
        %get3A_1535 = vector.shape_cast %get3A_1534 : vector<16xf32> to vector<16xf32>
        %gt3A_1536 = arith.cmpf ogt, %get3A_1535, %scan3A_1527 : vector<16xf32>
        %eq3A_1537 = arith.cmpf oeq, %get3A_1535, %scan3A_1527 : vector<16xf32>
        %gt3A_1538 = arith.cmpi sgt, %add3A_175, %scan3A_1528 : vector<16xi32>
        %and3A_1539 = arith.andi %eq3A_1537, %gt3A_1538 : vector<16xi1>
        %or3A = arith.ori %gt3A_1536, %and3A_1539 : vector<16xi1>
        %jit3A_1540 = arith.constant 3.000000e+09 : f32
        %broadcast_in_dim3A_1541 = vector.broadcast %jit3A_1540 : f32 to vector<16xf32>
        %select_n3A_1542 = arith.select %or3A, %get3A_1535, %broadcast_in_dim3A_1541 : vector<16xi1>, vector<16xf32>
        %lt3A_1543 = arith.cmpf olt, %select_n3A_1542, %broadcast_in_dim3A_1530 : vector<16xf32>
        %select_n3A_1544 = arith.select %lt3A_1543, %select_n3A_1542, %broadcast_in_dim3A_1530 : vector<16xi1>, vector<16xf32>
        %select_n3A_1545 = arith.select %lt3A_1543, %add3A_175, %broadcast_in_dim3A_1532 : vector<16xi1>, vector<16xi32>
        %get3A_1546 = arith.constant 16 : index
        %get3A_1547 = tpu.vector_load %arg8[%get3A_1546] {strides = array<i32>} : memref<128xf32, #tpu.memory_space<vmem>>, vector<16xf32>,
        %get3A_1548 = vector.shape_cast %get3A_1547 : vector<16xf32> to vector<16xf32>
        %gt3A_1549 = arith.cmpf ogt, %get3A_1548, %scan3A_1527 : vector<16xf32>
        %eq3A_1550 = arith.cmpf oeq, %get3A_1548, %scan3A_1527 : vector<16xf32>
        %gt3A_1551 = arith.cmpi sgt, %add3A_179, %scan3A_1528 : vector<16xi32>
        %and3A_1552 = arith.andi %eq3A_1550, %gt3A_1551 : vector<16xi1>
        %or3A_1553 = arith.ori %gt3A_1549, %and3A_1552 : vector<16xi1>
        %jit3A_1554 = arith.constant 3.000000e+09 : f32
        %broadcast_in_dim3A_1555 = vector.broadcast %jit3A_1554 : f32 to vector<16xf32>
        %select_n3A_1556 = arith.select %or3A_1553, %get3A_1548, %broadcast_in_dim3A_1555 : vector<16xi1>, vector<16xf32>
        %lt3A_1557 = arith.cmpf olt, %select_n3A_1556, %select_n3A_1544 : vector<16xf32>
        %select_n3A_1558 = arith.select %lt3A_1557, %select_n3A_1556, %select_n3A_1544 : vector<16xi1>, vector<16xf32>
        %select_n3A_1559 = arith.select %lt3A_1557, %add3A_179, %select_n3A_1545 : vector<16xi1>, vector<16xi32>
        %get3A_1560 = arith.constant 32 : index
        %get3A_1561 = tpu.vector_load %arg8[%get3A_1560] {strides = array<i32>} : memref<128xf32, #tpu.memory_space<vmem>>, vector<16xf32>,
        %get3A_1562 = vector.shape_cast %get3A_1561 : vector<16xf32> to vector<16xf32>
        %gt3A_1563 = arith.cmpf ogt, %get3A_1562, %scan3A_1527 : vector<16xf32>
        %eq3A_1564 = arith.cmpf oeq, %get3A_1562, %scan3A_1527 : vector<16xf32>
        %gt3A_1565 = arith.cmpi sgt, %add3A_183, %scan3A_1528 : vector<16xi32>
        %and3A_1566 = arith.andi %eq3A_1564, %gt3A_1565 : vector<16xi1>
        %or3A_1567 = arith.ori %gt3A_1563, %and3A_1566 : vector<16xi1>
        %jit3A_1568 = arith.constant 3.000000e+09 : f32
        %broadcast_in_dim3A_1569 = vector.broadcast %jit3A_1568 : f32 to vector<16xf32>
        %select_n3A_1570 = arith.select %or3A_1567, %get3A_1562, %broadcast_in_dim3A_1569 : vector<16xi1>, vector<16xf32>
        %lt3A_1571 = arith.cmpf olt, %select_n3A_1570, %select_n3A_1558 : vector<16xf32>
        %select_n3A_1572 = arith.select %lt3A_1571, %select_n3A_1570, %select_n3A_1558 : vector<16xi1>, vector<16xf32>
        %select_n3A_1573 = arith.select %lt3A_1571, %add3A_183, %select_n3A_1559 : vector<16xi1>, vector<16xi32>
        %get3A_1574 = arith.constant 48 : index
        %get3A_1575 = tpu.vector_load %arg8[%get3A_1574] {strides = array<i32>} : memref<128xf32, #tpu.memory_space<vmem>>, vector<16xf32>,
        %get3A_1576 = vector.shape_cast %get3A_1575 : vector<16xf32> to vector<16xf32>
        %gt3A_1577 = arith.cmpf ogt, %get3A_1576, %scan3A_1527 : vector<16xf32>
        %eq3A_1578 = arith.cmpf oeq, %get3A_1576, %scan3A_1527 : vector<16xf32>
        %gt3A_1579 = arith.cmpi sgt, %add3A_187, %scan3A_1528 : vector<16xi32>
        %and3A_1580 = arith.andi %eq3A_1578, %gt3A_1579 : vector<16xi1>
        %or3A_1581 = arith.ori %gt3A_1577, %and3A_1580 : vector<16xi1>
        %jit3A_1582 = arith.constant 3.000000e+09 : f32
        %broadcast_in_dim3A_1583 = vector.broadcast %jit3A_1582 : f32 to vector<16xf32>
        %select_n3A_1584 = arith.select %or3A_1581, %get3A_1576, %broadcast_in_dim3A_1583 : vector<16xi1>, vector<16xf32>
        %lt3A_1585 = arith.cmpf olt, %select_n3A_1584, %select_n3A_1572 : vector<16xf32>
        %select_n3A_1586 = arith.select %lt3A_1585, %select_n3A_1584, %select_n3A_1572 : vector<16xi1>, vector<16xf32>
        %select_n3A_1587 = arith.select %lt3A_1585, %add3A_187, %select_n3A_1573 : vector<16xi1>, vector<16xi32>
        %iota3A_1588 = tpu.iota {dimensions = array<i32: 0>} : vector<16xi32>
        %add3A_1589 = arith.constant 8 : i32
        %add3A_1590 = vector.broadcast %add3A_1589 : i32 to vector<16xi32>
        %add3A_1591 = arith.addi %iota3A_1588, %add3A_1590 : vector<16xi32>
        %jit3A_1592 = arith.constant 16 : i32
        %eq3A_1593 = arith.constant 0 : i32
        %eq3A_1594 = arith.cmpi eq, %jit3A_1592, %eq3A_1593 : i32
        %jit3A_1595 = arith.constant 1 : i32
        %select_n3A_1596 = arith.select %eq3A_1594, %jit3A_1595, %jit3A_1592 : i32
        %rem3A_1597 = vector.broadcast %select_n3A_1596 : i32 to vector<16xi32>
        %rem3A_1598 = arith.remsi %add3A_1591, %rem3A_1597 : vector<16xi32>
        %ne3A_1599 = arith.constant 0 : i32
        %ne3A_1600 = vector.broadcast %ne3A_1599 : i32 to vector<16xi32>
        %ne3A_1601 = arith.cmpi ne, %rem3A_1598, %ne3A_1600 : vector<16xi32>
        %lt3A_1602 = arith.constant 0 : i32
        %lt3A_1603 = vector.broadcast %lt3A_1602 : i32 to vector<16xi32>
        %lt3A_1604 = arith.cmpi slt, %rem3A_1598, %lt3A_1603 : vector<16xi32>
        %lt3A_1605 = arith.constant 0 : i32
        %lt3A_1606 = arith.cmpi slt, %select_n3A_1596, %lt3A_1605 : i32
        %ne3A_1607 = vector.broadcast %lt3A_1606 : i1 to vector<16xi1>
        %ne3A_1608 = vector.broadcast %ne3A_1607 : vector<16xi1> to vector<16xi1>
        %ne3A_1609 = arith.xori %lt3A_1604, %ne3A_1608 : vector<16xi1>
        %and3A_1610 = arith.andi %ne3A_1609, %ne3A_1601 : vector<16xi1>
        %add3A_1611 = vector.broadcast %select_n3A_1596 : i32 to vector<16xi32>
        %add3A_1612 = arith.addi %rem3A_1598, %add3A_1611 : vector<16xi32>
        %select_n3A_1613 = arith.select %and3A_1610, %add3A_1612, %rem3A_1598 : vector<16xi1>, vector<16xi32>
        %broadcast_in_dim3A_1614 = vector.shape_cast %select_n3A_1613 : vector<16xi32> to vector<16x1xi32>
        %gather3A_1615 = vector.shape_cast %broadcast_in_dim3A_1614 : vector<16x1xi32> to vector<16xi32>
        %gather3A_1616 = tpu.dynamic_gather %select_n3A_1586[%gather3A_1615] in [0] : vector<16xf32>, vector<16xi32> -> vector<16xf32>
        %min3A = arith.minimumf %select_n3A_1586, %gather3A_1616 : vector<16xf32>
        %iota3A_1617 = tpu.iota {dimensions = array<i32: 0>} : vector<16xi32>
        %add3A_1618 = arith.constant 4 : i32
        %add3A_1619 = vector.broadcast %add3A_1618 : i32 to vector<16xi32>
        %add3A_1620 = arith.addi %iota3A_1617, %add3A_1619 : vector<16xi32>
        %jit3A_1621 = arith.constant 16 : i32
        %eq3A_1622 = arith.constant 0 : i32
        %eq3A_1623 = arith.cmpi eq, %jit3A_1621, %eq3A_1622 : i32
        %jit3A_1624 = arith.constant 1 : i32
        %select_n3A_1625 = arith.select %eq3A_1623, %jit3A_1624, %jit3A_1621 : i32
        %rem3A_1626 = vector.broadcast %select_n3A_1625 : i32 to vector<16xi32>
        %rem3A_1627 = arith.remsi %add3A_1620, %rem3A_1626 : vector<16xi32>
        %ne3A_1628 = arith.constant 0 : i32
        %ne3A_1629 = vector.broadcast %ne3A_1628 : i32 to vector<16xi32>
        %ne3A_1630 = arith.cmpi ne, %rem3A_1627, %ne3A_1629 : vector<16xi32>
        %lt3A_1631 = arith.constant 0 : i32
        %lt3A_1632 = vector.broadcast %lt3A_1631 : i32 to vector<16xi32>
        %lt3A_1633 = arith.cmpi slt, %rem3A_1627, %lt3A_1632 : vector<16xi32>
        %lt3A_1634 = arith.constant 0 : i32
        %lt3A_1635 = arith.cmpi slt, %select_n3A_1625, %lt3A_1634 : i32
        %ne3A_1636 = vector.broadcast %lt3A_1635 : i1 to vector<16xi1>
        %ne3A_1637 = vector.broadcast %ne3A_1636 : vector<16xi1> to vector<16xi1>
        %ne3A_1638 = arith.xori %lt3A_1633, %ne3A_1637 : vector<16xi1>
        %and3A_1639 = arith.andi %ne3A_1638, %ne3A_1630 : vector<16xi1>
        %add3A_1640 = vector.broadcast %select_n3A_1625 : i32 to vector<16xi32>
        %add3A_1641 = arith.addi %rem3A_1627, %add3A_1640 : vector<16xi32>
        %select_n3A_1642 = arith.select %and3A_1639, %add3A_1641, %rem3A_1627 : vector<16xi1>, vector<16xi32>
        %broadcast_in_dim3A_1643 = vector.shape_cast %select_n3A_1642 : vector<16xi32> to vector<16x1xi32>
        %gather3A_1644 = vector.shape_cast %broadcast_in_dim3A_1643 : vector<16x1xi32> to vector<16xi32>
        %gather3A_1645 = tpu.dynamic_gather %min3A[%gather3A_1644] in [0] : vector<16xf32>, vector<16xi32> -> vector<16xf32>
        %min3A_1646 = arith.minimumf %min3A, %gather3A_1645 : vector<16xf32>
        %iota3A_1647 = tpu.iota {dimensions = array<i32: 0>} : vector<16xi32>
        %add3A_1648 = arith.constant 2 : i32
        %add3A_1649 = vector.broadcast %add3A_1648 : i32 to vector<16xi32>
        %add3A_1650 = arith.addi %iota3A_1647, %add3A_1649 : vector<16xi32>
        %jit3A_1651 = arith.constant 16 : i32
        %eq3A_1652 = arith.constant 0 : i32
        %eq3A_1653 = arith.cmpi eq, %jit3A_1651, %eq3A_1652 : i32
        %jit3A_1654 = arith.constant 1 : i32
        %select_n3A_1655 = arith.select %eq3A_1653, %jit3A_1654, %jit3A_1651 : i32
        %rem3A_1656 = vector.broadcast %select_n3A_1655 : i32 to vector<16xi32>
        %rem3A_1657 = arith.remsi %add3A_1650, %rem3A_1656 : vector<16xi32>
        %ne3A_1658 = arith.constant 0 : i32
        %ne3A_1659 = vector.broadcast %ne3A_1658 : i32 to vector<16xi32>
        %ne3A_1660 = arith.cmpi ne, %rem3A_1657, %ne3A_1659 : vector<16xi32>
        %lt3A_1661 = arith.constant 0 : i32
        %lt3A_1662 = vector.broadcast %lt3A_1661 : i32 to vector<16xi32>
        %lt3A_1663 = arith.cmpi slt, %rem3A_1657, %lt3A_1662 : vector<16xi32>
        %lt3A_1664 = arith.constant 0 : i32
        %lt3A_1665 = arith.cmpi slt, %select_n3A_1655, %lt3A_1664 : i32
        %ne3A_1666 = vector.broadcast %lt3A_1665 : i1 to vector<16xi1>
        %ne3A_1667 = vector.broadcast %ne3A_1666 : vector<16xi1> to vector<16xi1>
        %ne3A_1668 = arith.xori %lt3A_1663, %ne3A_1667 : vector<16xi1>
        %and3A_1669 = arith.andi %ne3A_1668, %ne3A_1660 : vector<16xi1>
        %add3A_1670 = vector.broadcast %select_n3A_1655 : i32 to vector<16xi32>
        %add3A_1671 = arith.addi %rem3A_1657, %add3A_1670 : vector<16xi32>
        %select_n3A_1672 = arith.select %and3A_1669, %add3A_1671, %rem3A_1657 : vector<16xi1>, vector<16xi32>
        %broadcast_in_dim3A_1673 = vector.shape_cast %select_n3A_1672 : vector<16xi32> to vector<16x1xi32>
        %gather3A_1674 = vector.shape_cast %broadcast_in_dim3A_1673 : vector<16x1xi32> to vector<16xi32>
        %gather3A_1675 = tpu.dynamic_gather %min3A_1646[%gather3A_1674] in [0] : vector<16xf32>, vector<16xi32> -> vector<16xf32>
        %min3A_1676 = arith.minimumf %min3A_1646, %gather3A_1675 : vector<16xf32>
        %iota3A_1677 = tpu.iota {dimensions = array<i32: 0>} : vector<16xi32>
        %add3A_1678 = arith.constant 1 : i32
        %add3A_1679 = vector.broadcast %add3A_1678 : i32 to vector<16xi32>
        %add3A_1680 = arith.addi %iota3A_1677, %add3A_1679 : vector<16xi32>
        %jit3A_1681 = arith.constant 16 : i32
        %eq3A_1682 = arith.constant 0 : i32
        %eq3A_1683 = arith.cmpi eq, %jit3A_1681, %eq3A_1682 : i32
        %jit3A_1684 = arith.constant 1 : i32
        %select_n3A_1685 = arith.select %eq3A_1683, %jit3A_1684, %jit3A_1681 : i32
        %rem3A_1686 = vector.broadcast %select_n3A_1685 : i32 to vector<16xi32>
        %rem3A_1687 = arith.remsi %add3A_1680, %rem3A_1686 : vector<16xi32>
        %ne3A_1688 = arith.constant 0 : i32
        %ne3A_1689 = vector.broadcast %ne3A_1688 : i32 to vector<16xi32>
        %ne3A_1690 = arith.cmpi ne, %rem3A_1687, %ne3A_1689 : vector<16xi32>
        %lt3A_1691 = arith.constant 0 : i32
        %lt3A_1692 = vector.broadcast %lt3A_1691 : i32 to vector<16xi32>
        %lt3A_1693 = arith.cmpi slt, %rem3A_1687, %lt3A_1692 : vector<16xi32>
        %lt3A_1694 = arith.constant 0 : i32
        %lt3A_1695 = arith.cmpi slt, %select_n3A_1685, %lt3A_1694 : i32
        %ne3A_1696 = vector.broadcast %lt3A_1695 : i1 to vector<16xi1>
        %ne3A_1697 = vector.broadcast %ne3A_1696 : vector<16xi1> to vector<16xi1>
        %ne3A_1698 = arith.xori %lt3A_1693, %ne3A_1697 : vector<16xi1>
        %and3A_1699 = arith.andi %ne3A_1698, %ne3A_1690 : vector<16xi1>
        %add3A_1700 = vector.broadcast %select_n3A_1685 : i32 to vector<16xi32>
        %add3A_1701 = arith.addi %rem3A_1687, %add3A_1700 : vector<16xi32>
        %select_n3A_1702 = arith.select %and3A_1699, %add3A_1701, %rem3A_1687 : vector<16xi1>, vector<16xi32>
        %broadcast_in_dim3A_1703 = vector.shape_cast %select_n3A_1702 : vector<16xi32> to vector<16x1xi32>
        %gather3A_1704 = vector.shape_cast %broadcast_in_dim3A_1703 : vector<16x1xi32> to vector<16xi32>
        %gather3A_1705 = tpu.dynamic_gather %min3A_1676[%gather3A_1704] in [0] : vector<16xf32>, vector<16xi32> -> vector<16xf32>
        %min3A_1706 = arith.minimumf %min3A_1676, %gather3A_1705 : vector<16xf32>
        %eq3A_1707 = arith.cmpf oeq, %select_n3A_1586, %min3A_1706 : vector<16xf32>
        %jit3A_1708 = arith.constant 1073741824 : i32
        %broadcast_in_dim3A_1709 = vector.broadcast %jit3A_1708 : i32 to vector<16xi32>
        %select_n3A_1710 = arith.select %eq3A_1707, %select_n3A_1587, %broadcast_in_dim3A_1709 : vector<16xi1>, vector<16xi32>
        %iota3A_1711 = tpu.iota {dimensions = array<i32: 0>} : vector<16xi32>
        %add3A_1712 = arith.constant 8 : i32
        %add3A_1713 = vector.broadcast %add3A_1712 : i32 to vector<16xi32>
        %add3A_1714 = arith.addi %iota3A_1711, %add3A_1713 : vector<16xi32>
        %jit3A_1715 = arith.constant 16 : i32
        %eq3A_1716 = arith.constant 0 : i32
        %eq3A_1717 = arith.cmpi eq, %jit3A_1715, %eq3A_1716 : i32
        %jit3A_1718 = arith.constant 1 : i32
        %select_n3A_1719 = arith.select %eq3A_1717, %jit3A_1718, %jit3A_1715 : i32
        %rem3A_1720 = vector.broadcast %select_n3A_1719 : i32 to vector<16xi32>
        %rem3A_1721 = arith.remsi %add3A_1714, %rem3A_1720 : vector<16xi32>
        %ne3A_1722 = arith.constant 0 : i32
        %ne3A_1723 = vector.broadcast %ne3A_1722 : i32 to vector<16xi32>
        %ne3A_1724 = arith.cmpi ne, %rem3A_1721, %ne3A_1723 : vector<16xi32>
        %lt3A_1725 = arith.constant 0 : i32
        %lt3A_1726 = vector.broadcast %lt3A_1725 : i32 to vector<16xi32>
        %lt3A_1727 = arith.cmpi slt, %rem3A_1721, %lt3A_1726 : vector<16xi32>
        %lt3A_1728 = arith.constant 0 : i32
        %lt3A_1729 = arith.cmpi slt, %select_n3A_1719, %lt3A_1728 : i32
        %ne3A_1730 = vector.broadcast %lt3A_1729 : i1 to vector<16xi1>
        %ne3A_1731 = vector.broadcast %ne3A_1730 : vector<16xi1> to vector<16xi1>
        %ne3A_1732 = arith.xori %lt3A_1727, %ne3A_1731 : vector<16xi1>
        %and3A_1733 = arith.andi %ne3A_1732, %ne3A_1724 : vector<16xi1>
        %add3A_1734 = vector.broadcast %select_n3A_1719 : i32 to vector<16xi32>
        %add3A_1735 = arith.addi %rem3A_1721, %add3A_1734 : vector<16xi32>
        %select_n3A_1736 = arith.select %and3A_1733, %add3A_1735, %rem3A_1721 : vector<16xi1>, vector<16xi32>
        %broadcast_in_dim3A_1737 = vector.shape_cast %select_n3A_1736 : vector<16xi32> to vector<16x1xi32>
        %gather3A_1738 = vector.shape_cast %broadcast_in_dim3A_1737 : vector<16x1xi32> to vector<16xi32>
        %gather3A_1739 = tpu.dynamic_gather %select_n3A_1710[%gather3A_1738] in [0] : vector<16xi32>, vector<16xi32> -> vector<16xi32>
        %min3A_1740 = arith.minsi %select_n3A_1710, %gather3A_1739 : vector<16xi32>
        %iota3A_1741 = tpu.iota {dimensions = array<i32: 0>} : vector<16xi32>
        %add3A_1742 = arith.constant 4 : i32
        %add3A_1743 = vector.broadcast %add3A_1742 : i32 to vector<16xi32>
        %add3A_1744 = arith.addi %iota3A_1741, %add3A_1743 : vector<16xi32>
        %jit3A_1745 = arith.constant 16 : i32
        %eq3A_1746 = arith.constant 0 : i32
        %eq3A_1747 = arith.cmpi eq, %jit3A_1745, %eq3A_1746 : i32
        %jit3A_1748 = arith.constant 1 : i32
        %select_n3A_1749 = arith.select %eq3A_1747, %jit3A_1748, %jit3A_1745 : i32
        %rem3A_1750 = vector.broadcast %select_n3A_1749 : i32 to vector<16xi32>
        %rem3A_1751 = arith.remsi %add3A_1744, %rem3A_1750 : vector<16xi32>
        %ne3A_1752 = arith.constant 0 : i32
        %ne3A_1753 = vector.broadcast %ne3A_1752 : i32 to vector<16xi32>
        %ne3A_1754 = arith.cmpi ne, %rem3A_1751, %ne3A_1753 : vector<16xi32>
        %lt3A_1755 = arith.constant 0 : i32
        %lt3A_1756 = vector.broadcast %lt3A_1755 : i32 to vector<16xi32>
        %lt3A_1757 = arith.cmpi slt, %rem3A_1751, %lt3A_1756 : vector<16xi32>
        %lt3A_1758 = arith.constant 0 : i32
        %lt3A_1759 = arith.cmpi slt, %select_n3A_1749, %lt3A_1758 : i32
        %ne3A_1760 = vector.broadcast %lt3A_1759 : i1 to vector<16xi1>
        %ne3A_1761 = vector.broadcast %ne3A_1760 : vector<16xi1> to vector<16xi1>
        %ne3A_1762 = arith.xori %lt3A_1757, %ne3A_1761 : vector<16xi1>
        %and3A_1763 = arith.andi %ne3A_1762, %ne3A_1754 : vector<16xi1>
        %add3A_1764 = vector.broadcast %select_n3A_1749 : i32 to vector<16xi32>
        %add3A_1765 = arith.addi %rem3A_1751, %add3A_1764 : vector<16xi32>
        %select_n3A_1766 = arith.select %and3A_1763, %add3A_1765, %rem3A_1751 : vector<16xi1>, vector<16xi32>
        %broadcast_in_dim3A_1767 = vector.shape_cast %select_n3A_1766 : vector<16xi32> to vector<16x1xi32>
        %gather3A_1768 = vector.shape_cast %broadcast_in_dim3A_1767 : vector<16x1xi32> to vector<16xi32>
        %gather3A_1769 = tpu.dynamic_gather %min3A_1740[%gather3A_1768] in [0] : vector<16xi32>, vector<16xi32> -> vector<16xi32>
        %min3A_1770 = arith.minsi %min3A_1740, %gather3A_1769 : vector<16xi32>
        %iota3A_1771 = tpu.iota {dimensions = array<i32: 0>} : vector<16xi32>
        %add3A_1772 = arith.constant 2 : i32
        %add3A_1773 = vector.broadcast %add3A_1772 : i32 to vector<16xi32>
        %add3A_1774 = arith.addi %iota3A_1771, %add3A_1773 : vector<16xi32>
        %jit3A_1775 = arith.constant 16 : i32
        %eq3A_1776 = arith.constant 0 : i32
        %eq3A_1777 = arith.cmpi eq, %jit3A_1775, %eq3A_1776 : i32
        %jit3A_1778 = arith.constant 1 : i32
        %select_n3A_1779 = arith.select %eq3A_1777, %jit3A_1778, %jit3A_1775 : i32
        %rem3A_1780 = vector.broadcast %select_n3A_1779 : i32 to vector<16xi32>
        %rem3A_1781 = arith.remsi %add3A_1774, %rem3A_1780 : vector<16xi32>
        %ne3A_1782 = arith.constant 0 : i32
        %ne3A_1783 = vector.broadcast %ne3A_1782 : i32 to vector<16xi32>
        %ne3A_1784 = arith.cmpi ne, %rem3A_1781, %ne3A_1783 : vector<16xi32>
        %lt3A_1785 = arith.constant 0 : i32
        %lt3A_1786 = vector.broadcast %lt3A_1785 : i32 to vector<16xi32>
        %lt3A_1787 = arith.cmpi slt, %rem3A_1781, %lt3A_1786 : vector<16xi32>
        %lt3A_1788 = arith.constant 0 : i32
        %lt3A_1789 = arith.cmpi slt, %select_n3A_1779, %lt3A_1788 : i32
        %ne3A_1790 = vector.broadcast %lt3A_1789 : i1 to vector<16xi1>
        %ne3A_1791 = vector.broadcast %ne3A_1790 : vector<16xi1> to vector<16xi1>
        %ne3A_1792 = arith.xori %lt3A_1787, %ne3A_1791 : vector<16xi1>
        %and3A_1793 = arith.andi %ne3A_1792, %ne3A_1784 : vector<16xi1>
        %add3A_1794 = vector.broadcast %select_n3A_1779 : i32 to vector<16xi32>
        %add3A_1795 = arith.addi %rem3A_1781, %add3A_1794 : vector<16xi32>
        %select_n3A_1796 = arith.select %and3A_1793, %add3A_1795, %rem3A_1781 : vector<16xi1>, vector<16xi32>
        %broadcast_in_dim3A_1797 = vector.shape_cast %select_n3A_1796 : vector<16xi32> to vector<16x1xi32>
        %gather3A_1798 = vector.shape_cast %broadcast_in_dim3A_1797 : vector<16x1xi32> to vector<16xi32>
        %gather3A_1799 = tpu.dynamic_gather %min3A_1770[%gather3A_1798] in [0] : vector<16xi32>, vector<16xi32> -> vector<16xi32>
        %min3A_1800 = arith.minsi %min3A_1770, %gather3A_1799 : vector<16xi32>
        %iota3A_1801 = tpu.iota {dimensions = array<i32: 0>} : vector<16xi32>
        %add3A_1802 = arith.constant 1 : i32
        %add3A_1803 = vector.broadcast %add3A_1802 : i32 to vector<16xi32>
        %add3A_1804 = arith.addi %iota3A_1801, %add3A_1803 : vector<16xi32>
        %jit3A_1805 = arith.constant 16 : i32
        %eq3A_1806 = arith.constant 0 : i32
        %eq3A_1807 = arith.cmpi eq, %jit3A_1805, %eq3A_1806 : i32
        %jit3A_1808 = arith.constant 1 : i32
        %select_n3A_1809 = arith.select %eq3A_1807, %jit3A_1808, %jit3A_1805 : i32
        %rem3A_1810 = vector.broadcast %select_n3A_1809 : i32 to vector<16xi32>
        %rem3A_1811 = arith.remsi %add3A_1804, %rem3A_1810 : vector<16xi32>
        %ne3A_1812 = arith.constant 0 : i32
        %ne3A_1813 = vector.broadcast %ne3A_1812 : i32 to vector<16xi32>
        %ne3A_1814 = arith.cmpi ne, %rem3A_1811, %ne3A_1813 : vector<16xi32>
        %lt3A_1815 = arith.constant 0 : i32
        %lt3A_1816 = vector.broadcast %lt3A_1815 : i32 to vector<16xi32>
        %lt3A_1817 = arith.cmpi slt, %rem3A_1811, %lt3A_1816 : vector<16xi32>
        %lt3A_1818 = arith.constant 0 : i32
        %lt3A_1819 = arith.cmpi slt, %select_n3A_1809, %lt3A_1818 : i32
        %ne3A_1820 = vector.broadcast %lt3A_1819 : i1 to vector<16xi1>
        %ne3A_1821 = vector.broadcast %ne3A_1820 : vector<16xi1> to vector<16xi1>
        %ne3A_1822 = arith.xori %lt3A_1817, %ne3A_1821 : vector<16xi1>
        %and3A_1823 = arith.andi %ne3A_1822, %ne3A_1814 : vector<16xi1>
        %add3A_1824 = vector.broadcast %select_n3A_1809 : i32 to vector<16xi32>
        %add3A_1825 = arith.addi %rem3A_1811, %add3A_1824 : vector<16xi32>
        %select_n3A_1826 = arith.select %and3A_1823, %add3A_1825, %rem3A_1811 : vector<16xi1>, vector<16xi32>
        %broadcast_in_dim3A_1827 = vector.shape_cast %select_n3A_1826 : vector<16xi32> to vector<16x1xi32>
        %gather3A_1828 = vector.shape_cast %broadcast_in_dim3A_1827 : vector<16x1xi32> to vector<16xi32>
        %gather3A_1829 = tpu.dynamic_gather %min3A_1800[%gather3A_1828] in [0] : vector<16xi32>, vector<16xi32> -> vector<16xi32>
        %min3A_1830 = arith.minsi %min3A_1800, %gather3A_1829 : vector<16xi32>
        %broadcast_in_dim3A_1831 = arith.constant 1073741824 : i32
        %broadcast_in_dim3A_1832 = vector.broadcast %broadcast_in_dim3A_1831 : i32 to vector<16xi32>
        %get3A_1833 = arith.constant 0 : index
        %get3A_1834 = tpu.vector_load %arg7[%get3A_1833] {strides = array<i32>} : memref<128xi32, #tpu.memory_space<vmem>>, vector<16xi32>,
        %get3A_1835 = vector.shape_cast %get3A_1834 : vector<16xi32> to vector<16xi32>
        %iota3A_1836 = tpu.iota {dimensions = array<i32: 0>} : vector<16xi32>
        %add3A_1837 = arith.constant 0 : i32
        %add3A_1838 = vector.broadcast %add3A_1837 : i32 to vector<16xi32>
        %add3A_1839 = arith.addi %iota3A_1836, %add3A_1838 : vector<16xi32>
        %eq3A_1840 = arith.cmpi eq, %add3A_1839, %min3A_1830 : vector<16xi32>
        %jit3A_1841 = arith.constant 1073741824 : i32
        %broadcast_in_dim3A_1842 = vector.broadcast %jit3A_1841 : i32 to vector<16xi32>
        %select_n3A_1843 = arith.select %eq3A_1840, %get3A_1835, %broadcast_in_dim3A_1842 : vector<16xi1>, vector<16xi32>
        %min3A_1844 = arith.minsi %broadcast_in_dim3A_1832, %select_n3A_1843 : vector<16xi32>
        %get3A_1845 = arith.constant 16 : index
        %get3A_1846 = tpu.vector_load %arg7[%get3A_1845] {strides = array<i32>} : memref<128xi32, #tpu.memory_space<vmem>>, vector<16xi32>,
        %get3A_1847 = vector.shape_cast %get3A_1846 : vector<16xi32> to vector<16xi32>
        %iota3A_1848 = tpu.iota {dimensions = array<i32: 0>} : vector<16xi32>
        %add3A_1849 = arith.constant 16 : i32
        %add3A_1850 = vector.broadcast %add3A_1849 : i32 to vector<16xi32>
        %add3A_1851 = arith.addi %iota3A_1848, %add3A_1850 : vector<16xi32>
        %eq3A_1852 = arith.cmpi eq, %add3A_1851, %min3A_1830 : vector<16xi32>
        %jit3A_1853 = arith.constant 1073741824 : i32
        %broadcast_in_dim3A_1854 = vector.broadcast %jit3A_1853 : i32 to vector<16xi32>
        %select_n3A_1855 = arith.select %eq3A_1852, %get3A_1847, %broadcast_in_dim3A_1854 : vector<16xi1>, vector<16xi32>
        %min3A_1856 = arith.minsi %min3A_1844, %select_n3A_1855 : vector<16xi32>
        %get3A_1857 = arith.constant 32 : index
        %get3A_1858 = tpu.vector_load %arg7[%get3A_1857] {strides = array<i32>} : memref<128xi32, #tpu.memory_space<vmem>>, vector<16xi32>,
        %get3A_1859 = vector.shape_cast %get3A_1858 : vector<16xi32> to vector<16xi32>
        %iota3A_1860 = tpu.iota {dimensions = array<i32: 0>} : vector<16xi32>
        %add3A_1861 = arith.constant 32 : i32
        %add3A_1862 = vector.broadcast %add3A_1861 : i32 to vector<16xi32>
        %add3A_1863 = arith.addi %iota3A_1860, %add3A_1862 : vector<16xi32>
        %eq3A_1864 = arith.cmpi eq, %add3A_1863, %min3A_1830 : vector<16xi32>
        %jit3A_1865 = arith.constant 1073741824 : i32
        %broadcast_in_dim3A_1866 = vector.broadcast %jit3A_1865 : i32 to vector<16xi32>
        %select_n3A_1867 = arith.select %eq3A_1864, %get3A_1859, %broadcast_in_dim3A_1866 : vector<16xi1>, vector<16xi32>
        %min3A_1868 = arith.minsi %min3A_1856, %select_n3A_1867 : vector<16xi32>
        %get3A_1869 = arith.constant 48 : index
        %get3A_1870 = tpu.vector_load %arg7[%get3A_1869] {strides = array<i32>} : memref<128xi32, #tpu.memory_space<vmem>>, vector<16xi32>,
        %get3A_1871 = vector.shape_cast %get3A_1870 : vector<16xi32> to vector<16xi32>
        %iota3A_1872 = tpu.iota {dimensions = array<i32: 0>} : vector<16xi32>
        %add3A_1873 = arith.constant 48 : i32
        %add3A_1874 = vector.broadcast %add3A_1873 : i32 to vector<16xi32>
        %add3A_1875 = arith.addi %iota3A_1872, %add3A_1874 : vector<16xi32>
        %eq3A_1876 = arith.cmpi eq, %add3A_1875, %min3A_1830 : vector<16xi32>
        %jit3A_1877 = arith.constant 1073741824 : i32
        %broadcast_in_dim3A_1878 = vector.broadcast %jit3A_1877 : i32 to vector<16xi32>
        %select_n3A_1879 = arith.select %eq3A_1876, %get3A_1871, %broadcast_in_dim3A_1878 : vector<16xi1>, vector<16xi32>
        %min3A_1880 = arith.minsi %min3A_1868, %select_n3A_1879 : vector<16xi32>
        %iota3A_1881 = tpu.iota {dimensions = array<i32: 0>} : vector<16xi32>
        %add3A_1882 = arith.constant 8 : i32
        %add3A_1883 = vector.broadcast %add3A_1882 : i32 to vector<16xi32>
        %add3A_1884 = arith.addi %iota3A_1881, %add3A_1883 : vector<16xi32>
        %jit3A_1885 = arith.constant 16 : i32
        %eq3A_1886 = arith.constant 0 : i32
        %eq3A_1887 = arith.cmpi eq, %jit3A_1885, %eq3A_1886 : i32
        %jit3A_1888 = arith.constant 1 : i32
        %select_n3A_1889 = arith.select %eq3A_1887, %jit3A_1888, %jit3A_1885 : i32
        %rem3A_1890 = vector.broadcast %select_n3A_1889 : i32 to vector<16xi32>
        %rem3A_1891 = arith.remsi %add3A_1884, %rem3A_1890 : vector<16xi32>
        %ne3A_1892 = arith.constant 0 : i32
        %ne3A_1893 = vector.broadcast %ne3A_1892 : i32 to vector<16xi32>
        %ne3A_1894 = arith.cmpi ne, %rem3A_1891, %ne3A_1893 : vector<16xi32>
        %lt3A_1895 = arith.constant 0 : i32
        %lt3A_1896 = vector.broadcast %lt3A_1895 : i32 to vector<16xi32>
        %lt3A_1897 = arith.cmpi slt, %rem3A_1891, %lt3A_1896 : vector<16xi32>
        %lt3A_1898 = arith.constant 0 : i32
        %lt3A_1899 = arith.cmpi slt, %select_n3A_1889, %lt3A_1898 : i32
        %ne3A_1900 = vector.broadcast %lt3A_1899 : i1 to vector<16xi1>
        %ne3A_1901 = vector.broadcast %ne3A_1900 : vector<16xi1> to vector<16xi1>
        %ne3A_1902 = arith.xori %lt3A_1897, %ne3A_1901 : vector<16xi1>
        %and3A_1903 = arith.andi %ne3A_1902, %ne3A_1894 : vector<16xi1>
        %add3A_1904 = vector.broadcast %select_n3A_1889 : i32 to vector<16xi32>
        %add3A_1905 = arith.addi %rem3A_1891, %add3A_1904 : vector<16xi32>
        %select_n3A_1906 = arith.select %and3A_1903, %add3A_1905, %rem3A_1891 : vector<16xi1>, vector<16xi32>
        %broadcast_in_dim3A_1907 = vector.shape_cast %select_n3A_1906 : vector<16xi32> to vector<16x1xi32>
        %gather3A_1908 = vector.shape_cast %broadcast_in_dim3A_1907 : vector<16x1xi32> to vector<16xi32>
        %gather3A_1909 = tpu.dynamic_gather %min3A_1880[%gather3A_1908] in [0] : vector<16xi32>, vector<16xi32> -> vector<16xi32>
        %min3A_1910 = arith.minsi %min3A_1880, %gather3A_1909 : vector<16xi32>
        %iota3A_1911 = tpu.iota {dimensions = array<i32: 0>} : vector<16xi32>
        %add3A_1912 = arith.constant 4 : i32
        %add3A_1913 = vector.broadcast %add3A_1912 : i32 to vector<16xi32>
        %add3A_1914 = arith.addi %iota3A_1911, %add3A_1913 : vector<16xi32>
        %jit3A_1915 = arith.constant 16 : i32
        %eq3A_1916 = arith.constant 0 : i32
        %eq3A_1917 = arith.cmpi eq, %jit3A_1915, %eq3A_1916 : i32
        %jit3A_1918 = arith.constant 1 : i32
        %select_n3A_1919 = arith.select %eq3A_1917, %jit3A_1918, %jit3A_1915 : i32
        %rem3A_1920 = vector.broadcast %select_n3A_1919 : i32 to vector<16xi32>
        %rem3A_1921 = arith.remsi %add3A_1914, %rem3A_1920 : vector<16xi32>
        %ne3A_1922 = arith.constant 0 : i32
        %ne3A_1923 = vector.broadcast %ne3A_1922 : i32 to vector<16xi32>
        %ne3A_1924 = arith.cmpi ne, %rem3A_1921, %ne3A_1923 : vector<16xi32>
        %lt3A_1925 = arith.constant 0 : i32
        %lt3A_1926 = vector.broadcast %lt3A_1925 : i32 to vector<16xi32>
        %lt3A_1927 = arith.cmpi slt, %rem3A_1921, %lt3A_1926 : vector<16xi32>
        %lt3A_1928 = arith.constant 0 : i32
        %lt3A_1929 = arith.cmpi slt, %select_n3A_1919, %lt3A_1928 : i32
        %ne3A_1930 = vector.broadcast %lt3A_1929 : i1 to vector<16xi1>
        %ne3A_1931 = vector.broadcast %ne3A_1930 : vector<16xi1> to vector<16xi1>
        %ne3A_1932 = arith.xori %lt3A_1927, %ne3A_1931 : vector<16xi1>
        %and3A_1933 = arith.andi %ne3A_1932, %ne3A_1924 : vector<16xi1>
        %add3A_1934 = vector.broadcast %select_n3A_1919 : i32 to vector<16xi32>
        %add3A_1935 = arith.addi %rem3A_1921, %add3A_1934 : vector<16xi32>
        %select_n3A_1936 = arith.select %and3A_1933, %add3A_1935, %rem3A_1921 : vector<16xi1>, vector<16xi32>
        %broadcast_in_dim3A_1937 = vector.shape_cast %select_n3A_1936 : vector<16xi32> to vector<16x1xi32>
        %gather3A_1938 = vector.shape_cast %broadcast_in_dim3A_1937 : vector<16x1xi32> to vector<16xi32>
        %gather3A_1939 = tpu.dynamic_gather %min3A_1910[%gather3A_1938] in [0] : vector<16xi32>, vector<16xi32> -> vector<16xi32>
        %min3A_1940 = arith.minsi %min3A_1910, %gather3A_1939 : vector<16xi32>
        %iota3A_1941 = tpu.iota {dimensions = array<i32: 0>} : vector<16xi32>
        %add3A_1942 = arith.constant 2 : i32
        %add3A_1943 = vector.broadcast %add3A_1942 : i32 to vector<16xi32>
        %add3A_1944 = arith.addi %iota3A_1941, %add3A_1943 : vector<16xi32>
        %jit3A_1945 = arith.constant 16 : i32
        %eq3A_1946 = arith.constant 0 : i32
        %eq3A_1947 = arith.cmpi eq, %jit3A_1945, %eq3A_1946 : i32
        %jit3A_1948 = arith.constant 1 : i32
        %select_n3A_1949 = arith.select %eq3A_1947, %jit3A_1948, %jit3A_1945 : i32
        %rem3A_1950 = vector.broadcast %select_n3A_1949 : i32 to vector<16xi32>
        %rem3A_1951 = arith.remsi %add3A_1944, %rem3A_1950 : vector<16xi32>
        %ne3A_1952 = arith.constant 0 : i32
        %ne3A_1953 = vector.broadcast %ne3A_1952 : i32 to vector<16xi32>
        %ne3A_1954 = arith.cmpi ne, %rem3A_1951, %ne3A_1953 : vector<16xi32>
        %lt3A_1955 = arith.constant 0 : i32
        %lt3A_1956 = vector.broadcast %lt3A_1955 : i32 to vector<16xi32>
        %lt3A_1957 = arith.cmpi slt, %rem3A_1951, %lt3A_1956 : vector<16xi32>
        %lt3A_1958 = arith.constant 0 : i32
        %lt3A_1959 = arith.cmpi slt, %select_n3A_1949, %lt3A_1958 : i32
        %ne3A_1960 = vector.broadcast %lt3A_1959 : i1 to vector<16xi1>
        %ne3A_1961 = vector.broadcast %ne3A_1960 : vector<16xi1> to vector<16xi1>
        %ne3A_1962 = arith.xori %lt3A_1957, %ne3A_1961 : vector<16xi1>
        %and3A_1963 = arith.andi %ne3A_1962, %ne3A_1954 : vector<16xi1>
        %add3A_1964 = vector.broadcast %select_n3A_1949 : i32 to vector<16xi32>
        %add3A_1965 = arith.addi %rem3A_1951, %add3A_1964 : vector<16xi32>
        %select_n3A_1966 = arith.select %and3A_1963, %add3A_1965, %rem3A_1951 : vector<16xi1>, vector<16xi32>
        %broadcast_in_dim3A_1967 = vector.shape_cast %select_n3A_1966 : vector<16xi32> to vector<16x1xi32>
        %gather3A_1968 = vector.shape_cast %broadcast_in_dim3A_1967 : vector<16x1xi32> to vector<16xi32>
        %gather3A_1969 = tpu.dynamic_gather %min3A_1940[%gather3A_1968] in [0] : vector<16xi32>, vector<16xi32> -> vector<16xi32>
        %min3A_1970 = arith.minsi %min3A_1940, %gather3A_1969 : vector<16xi32>
        %iota3A_1971 = tpu.iota {dimensions = array<i32: 0>} : vector<16xi32>
        %add3A_1972 = arith.constant 1 : i32
        %add3A_1973 = vector.broadcast %add3A_1972 : i32 to vector<16xi32>
        %add3A_1974 = arith.addi %iota3A_1971, %add3A_1973 : vector<16xi32>
        %jit3A_1975 = arith.constant 16 : i32
        %eq3A_1976 = arith.constant 0 : i32
        %eq3A_1977 = arith.cmpi eq, %jit3A_1975, %eq3A_1976 : i32
        %jit3A_1978 = arith.constant 1 : i32
        %select_n3A_1979 = arith.select %eq3A_1977, %jit3A_1978, %jit3A_1975 : i32
        %rem3A_1980 = vector.broadcast %select_n3A_1979 : i32 to vector<16xi32>
        %rem3A_1981 = arith.remsi %add3A_1974, %rem3A_1980 : vector<16xi32>
        %ne3A_1982 = arith.constant 0 : i32
        %ne3A_1983 = vector.broadcast %ne3A_1982 : i32 to vector<16xi32>
        %ne3A_1984 = arith.cmpi ne, %rem3A_1981, %ne3A_1983 : vector<16xi32>
        %lt3A_1985 = arith.constant 0 : i32
        %lt3A_1986 = vector.broadcast %lt3A_1985 : i32 to vector<16xi32>
        %lt3A_1987 = arith.cmpi slt, %rem3A_1981, %lt3A_1986 : vector<16xi32>
        %lt3A_1988 = arith.constant 0 : i32
        %lt3A_1989 = arith.cmpi slt, %select_n3A_1979, %lt3A_1988 : i32
        %ne3A_1990 = vector.broadcast %lt3A_1989 : i1 to vector<16xi1>
        %ne3A_1991 = vector.broadcast %ne3A_1990 : vector<16xi1> to vector<16xi1>
        %ne3A_1992 = arith.xori %lt3A_1987, %ne3A_1991 : vector<16xi1>
        %and3A_1993 = arith.andi %ne3A_1992, %ne3A_1984 : vector<16xi1>
        %add3A_1994 = vector.broadcast %select_n3A_1979 : i32 to vector<16xi32>
        %add3A_1995 = arith.addi %rem3A_1981, %add3A_1994 : vector<16xi32>
        %select_n3A_1996 = arith.select %and3A_1993, %add3A_1995, %rem3A_1981 : vector<16xi1>, vector<16xi32>
        %broadcast_in_dim3A_1997 = vector.shape_cast %select_n3A_1996 : vector<16xi32> to vector<16x1xi32>
        %gather3A_1998 = vector.shape_cast %broadcast_in_dim3A_1997 : vector<16x1xi32> to vector<16xi32>
        %gather3A_1999 = tpu.dynamic_gather %min3A_1970[%gather3A_1998] in [0] : vector<16xi32>, vector<16xi32> -> vector<16xi32>
        %min3A_2000 = arith.minsi %min3A_1970, %gather3A_1999 : vector<16xi32>
        %broadcast_in_dim3A_2001 = arith.constant 0 : i32
        %broadcast_in_dim3A_2002 = vector.broadcast %broadcast_in_dim3A_2001 : i32 to vector<16xi32>
        %add3A_2003 = vector.broadcast %scan3A_1526 : i32 to vector<16xi32>
        %add3A_2004 = arith.addi %broadcast_in_dim3A_2002, %add3A_2003 : vector<16xi32>
        %get3A_2005 = arith.constant 0 : index
        %get3A_2006 = tpu.vector_load %arg9[%get3A_2005] {strides = array<i32>} : memref<128xi32, #tpu.memory_space<vmem>>, vector<16xi32>,
        %get3A_2007 = vector.shape_cast %get3A_2006 : vector<16xi32> to vector<16xi32>
        %eq3A_2008 = arith.cmpi eq, %add3A_175, %add3A_2004 : vector<16xi32>
        %select_n3A_2009 = arith.select %eq3A_2008, %min3A_2000, %get3A_2007 : vector<16xi1>, vector<16xi32>
        %swap3A_2010 = arith.constant 0 : index
        %swap3A_2011 = tpu.vector_load %arg9[%swap3A_2010] {strides = array<i32>} : memref<128xi32, #tpu.memory_space<vmem>>, vector<16xi32>,
        %swap3A_2012 = vector.shape_cast %swap3A_2011 : vector<16xi32> to vector<16xi32>
        %swap3A_2013 = vector.shape_cast %select_n3A_2009 : vector<16xi32> to vector<16xi32>
        tpu.vector_store %arg9[%swap3A_2010], %swap3A_2013 {strides = array<i32>} : memref<128xi32, #tpu.memory_space<vmem>>, vector<16xi32>,
        %get3A_2014 = arith.constant 16 : index
        %get3A_2015 = tpu.vector_load %arg9[%get3A_2014] {strides = array<i32>} : memref<128xi32, #tpu.memory_space<vmem>>, vector<16xi32>,
        %get3A_2016 = vector.shape_cast %get3A_2015 : vector<16xi32> to vector<16xi32>
        %eq3A_2017 = arith.cmpi eq, %add3A_179, %add3A_2004 : vector<16xi32>
        %select_n3A_2018 = arith.select %eq3A_2017, %min3A_2000, %get3A_2016 : vector<16xi1>, vector<16xi32>
        %swap3A_2019 = arith.constant 16 : index
        %swap3A_2020 = tpu.vector_load %arg9[%swap3A_2019] {strides = array<i32>} : memref<128xi32, #tpu.memory_space<vmem>>, vector<16xi32>,
        %swap3A_2021 = vector.shape_cast %swap3A_2020 : vector<16xi32> to vector<16xi32>
        %swap3A_2022 = vector.shape_cast %select_n3A_2018 : vector<16xi32> to vector<16xi32>
        tpu.vector_store %arg9[%swap3A_2019], %swap3A_2022 {strides = array<i32>} : memref<128xi32, #tpu.memory_space<vmem>>, vector<16xi32>,
        %get3A_2023 = arith.constant 32 : index
        %get3A_2024 = tpu.vector_load %arg9[%get3A_2023] {strides = array<i32>} : memref<128xi32, #tpu.memory_space<vmem>>, vector<16xi32>,
        %get3A_2025 = vector.shape_cast %get3A_2024 : vector<16xi32> to vector<16xi32>
        %eq3A_2026 = arith.cmpi eq, %add3A_183, %add3A_2004 : vector<16xi32>
        %select_n3A_2027 = arith.select %eq3A_2026, %min3A_2000, %get3A_2025 : vector<16xi1>, vector<16xi32>
        %swap3A_2028 = arith.constant 32 : index
        %swap3A_2029 = tpu.vector_load %arg9[%swap3A_2028] {strides = array<i32>} : memref<128xi32, #tpu.memory_space<vmem>>, vector<16xi32>,
        %swap3A_2030 = vector.shape_cast %swap3A_2029 : vector<16xi32> to vector<16xi32>
        %swap3A_2031 = vector.shape_cast %select_n3A_2027 : vector<16xi32> to vector<16xi32>
        tpu.vector_store %arg9[%swap3A_2028], %swap3A_2031 {strides = array<i32>} : memref<128xi32, #tpu.memory_space<vmem>>, vector<16xi32>,
        %get3A_2032 = arith.constant 48 : index
        %get3A_2033 = tpu.vector_load %arg9[%get3A_2032] {strides = array<i32>} : memref<128xi32, #tpu.memory_space<vmem>>, vector<16xi32>,
        %get3A_2034 = vector.shape_cast %get3A_2033 : vector<16xi32> to vector<16xi32>
        %eq3A_2035 = arith.cmpi eq, %add3A_187, %add3A_2004 : vector<16xi32>
        %select_n3A_2036 = arith.select %eq3A_2035, %min3A_2000, %get3A_2034 : vector<16xi1>, vector<16xi32>
        %swap3A_2037 = arith.constant 48 : index
        %swap3A_2038 = tpu.vector_load %arg9[%swap3A_2037] {strides = array<i32>} : memref<128xi32, #tpu.memory_space<vmem>>, vector<16xi32>,
        %swap3A_2039 = vector.shape_cast %swap3A_2038 : vector<16xi32> to vector<16xi32>
        %swap3A_2040 = vector.shape_cast %select_n3A_2036 : vector<16xi32> to vector<16xi32>
        tpu.vector_store %arg9[%swap3A_2037], %swap3A_2040 {strides = array<i32>} : memref<128xi32, #tpu.memory_space<vmem>>, vector<16xi32>,
        scf.yield %min3A_1706, %min3A_1830 : vector<16xf32>, vector<16xi32>
      }
      %scan3A_1430 = arith.constant 50 : i32
      %gt3A_1431 = arith.constant 50 : i32
      %gt3A_1432 = vector.broadcast %gt3A_1431 : i32 to vector<16xi32>
      %gt3A_1433 = arith.cmpi sgt, %sub3A_1263, %gt3A_1432 : vector<16xi32>
      %broadcast_in_dim3A_1434 = arith.constant -1 : i32
      %broadcast_in_dim3A_1435 = vector.broadcast %broadcast_in_dim3A_1434 : i32 to vector<16xi32>
      %swap3A_1436 = arith.constant 0 : index
      %swap3A_1437 = tpu.vector_load %arg10[%swap3A_1436] {strides = array<i32>} : memref<128xi32, #tpu.memory_space<vmem>>, vector<16xi32>,
      %swap3A_1438 = vector.shape_cast %swap3A_1437 : vector<16xi32> to vector<16xi32>
      %swap3A_1439 = vector.shape_cast %broadcast_in_dim3A_1435 : vector<16xi32> to vector<16xi32>
      tpu.vector_store %arg10[%swap3A_1436], %swap3A_1439 {strides = array<i32>} : memref<128xi32, #tpu.memory_space<vmem>>, vector<16xi32>,
      %broadcast_in_dim3A_1440 = arith.constant -1 : i32
      %broadcast_in_dim3A_1441 = vector.broadcast %broadcast_in_dim3A_1440 : i32 to vector<16xi32>
      %swap3A_1442 = arith.constant 16 : index
      %swap3A_1443 = tpu.vector_load %arg10[%swap3A_1442] {strides = array<i32>} : memref<128xi32, #tpu.memory_space<vmem>>, vector<16xi32>,
      %swap3A_1444 = vector.shape_cast %swap3A_1443 : vector<16xi32> to vector<16xi32>
      %swap3A_1445 = vector.shape_cast %broadcast_in_dim3A_1441 : vector<16xi32> to vector<16xi32>
      tpu.vector_store %arg10[%swap3A_1442], %swap3A_1445 {strides = array<i32>} : memref<128xi32, #tpu.memory_space<vmem>>, vector<16xi32>,
      %broadcast_in_dim3A_1446 = arith.constant -1 : i32
      %broadcast_in_dim3A_1447 = vector.broadcast %broadcast_in_dim3A_1446 : i32 to vector<16xi32>
      %swap3A_1448 = arith.constant 32 : index
      %swap3A_1449 = tpu.vector_load %arg10[%swap3A_1448] {strides = array<i32>} : memref<128xi32, #tpu.memory_space<vmem>>, vector<16xi32>,
      %swap3A_1450 = vector.shape_cast %swap3A_1449 : vector<16xi32> to vector<16xi32>
      %swap3A_1451 = vector.shape_cast %broadcast_in_dim3A_1447 : vector<16xi32> to vector<16xi32>
      tpu.vector_store %arg10[%swap3A_1448], %swap3A_1451 {strides = array<i32>} : memref<128xi32, #tpu.memory_space<vmem>>, vector<16xi32>,
      %broadcast_in_dim3A_1452 = arith.constant -1 : i32
      %broadcast_in_dim3A_1453 = vector.broadcast %broadcast_in_dim3A_1452 : i32 to vector<16xi32>
      %swap3A_1454 = arith.constant 48 : index
      %swap3A_1455 = tpu.vector_load %arg10[%swap3A_1454] {strides = array<i32>} : memref<128xi32, #tpu.memory_space<vmem>>, vector<16xi32>,
      %swap3A_1456 = vector.shape_cast %swap3A_1455 : vector<16xi32> to vector<16xi32>
      %swap3A_1457 = vector.shape_cast %broadcast_in_dim3A_1453 : vector<16xi32> to vector<16xi32>
      tpu.vector_store %arg10[%swap3A_1454], %swap3A_1457 {strides = array<i32>} : memref<128xi32, #tpu.memory_space<vmem>>, vector<16xi32>,
      %broadcast_in_dim3A_1458 = arith.constant -1 : i32
      %broadcast_in_dim3A_1459 = vector.broadcast %broadcast_in_dim3A_1458 : i32 to vector<16xi32>
      %swap3A_1460 = arith.constant 64 : index
      %swap3A_1461 = tpu.vector_load %arg10[%swap3A_1460] {strides = array<i32>} : memref<128xi32, #tpu.memory_space<vmem>>, vector<16xi32>,
      %swap3A_1462 = vector.shape_cast %swap3A_1461 : vector<16xi32> to vector<16xi32>
      %swap3A_1463 = vector.shape_cast %broadcast_in_dim3A_1459 : vector<16xi32> to vector<16xi32>
      tpu.vector_store %arg10[%swap3A_1460], %swap3A_1463 {strides = array<i32>} : memref<128xi32, #tpu.memory_space<vmem>>, vector<16xi32>,
      %broadcast_in_dim3A_1464 = arith.constant -1 : i32
      %broadcast_in_dim3A_1465 = vector.broadcast %broadcast_in_dim3A_1464 : i32 to vector<16xi32>
      %swap3A_1466 = arith.constant 80 : index
      %swap3A_1467 = tpu.vector_load %arg10[%swap3A_1466] {strides = array<i32>} : memref<128xi32, #tpu.memory_space<vmem>>, vector<16xi32>,
      %swap3A_1468 = vector.shape_cast %swap3A_1467 : vector<16xi32> to vector<16xi32>
      %swap3A_1469 = vector.shape_cast %broadcast_in_dim3A_1465 : vector<16xi32> to vector<16xi32>
      tpu.vector_store %arg10[%swap3A_1466], %swap3A_1469 {strides = array<i32>} : memref<128xi32, #tpu.memory_space<vmem>>, vector<16xi32>,
      %broadcast_in_dim3A_1470 = arith.constant -1 : i32
      %broadcast_in_dim3A_1471 = vector.broadcast %broadcast_in_dim3A_1470 : i32 to vector<16xi32>
      %swap3A_1472 = arith.constant 96 : index
      %swap3A_1473 = tpu.vector_load %arg10[%swap3A_1472] {strides = array<i32>} : memref<128xi32, #tpu.memory_space<vmem>>, vector<16xi32>,
      %swap3A_1474 = vector.shape_cast %swap3A_1473 : vector<16xi32> to vector<16xi32>
      %swap3A_1475 = vector.shape_cast %broadcast_in_dim3A_1471 : vector<16xi32> to vector<16xi32>
      tpu.vector_store %arg10[%swap3A_1472], %swap3A_1475 {strides = array<i32>} : memref<128xi32, #tpu.memory_space<vmem>>, vector<16xi32>,
      %broadcast_in_dim3A_1476 = arith.constant -1 : i32
      %broadcast_in_dim3A_1477 = vector.broadcast %broadcast_in_dim3A_1476 : i32 to vector<16xi32>
      %swap3A_1478 = arith.constant 112 : index
      %swap3A_1479 = tpu.vector_load %arg10[%swap3A_1478] {strides = array<i32>} : memref<128xi32, #tpu.memory_space<vmem>>, vector<16xi32>,
      %swap3A_1480 = vector.shape_cast %swap3A_1479 : vector<16xi32> to vector<16xi32>
      %swap3A_1481 = vector.shape_cast %broadcast_in_dim3A_1477 : vector<16xi32> to vector<16xi32>
      tpu.vector_store %arg10[%swap3A_1478], %swap3A_1481 {strides = array<i32>} : memref<128xi32, #tpu.memory_space<vmem>>, vector<16xi32>,
      %get3A_1482 = arith.constant 0 : index
      %get3A_1483 = tpu.vector_load %arg9[%get3A_1482] {strides = array<i32>} : memref<128xi32, #tpu.memory_space<vmem>>, vector<16xi32>,
      %get3A_1484 = vector.shape_cast %get3A_1483 : vector<16xi32> to vector<16xi32>
      %get3A_1485 = arith.constant 0 : index
      %get3A_1486 = tpu.vector_load %arg7[%get3A_1485] {strides = array<i32>} : memref<128xi32, #tpu.memory_space<vmem>>, vector<16xi32>,
      %get3A_1487 = vector.shape_cast %get3A_1486 : vector<16xi32> to vector<16xi32>
      %select_n3A_1488 = arith.select %gt3A_1433, %get3A_1484, %get3A_1487 : vector<16xi1>, vector<16xi32>
      %swap3A_1489 = arith.constant 0 : index
      %swap3A_1490 = tpu.vector_load %arg10[%swap3A_1489] {strides = array<i32>} : memref<128xi32, #tpu.memory_space<vmem>>, vector<16xi32>,
      %swap3A_1491 = vector.shape_cast %swap3A_1490 : vector<16xi32> to vector<16xi32>
      %swap3A_1492 = vector.shape_cast %select_n3A_1488 : vector<16xi32> to vector<16xi32>
      tpu.vector_store %arg10[%swap3A_1489], %swap3A_1492 {strides = array<i32>} : memref<128xi32, #tpu.memory_space<vmem>>, vector<16xi32>,
      %get3A_1493 = arith.constant 16 : index
      %get3A_1494 = tpu.vector_load %arg9[%get3A_1493] {strides = array<i32>} : memref<128xi32, #tpu.memory_space<vmem>>, vector<16xi32>,
      %get3A_1495 = vector.shape_cast %get3A_1494 : vector<16xi32> to vector<16xi32>
      %get3A_1496 = arith.constant 16 : index
      %get3A_1497 = tpu.vector_load %arg7[%get3A_1496] {strides = array<i32>} : memref<128xi32, #tpu.memory_space<vmem>>, vector<16xi32>,
      %get3A_1498 = vector.shape_cast %get3A_1497 : vector<16xi32> to vector<16xi32>
      %select_n3A_1499 = arith.select %gt3A_1433, %get3A_1495, %get3A_1498 : vector<16xi1>, vector<16xi32>
      %swap3A_1500 = arith.constant 16 : index
      %swap3A_1501 = tpu.vector_load %arg10[%swap3A_1500] {strides = array<i32>} : memref<128xi32, #tpu.memory_space<vmem>>, vector<16xi32>,
      %swap3A_1502 = vector.shape_cast %swap3A_1501 : vector<16xi32> to vector<16xi32>
      %swap3A_1503 = vector.shape_cast %select_n3A_1499 : vector<16xi32> to vector<16xi32>
      tpu.vector_store %arg10[%swap3A_1500], %swap3A_1503 {strides = array<i32>} : memref<128xi32, #tpu.memory_space<vmem>>, vector<16xi32>,
      %get3A_1504 = arith.constant 32 : index
      %get3A_1505 = tpu.vector_load %arg9[%get3A_1504] {strides = array<i32>} : memref<128xi32, #tpu.memory_space<vmem>>, vector<16xi32>,
      %get3A_1506 = vector.shape_cast %get3A_1505 : vector<16xi32> to vector<16xi32>
      %get3A_1507 = arith.constant 32 : index
      %get3A_1508 = tpu.vector_load %arg7[%get3A_1507] {strides = array<i32>} : memref<128xi32, #tpu.memory_space<vmem>>, vector<16xi32>,
      %get3A_1509 = vector.shape_cast %get3A_1508 : vector<16xi32> to vector<16xi32>
      %select_n3A_1510 = arith.select %gt3A_1433, %get3A_1506, %get3A_1509 : vector<16xi1>, vector<16xi32>
      %swap3A_1511 = arith.constant 32 : index
      %swap3A_1512 = tpu.vector_load %arg10[%swap3A_1511] {strides = array<i32>} : memref<128xi32, #tpu.memory_space<vmem>>, vector<16xi32>,
      %swap3A_1513 = vector.shape_cast %swap3A_1512 : vector<16xi32> to vector<16xi32>
      %swap3A_1514 = vector.shape_cast %select_n3A_1510 : vector<16xi32> to vector<16xi32>
      tpu.vector_store %arg10[%swap3A_1511], %swap3A_1514 {strides = array<i32>} : memref<128xi32, #tpu.memory_space<vmem>>, vector<16xi32>,
      %get3A_1515 = arith.constant 48 : index
      %get3A_1516 = tpu.vector_load %arg9[%get3A_1515] {strides = array<i32>} : memref<128xi32, #tpu.memory_space<vmem>>, vector<16xi32>,
      %get3A_1517 = vector.shape_cast %get3A_1516 : vector<16xi32> to vector<16xi32>
      %get3A_1518 = arith.constant 48 : index
      %get3A_1519 = tpu.vector_load %arg7[%get3A_1518] {strides = array<i32>} : memref<128xi32, #tpu.memory_space<vmem>>, vector<16xi32>,
      %get3A_1520 = vector.shape_cast %get3A_1519 : vector<16xi32> to vector<16xi32>
      %select_n3A_1521 = arith.select %gt3A_1433, %get3A_1517, %get3A_1520 : vector<16xi1>, vector<16xi32>
      %swap3A_1522 = arith.constant 48 : index
      %swap3A_1523 = tpu.vector_load %arg10[%swap3A_1522] {strides = array<i32>} : memref<128xi32, #tpu.memory_space<vmem>>, vector<16xi32>,
      %swap3A_1524 = vector.shape_cast %swap3A_1523 : vector<16xi32> to vector<16xi32>
      %swap3A_1525 = vector.shape_cast %select_n3A_1521 : vector<16xi32> to vector<16xi32>
      tpu.vector_store %arg10[%swap3A_1522], %swap3A_1525 {strides = array<i32>} : memref<128xi32, #tpu.memory_space<vmem>>, vector<16xi32>,
      "tpu.region"() ({
        %run_scoped3A = tpu.sem_alloc : memref<!tpu.dma_semaphore, #tpu.memory_space<semaphore_mem>>
        %dma_start3A = arith.constant 0 : i32
        %dma_start3A_1526 = tpu.memref_slice %arg3[%add3A, %dma_start3A] : memref<8x128xi32, #tpu.memory_space<hbm>> -> memref<1x128xi32, #tpu.memory_space<hbm>>
        %dma_start3A_1527 = tpu.memref_squeeze %dma_start3A_1526 : memref<1x128xi32, #tpu.memory_space<hbm>> -> memref<128xi32, #tpu.memory_space<hbm>>
        %dma_start3A_1528 = arith.constant 0 : i32
        %dma_start3A_1529 = tpu.memref_slice %arg3[%add3A, %dma_start3A_1528] : memref<8x128xi32, #tpu.memory_space<hbm>> -> memref<1x128xi32, #tpu.memory_space<hbm>>
        %dma_start3A_1530 = tpu.memref_squeeze %dma_start3A_1529 : memref<1x128xi32, #tpu.memory_space<hbm>> -> memref<128xi32, #tpu.memory_space<hbm>>
        tpu.enqueue_dma source(%arg10 : memref<128xi32, #tpu.memory_space<vmem>>) target(%dma_start3A_1530 : memref<128xi32, #tpu.memory_space<hbm>>) target_semaphore(%run_scoped3A : memref<!tpu.dma_semaphore, #tpu.memory_space<semaphore_mem>>)
        %dma_wait3A = arith.constant 0 : i32
        %dma_wait3A_1531 = tpu.memref_slice %arg3[%add3A, %dma_wait3A] : memref<8x128xi32, #tpu.memory_space<hbm>> -> memref<1x128xi32, #tpu.memory_space<hbm>>
        %dma_wait3A_1532 = tpu.memref_squeeze %dma_wait3A_1531 : memref<1x128xi32, #tpu.memory_space<hbm>> -> memref<128xi32, #tpu.memory_space<hbm>>
        %dma_wait3A_1533 = arith.constant 0 : i32
        %dma_wait3A_1534 = tpu.memref_slice %arg3[%add3A, %dma_wait3A_1533] : memref<8x128xi32, #tpu.memory_space<hbm>> -> memref<1x128xi32, #tpu.memory_space<hbm>>
        %dma_wait3A_1535 = tpu.memref_squeeze %dma_wait3A_1534 : memref<1x128xi32, #tpu.memory_space<hbm>> -> memref<128xi32, #tpu.memory_space<hbm>>
        tpu.wait_dma2 semaphore(%run_scoped3A : memref<!tpu.dma_semaphore, #tpu.memory_space<semaphore_mem>>) src(%arg10 : memref<128xi32, #tpu.memory_space<vmem>>) dst(%dma_wait3A_1535 : memref<128xi32, #tpu.memory_space<hbm>>)
        tpu.yield
      }) : () -> ()
    } else {
    }
    return
  }
}

module attributes {stable_mosaic.version = 14 : i64} {
  func.func @_dist_body(%arg0: i32, %arg1: i32, %arg2: memref<1x3x896xf32, #tpu.memory_space<vmem>>, %arg3: memref<1x3x10240xf32, #tpu.memory_space<vmem>>, %arg4: memref<1x1x896xf32, #tpu.memory_space<vmem>>, %arg5: memref<10240x8xf32, #tpu.memory_space<vmem>>, %arg6: memref<8x896xf32, #tpu.memory_space<vmem>>, %arg7: memref<1x896xf32, #tpu.memory_space<vmem>>) attributes {dimension_semantics = [#tpu.dimension_semantics<arbitrary>, #tpu.dimension_semantics<arbitrary>], iteration_bounds = array<i64: 8, 2>, scalar_prefetch = 0 : i64, scratch_operands = 1 : i64, tpu.core_type = #tpu.core_type<tc>, window_params = [{transform_indices = @transform_0, window_bounds = array<i64: 1, 3, 896>}, {transform_indices = @transform_1, window_bounds = array<i64: 1, 3, 10240>}, {transform_indices = @transform_2, window_bounds = array<i64: 1, 1, 896>}, {transform_indices = @transform_3, window_bounds = array<i64: 10240, 8>}, {pipeline_mode = #tpu.pipeline_mode<synchronous>, transform_indices = @transform_4, window_bounds = array<i64: 8, 896>}]} {
    %eq3A = arith.constant 0 : i32
    %eq3A_0 = arith.cmpi eq, %arg1, %eq3A : i32
    %convert_element_type3A = arith.extui %eq3A_0 : i1 to i32
    %cond3A = arith.constant 0 : i32
    %cond3A_1 = arith.cmpi ne, %convert_element_type3A, %cond3A : i32
    scf.if %cond3A_1 {
      %broadcast_in_dim3A_147 = arith.constant 1.000000e+09 : f32
      %broadcast_in_dim3A_148 = vector.broadcast %broadcast_in_dim3A_147 : f32 to vector<1x896xf32>
      %swap3A_149 = arith.constant 0 : index
      %swap3A_150 = arith.constant 0 : index
      %swap3A_151 = vector.load %arg7[%swap3A_149, %swap3A_150] : memref<1x896xf32, #tpu.memory_space<vmem>>, vector<1x896xf32>
      tpu.vector_store %arg7[%swap3A_149, %swap3A_150], %broadcast_in_dim3A_148 {strides = array<i32>} : memref<1x896xf32, #tpu.memory_space<vmem>>, vector<1x896xf32>,
    } else {
    }
    %get3A = arith.constant 0 : index
    %get3A_2 = arith.constant 0 : index
    %get3A_3 = arith.constant 0 : index
    %get3A_4 = vector.load %arg2[%get3A, %get3A_2, %get3A_3] : memref<1x3x896xf32, #tpu.memory_space<vmem>>, vector<1x3x896xf32>
    %get3A_5 = vector.shape_cast %get3A_4 : vector<1x3x896xf32> to vector<3x896xf32>
    %get3A_6 = arith.constant 0 : index
    %get3A_7 = arith.constant 0 : index
    %get3A_8 = arith.constant 0 : index
    %get3A_9 = vector.load %arg3[%get3A_6, %get3A_7, %get3A_8] : memref<1x3x10240xf32, #tpu.memory_space<vmem>>, vector<1x3x10240xf32>
    %get3A_10 = vector.shape_cast %get3A_9 : vector<1x3x10240xf32> to vector<3x10240xf32>
    %get3A_11 = arith.constant 0 : index
    %get3A_12 = arith.constant 0 : index
    %get3A_13 = arith.constant 0 : index
    %get3A_14 = vector.load %arg4[%get3A_11, %get3A_12, %get3A_13] : memref<1x1x896xf32, #tpu.memory_space<vmem>>, vector<1x1x896xf32>
    %get3A_15 = vector.shape_cast %get3A_14 : vector<1x1x896xf32> to vector<1x896xf32>
    %iota3A = tpu.iota {dimensions = array<i32: 1>} : vector<10240x8xi32>
    %eq3A_16 = vector.broadcast %arg0 : i32 to vector<10240x8xi32>
    %eq3A_17 = arith.cmpi eq, %iota3A, %eq3A_16 : vector<10240x8xi32>
    %get3A_18 = arith.constant 0 : index
    %get3A_19 = arith.constant 0 : index
    %get3A_20 = vector.load %arg5[%get3A_18, %get3A_19] : memref<10240x8xf32, #tpu.memory_space<vmem>>, vector<10240x8xf32>
    %jit3A = arith.constant 0.000000e+00 : f32
    %broadcast_in_dim3A = vector.broadcast %jit3A : f32 to vector<10240x8xf32>
    %select_n3A = arith.select %eq3A_17, %get3A_20, %broadcast_in_dim3A : vector<10240x8xi1>, vector<10240x8xf32>
    %reduce_sum3A = arith.constant dense<0.000000e+00> : vector<10240xf32>
    %reduce_sum3A_21 = vector.multi_reduction <add>, %select_n3A, %reduce_sum3A [1] : vector<10240x8xf32> to vector<10240xf32>
    %broadcast_in_dim3A_22 = vector.shape_cast %reduce_sum3A_21 : vector<10240xf32> to vector<10240x1xf32>
    %slice3A = vector.extract_strided_slice %get3A_10 {offsets = [0, 0], sizes = [3, 1024], strides = [1, 1]} : vector<3x10240xf32> to vector<3x1024xf32>
    %dot_general3A = arith.constant dense<0.000000e+00> : vector<1024x896xf32>
    %dot_general3A_23 = tpu.matmul %slice3A, %get3A_5, %dot_general3A {dimension_numbers = #tpu.dot_dimension_numbers<[0], [0], [1], [1], [0, 1, 1, 1], [], []>, transpose_lhs_hint = false} : vector<3x1024xf32>, vector<3x896xf32>, vector<1024x896xf32> -> vector<1024x896xf32>
    %slice3A_24 = vector.extract_strided_slice %broadcast_in_dim3A_22 {offsets = [0, 0], sizes = [1024, 1], strides = [1, 1]} : vector<10240x1xf32> to vector<1024x1xf32>
    %add3A = vector.broadcast %get3A_15 : vector<1x896xf32> to vector<1024x896xf32>
    %add3A_25 = vector.broadcast %slice3A_24 : vector<1024x1xf32> to vector<1024x896xf32>
    %add3A_26 = arith.addf %add3A, %add3A_25 : vector<1024x896xf32>
    %sub3A = arith.subf %add3A_26, %dot_general3A_23 : vector<1024x896xf32>
    %reduce_min3A = arith.constant dense<0x7F800000> : vector<896xf32>
    %reduce_min3A_27 = vector.multi_reduction <minimumf>, %sub3A, %reduce_min3A [0] : vector<1024x896xf32> to vector<896xf32>
    %broadcast_in_dim3A_28 = vector.shape_cast %reduce_min3A_27 : vector<896xf32> to vector<1x896xf32>
    %slice3A_29 = vector.extract_strided_slice %get3A_10 {offsets = [0, 1024], sizes = [3, 1024], strides = [1, 1]} : vector<3x10240xf32> to vector<3x1024xf32>
    %dot_general3A_30 = arith.constant dense<0.000000e+00> : vector<1024x896xf32>
    %dot_general3A_31 = tpu.matmul %slice3A_29, %get3A_5, %dot_general3A_30 {dimension_numbers = #tpu.dot_dimension_numbers<[0], [0], [1], [1], [0, 1, 1, 1], [], []>, transpose_lhs_hint = false} : vector<3x1024xf32>, vector<3x896xf32>, vector<1024x896xf32> -> vector<1024x896xf32>
    %slice3A_32 = vector.extract_strided_slice %broadcast_in_dim3A_22 {offsets = [1024, 0], sizes = [1024, 1], strides = [1, 1]} : vector<10240x1xf32> to vector<1024x1xf32>
    %add3A_33 = vector.broadcast %get3A_15 : vector<1x896xf32> to vector<1024x896xf32>
    %add3A_34 = vector.broadcast %slice3A_32 : vector<1024x1xf32> to vector<1024x896xf32>
    %add3A_35 = arith.addf %add3A_33, %add3A_34 : vector<1024x896xf32>
    %sub3A_36 = arith.subf %add3A_35, %dot_general3A_31 : vector<1024x896xf32>
    %reduce_min3A_37 = arith.constant dense<0x7F800000> : vector<896xf32>
    %reduce_min3A_38 = vector.multi_reduction <minimumf>, %sub3A_36, %reduce_min3A_37 [0] : vector<1024x896xf32> to vector<896xf32>
    %broadcast_in_dim3A_39 = vector.shape_cast %reduce_min3A_38 : vector<896xf32> to vector<1x896xf32>
    %slice3A_40 = vector.extract_strided_slice %get3A_10 {offsets = [0, 2048], sizes = [3, 1024], strides = [1, 1]} : vector<3x10240xf32> to vector<3x1024xf32>
    %dot_general3A_41 = arith.constant dense<0.000000e+00> : vector<1024x896xf32>
    %dot_general3A_42 = tpu.matmul %slice3A_40, %get3A_5, %dot_general3A_41 {dimension_numbers = #tpu.dot_dimension_numbers<[0], [0], [1], [1], [0, 1, 1, 1], [], []>, transpose_lhs_hint = false} : vector<3x1024xf32>, vector<3x896xf32>, vector<1024x896xf32> -> vector<1024x896xf32>
    %slice3A_43 = vector.extract_strided_slice %broadcast_in_dim3A_22 {offsets = [2048, 0], sizes = [1024, 1], strides = [1, 1]} : vector<10240x1xf32> to vector<1024x1xf32>
    %add3A_44 = vector.broadcast %get3A_15 : vector<1x896xf32> to vector<1024x896xf32>
    %add3A_45 = vector.broadcast %slice3A_43 : vector<1024x1xf32> to vector<1024x896xf32>
    %add3A_46 = arith.addf %add3A_44, %add3A_45 : vector<1024x896xf32>
    %sub3A_47 = arith.subf %add3A_46, %dot_general3A_42 : vector<1024x896xf32>
    %reduce_min3A_48 = arith.constant dense<0x7F800000> : vector<896xf32>
    %reduce_min3A_49 = vector.multi_reduction <minimumf>, %sub3A_47, %reduce_min3A_48 [0] : vector<1024x896xf32> to vector<896xf32>
    %broadcast_in_dim3A_50 = vector.shape_cast %reduce_min3A_49 : vector<896xf32> to vector<1x896xf32>
    %slice3A_51 = vector.extract_strided_slice %get3A_10 {offsets = [0, 3072], sizes = [3, 1024], strides = [1, 1]} : vector<3x10240xf32> to vector<3x1024xf32>
    %dot_general3A_52 = arith.constant dense<0.000000e+00> : vector<1024x896xf32>
    %dot_general3A_53 = tpu.matmul %slice3A_51, %get3A_5, %dot_general3A_52 {dimension_numbers = #tpu.dot_dimension_numbers<[0], [0], [1], [1], [0, 1, 1, 1], [], []>, transpose_lhs_hint = false} : vector<3x1024xf32>, vector<3x896xf32>, vector<1024x896xf32> -> vector<1024x896xf32>
    %slice3A_54 = vector.extract_strided_slice %broadcast_in_dim3A_22 {offsets = [3072, 0], sizes = [1024, 1], strides = [1, 1]} : vector<10240x1xf32> to vector<1024x1xf32>
    %add3A_55 = vector.broadcast %get3A_15 : vector<1x896xf32> to vector<1024x896xf32>
    %add3A_56 = vector.broadcast %slice3A_54 : vector<1024x1xf32> to vector<1024x896xf32>
    %add3A_57 = arith.addf %add3A_55, %add3A_56 : vector<1024x896xf32>
    %sub3A_58 = arith.subf %add3A_57, %dot_general3A_53 : vector<1024x896xf32>
    %reduce_min3A_59 = arith.constant dense<0x7F800000> : vector<896xf32>
    %reduce_min3A_60 = vector.multi_reduction <minimumf>, %sub3A_58, %reduce_min3A_59 [0] : vector<1024x896xf32> to vector<896xf32>
    %broadcast_in_dim3A_61 = vector.shape_cast %reduce_min3A_60 : vector<896xf32> to vector<1x896xf32>
    %slice3A_62 = vector.extract_strided_slice %get3A_10 {offsets = [0, 4096], sizes = [3, 1024], strides = [1, 1]} : vector<3x10240xf32> to vector<3x1024xf32>
    %dot_general3A_63 = arith.constant dense<0.000000e+00> : vector<1024x896xf32>
    %dot_general3A_64 = tpu.matmul %slice3A_62, %get3A_5, %dot_general3A_63 {dimension_numbers = #tpu.dot_dimension_numbers<[0], [0], [1], [1], [0, 1, 1, 1], [], []>, transpose_lhs_hint = false} : vector<3x1024xf32>, vector<3x896xf32>, vector<1024x896xf32> -> vector<1024x896xf32>
    %slice3A_65 = vector.extract_strided_slice %broadcast_in_dim3A_22 {offsets = [4096, 0], sizes = [1024, 1], strides = [1, 1]} : vector<10240x1xf32> to vector<1024x1xf32>
    %add3A_66 = vector.broadcast %get3A_15 : vector<1x896xf32> to vector<1024x896xf32>
    %add3A_67 = vector.broadcast %slice3A_65 : vector<1024x1xf32> to vector<1024x896xf32>
    %add3A_68 = arith.addf %add3A_66, %add3A_67 : vector<1024x896xf32>
    %sub3A_69 = arith.subf %add3A_68, %dot_general3A_64 : vector<1024x896xf32>
    %reduce_min3A_70 = arith.constant dense<0x7F800000> : vector<896xf32>
    %reduce_min3A_71 = vector.multi_reduction <minimumf>, %sub3A_69, %reduce_min3A_70 [0] : vector<1024x896xf32> to vector<896xf32>
    %broadcast_in_dim3A_72 = vector.shape_cast %reduce_min3A_71 : vector<896xf32> to vector<1x896xf32>
    %slice3A_73 = vector.extract_strided_slice %get3A_10 {offsets = [0, 5120], sizes = [3, 1024], strides = [1, 1]} : vector<3x10240xf32> to vector<3x1024xf32>
    %dot_general3A_74 = arith.constant dense<0.000000e+00> : vector<1024x896xf32>
    %dot_general3A_75 = tpu.matmul %slice3A_73, %get3A_5, %dot_general3A_74 {dimension_numbers = #tpu.dot_dimension_numbers<[0], [0], [1], [1], [0, 1, 1, 1], [], []>, transpose_lhs_hint = false} : vector<3x1024xf32>, vector<3x896xf32>, vector<1024x896xf32> -> vector<1024x896xf32>
    %slice3A_76 = vector.extract_strided_slice %broadcast_in_dim3A_22 {offsets = [5120, 0], sizes = [1024, 1], strides = [1, 1]} : vector<10240x1xf32> to vector<1024x1xf32>
    %add3A_77 = vector.broadcast %get3A_15 : vector<1x896xf32> to vector<1024x896xf32>
    %add3A_78 = vector.broadcast %slice3A_76 : vector<1024x1xf32> to vector<1024x896xf32>
    %add3A_79 = arith.addf %add3A_77, %add3A_78 : vector<1024x896xf32>
    %sub3A_80 = arith.subf %add3A_79, %dot_general3A_75 : vector<1024x896xf32>
    %reduce_min3A_81 = arith.constant dense<0x7F800000> : vector<896xf32>
    %reduce_min3A_82 = vector.multi_reduction <minimumf>, %sub3A_80, %reduce_min3A_81 [0] : vector<1024x896xf32> to vector<896xf32>
    %broadcast_in_dim3A_83 = vector.shape_cast %reduce_min3A_82 : vector<896xf32> to vector<1x896xf32>
    %slice3A_84 = vector.extract_strided_slice %get3A_10 {offsets = [0, 6144], sizes = [3, 1024], strides = [1, 1]} : vector<3x10240xf32> to vector<3x1024xf32>
    %dot_general3A_85 = arith.constant dense<0.000000e+00> : vector<1024x896xf32>
    %dot_general3A_86 = tpu.matmul %slice3A_84, %get3A_5, %dot_general3A_85 {dimension_numbers = #tpu.dot_dimension_numbers<[0], [0], [1], [1], [0, 1, 1, 1], [], []>, transpose_lhs_hint = false} : vector<3x1024xf32>, vector<3x896xf32>, vector<1024x896xf32> -> vector<1024x896xf32>
    %slice3A_87 = vector.extract_strided_slice %broadcast_in_dim3A_22 {offsets = [6144, 0], sizes = [1024, 1], strides = [1, 1]} : vector<10240x1xf32> to vector<1024x1xf32>
    %add3A_88 = vector.broadcast %get3A_15 : vector<1x896xf32> to vector<1024x896xf32>
    %add3A_89 = vector.broadcast %slice3A_87 : vector<1024x1xf32> to vector<1024x896xf32>
    %add3A_90 = arith.addf %add3A_88, %add3A_89 : vector<1024x896xf32>
    %sub3A_91 = arith.subf %add3A_90, %dot_general3A_86 : vector<1024x896xf32>
    %reduce_min3A_92 = arith.constant dense<0x7F800000> : vector<896xf32>
    %reduce_min3A_93 = vector.multi_reduction <minimumf>, %sub3A_91, %reduce_min3A_92 [0] : vector<1024x896xf32> to vector<896xf32>
    %broadcast_in_dim3A_94 = vector.shape_cast %reduce_min3A_93 : vector<896xf32> to vector<1x896xf32>
    %slice3A_95 = vector.extract_strided_slice %get3A_10 {offsets = [0, 7168], sizes = [3, 1024], strides = [1, 1]} : vector<3x10240xf32> to vector<3x1024xf32>
    %dot_general3A_96 = arith.constant dense<0.000000e+00> : vector<1024x896xf32>
    %dot_general3A_97 = tpu.matmul %slice3A_95, %get3A_5, %dot_general3A_96 {dimension_numbers = #tpu.dot_dimension_numbers<[0], [0], [1], [1], [0, 1, 1, 1], [], []>, transpose_lhs_hint = false} : vector<3x1024xf32>, vector<3x896xf32>, vector<1024x896xf32> -> vector<1024x896xf32>
    %slice3A_98 = vector.extract_strided_slice %broadcast_in_dim3A_22 {offsets = [7168, 0], sizes = [1024, 1], strides = [1, 1]} : vector<10240x1xf32> to vector<1024x1xf32>
    %add3A_99 = vector.broadcast %get3A_15 : vector<1x896xf32> to vector<1024x896xf32>
    %add3A_100 = vector.broadcast %slice3A_98 : vector<1024x1xf32> to vector<1024x896xf32>
    %add3A_101 = arith.addf %add3A_99, %add3A_100 : vector<1024x896xf32>
    %sub3A_102 = arith.subf %add3A_101, %dot_general3A_97 : vector<1024x896xf32>
    %reduce_min3A_103 = arith.constant dense<0x7F800000> : vector<896xf32>
    %reduce_min3A_104 = vector.multi_reduction <minimumf>, %sub3A_102, %reduce_min3A_103 [0] : vector<1024x896xf32> to vector<896xf32>
    %broadcast_in_dim3A_105 = vector.shape_cast %reduce_min3A_104 : vector<896xf32> to vector<1x896xf32>
    %slice3A_106 = vector.extract_strided_slice %get3A_10 {offsets = [0, 8192], sizes = [3, 1024], strides = [1, 1]} : vector<3x10240xf32> to vector<3x1024xf32>
    %dot_general3A_107 = arith.constant dense<0.000000e+00> : vector<1024x896xf32>
    %dot_general3A_108 = tpu.matmul %slice3A_106, %get3A_5, %dot_general3A_107 {dimension_numbers = #tpu.dot_dimension_numbers<[0], [0], [1], [1], [0, 1, 1, 1], [], []>, transpose_lhs_hint = false} : vector<3x1024xf32>, vector<3x896xf32>, vector<1024x896xf32> -> vector<1024x896xf32>
    %slice3A_109 = vector.extract_strided_slice %broadcast_in_dim3A_22 {offsets = [8192, 0], sizes = [1024, 1], strides = [1, 1]} : vector<10240x1xf32> to vector<1024x1xf32>
    %add3A_110 = vector.broadcast %get3A_15 : vector<1x896xf32> to vector<1024x896xf32>
    %add3A_111 = vector.broadcast %slice3A_109 : vector<1024x1xf32> to vector<1024x896xf32>
    %add3A_112 = arith.addf %add3A_110, %add3A_111 : vector<1024x896xf32>
    %sub3A_113 = arith.subf %add3A_112, %dot_general3A_108 : vector<1024x896xf32>
    %reduce_min3A_114 = arith.constant dense<0x7F800000> : vector<896xf32>
    %reduce_min3A_115 = vector.multi_reduction <minimumf>, %sub3A_113, %reduce_min3A_114 [0] : vector<1024x896xf32> to vector<896xf32>
    %broadcast_in_dim3A_116 = vector.shape_cast %reduce_min3A_115 : vector<896xf32> to vector<1x896xf32>
    %slice3A_117 = vector.extract_strided_slice %get3A_10 {offsets = [0, 9216], sizes = [3, 1024], strides = [1, 1]} : vector<3x10240xf32> to vector<3x1024xf32>
    %dot_general3A_118 = arith.constant dense<0.000000e+00> : vector<1024x896xf32>
    %dot_general3A_119 = tpu.matmul %slice3A_117, %get3A_5, %dot_general3A_118 {dimension_numbers = #tpu.dot_dimension_numbers<[0], [0], [1], [1], [0, 1, 1, 1], [], []>, transpose_lhs_hint = false} : vector<3x1024xf32>, vector<3x896xf32>, vector<1024x896xf32> -> vector<1024x896xf32>
    %slice3A_120 = vector.extract_strided_slice %broadcast_in_dim3A_22 {offsets = [9216, 0], sizes = [1024, 1], strides = [1, 1]} : vector<10240x1xf32> to vector<1024x1xf32>
    %add3A_121 = vector.broadcast %get3A_15 : vector<1x896xf32> to vector<1024x896xf32>
    %add3A_122 = vector.broadcast %slice3A_120 : vector<1024x1xf32> to vector<1024x896xf32>
    %add3A_123 = arith.addf %add3A_121, %add3A_122 : vector<1024x896xf32>
    %sub3A_124 = arith.subf %add3A_123, %dot_general3A_119 : vector<1024x896xf32>
    %reduce_min3A_125 = arith.constant dense<0x7F800000> : vector<896xf32>
    %reduce_min3A_126 = vector.multi_reduction <minimumf>, %sub3A_124, %reduce_min3A_125 [0] : vector<1024x896xf32> to vector<896xf32>
    %broadcast_in_dim3A_127 = vector.shape_cast %reduce_min3A_126 : vector<896xf32> to vector<1x896xf32>
    %min3A = arith.minimumf %broadcast_in_dim3A_28, %broadcast_in_dim3A_39 : vector<1x896xf32>
    %min3A_128 = arith.minimumf %broadcast_in_dim3A_50, %broadcast_in_dim3A_61 : vector<1x896xf32>
    %min3A_129 = arith.minimumf %broadcast_in_dim3A_72, %broadcast_in_dim3A_83 : vector<1x896xf32>
    %min3A_130 = arith.minimumf %broadcast_in_dim3A_94, %broadcast_in_dim3A_105 : vector<1x896xf32>
    %min3A_131 = arith.minimumf %broadcast_in_dim3A_116, %broadcast_in_dim3A_127 : vector<1x896xf32>
    %min3A_132 = arith.minimumf %min3A, %min3A_128 : vector<1x896xf32>
    %min3A_133 = arith.minimumf %min3A_129, %min3A_130 : vector<1x896xf32>
    %min3A_134 = arith.minimumf %min3A_132, %min3A_133 : vector<1x896xf32>
    %min3A_135 = arith.minimumf %min3A_134, %min3A_131 : vector<1x896xf32>
    %get3A_136 = arith.constant 0 : index
    %get3A_137 = arith.constant 0 : index
    %get3A_138 = vector.load %arg7[%get3A_136, %get3A_137] : memref<1x896xf32, #tpu.memory_space<vmem>>, vector<1x896xf32>
    %min3A_139 = arith.minimumf %get3A_138, %min3A_135 : vector<1x896xf32>
    %swap3A = arith.constant 0 : index
    %swap3A_140 = arith.constant 0 : index
    %swap3A_141 = vector.load %arg7[%swap3A, %swap3A_140] : memref<1x896xf32, #tpu.memory_space<vmem>>, vector<1x896xf32>
    tpu.vector_store %arg7[%swap3A, %swap3A_140], %min3A_139 {strides = array<i32>} : memref<1x896xf32, #tpu.memory_space<vmem>>, vector<1x896xf32>,
    %eq3A_142 = arith.constant 1 : i32
    %eq3A_143 = arith.cmpi eq, %arg1, %eq3A_142 : i32
    %convert_element_type3A_144 = arith.extui %eq3A_143 : i1 to i32
    %cond3A_145 = arith.constant 0 : i32
    %cond3A_146 = arith.cmpi ne, %convert_element_type3A_144, %cond3A_145 : i32
    scf.if %cond3A_146 {
      %get3A_147 = arith.constant 0 : index
      %get3A_148 = arith.constant 0 : index
      %get3A_149 = vector.load %arg7[%get3A_147, %get3A_148] : memref<1x896xf32, #tpu.memory_space<vmem>>, vector<1x896xf32>
      %mul3A = arith.constant 2.000000e+00 : f32
      %mul3A_150 = vector.broadcast %mul3A : f32 to vector<1x896xf32>
      %mul3A_151 = arith.mulf %mul3A_150, %get3A_149 : vector<1x896xf32>
      %max3A = arith.constant 0.000000e+00 : f32
      %max3A_152 = vector.broadcast %max3A : f32 to vector<1x896xf32>
      %max3A_153 = arith.maximumf %mul3A_151, %max3A_152 : vector<1x896xf32>
      %sqrt3A = math.sqrt %max3A_153 : vector<1x896xf32>
      %swap3A_154 = arith.index_cast %arg0 : i32 to index
      %swap3A_155 = arith.constant 0 : index
      %swap3A_156 = vector.load %arg6[%swap3A_154, %swap3A_155] : memref<8x896xf32, #tpu.memory_space<vmem>>, vector<1x896xf32>
      tpu.vector_store %arg6[%swap3A_154, %swap3A_155], %sqrt3A {strides = array<i32>} : memref<8x896xf32, #tpu.memory_space<vmem>>, vector<1x896xf32>,
    } else {
    }
    return
  }
  func.func @transform_0(%arg0: i32, %arg1: i32) -> (i32, i32, i32) {
    %c0_i32 = arith.constant 0 : i32
    %c0_i32_0 = arith.constant 0 : i32
    %c0_i32_1 = arith.constant 0 : i32
    return %arg0, %c0_i32, %c0_i32_0 : i32, i32, i32
  }
  func.func @transform_1(%arg0: i32, %arg1: i32) -> (i32, i32, i32) {
    %c0_i32 = arith.constant 0 : i32
    %c0_i32_0 = arith.constant 0 : i32
    return %arg0, %c0_i32, %arg1 : i32, i32, i32
  }
  func.func @transform_2(%arg0: i32, %arg1: i32) -> (i32, i32, i32) {
    %c0_i32 = arith.constant 0 : i32
    %c0_i32_0 = arith.constant 0 : i32
    %c0_i32_1 = arith.constant 0 : i32
    return %arg0, %c0_i32, %c0_i32_0 : i32, i32, i32
  }
  func.func @transform_3(%arg0: i32, %arg1: i32) -> (i32, i32) {
    %c0_i32 = arith.constant 0 : i32
    %c0_i32_0 = arith.constant 0 : i32
    return %arg1, %c0_i32 : i32, i32
  }
  func.func @transform_4(%arg0: i32, %arg1: i32) -> (i32, i32) {
    %c0_i32 = arith.constant 0 : i32
    %c0_i32_0 = arith.constant 0 : i32
    %c0_i32_1 = arith.constant 0 : i32
    return %c0_i32, %c0_i32_0 : i32, i32
  }
}

</mosaic_0001>

<sc_bundles>
// kernel: kernel.4.cloned.1.call-start
scs
__scs_entry_jumppad:
0x0: {  	(pc) =	sbr.rel $0x88, $3  }
0x1: {  	(tag) =	ssettag $0x0;
	lr =	simm.s32 $0x1  }
0x2: {  	[smem:$0x3F9F] =	sst lr;
	_ =	strace $0xD0000000  }
0x3: {  	_ = 	snop  }
0x4: {  	_ = 	snop  }
0x5: {  	_ = 	snop  }
0x6: {  	_ = 	snop  }
0x7: {  	_ = 	snop  }
__scs_overlays_trampoline_lowered:
0x8: {  	[smem:$0x3FAE] =	sst s0  }
0x9: {  	[smem:$0x3FAF] =	sst s1  }
0xa: {  	[smem:$0x3FB0] =	sst s2  }
0xb: {  	[smem:$0x3FB1] =	sst s3  }
0xc: {  	[smem:$0x3FB2] =	sst s4  }
0xd: {  	[smem:$0x3FB3] =	sst s5  }
0xe: {  	[smem:$0x3FB4] =	sst s6  }
0xf: {  	[smem:$0x3FB5] =	sst s7  }
0x10: {  	[smem:$0x3FB6] =	sst s8  }
0x11: {  	[smem:$0x3FB7] =	sst s9;
	s0 =	simm.s32 @!p0 $0x0  }
0x12: {  	s1 =	sld [smem:$0x3F9D];
	s0 =	simm.s32 @p0 $0x1  }
0x13: {  	[smem:$0x3FB8] =	sst s0;
	s0 =	simm.s32 @!p1 $0x0  }
0x14: {  	s2 =	sld [smem:$0x3F9C];
	s0 =	simm.s32 @p1 $0x1  }
0x15: {  	[smem:$0x3FB9] =	sst s0;
	s0 =	simm.s32 @!p2 $0x0  }
0x16: {  	s3 =	sld [smem:$0x3FDB];
	s0 =	simm.s32 @p2 $0x1  }
0x17: {  	s4 =	simm.s32 $0x1BF5;
	[smem:$0x3FBB] =	sst s0  }
0x18: {  	s0 =	sld [smem:$0x3F9E];
	_ =	swait.ge [sflag:s4], $0x0  }
0x19: {  	s7 =	sld [smem:$0x3F9F]  }
0x1a: {  	s8 =	sadd.s32 $0xFFFFE003, lr  }
0x1b: {  	s9 =	sadd.s32 $0xFFFFFEF7, lr;
	s5 =	simm.s32 $0xFFFFFFFF;
	p2 =	slt.u32 s8, $0xFFFFF086  }
0x1c: {  	p1 =	slt.u32 s9, $0xF7A;
	s5 =	simm.s32 @!p2 $0x0  }
0x1d: {  	s5 =	simm.s32 @p1 $0x1;
	p0 =	seq.s32 s7, s2  }
0x1e: {  	s7 =	smul.u32 @!p0 $0xF7A, s2;
	p2 =	seq.s32 @!p0 s5, $0x0  }
0x1f: {  	s9 =	smul.u32 $0xF7A, s1;
	s8 =	simm.s32 @!p0 $0x1BF5;
	p2 =	por !p2, p0  }
0x20: {  	[sflag:s8] =	ssyncset.s32 @!p0 $0xFFFFF086;
	s6 =	sadd.s32 @!p0 s3, s7;
	s7 =	simm.s32 @!p0 $0x108  }
0x21: {  	s3 =	sadd.s32 s3, s9;
	s6 =	sadd.s32 @!p0 $0x88, s6;
	s7 =	simm.s32 @p2 $0x1082  }
0x22: {  	[simem:s7], [sflag:s8] =	dma.local @!p0 [hbm:s6], $0xF7A  }
0x23: {  	s9 =	sor.u32 $0xD0000000, s2;
	s6 =	simm.s32 $0x108;
	_ =	swait.ge @!p0 [sflag:s8], $0x0  }
0x24: {  	s3 =	sadd.s32 $0x88, s3;
	s6 =	simm.s32 @!p1 $0x1082;
	[sflag:s4] =	ssyncset.s32 $0xFFFFF086  }
0x25: {  	[simem:s6], [sflag:s4] =	dma.local [hbm:s3], $0xF7A  }
0x26: {  	[smem:$0x3F9F] =	sst s1;
	(tag) =	ssettag s2;
	_ =	strace s9  }
0x27: {  	s1 =	sld [smem:$0x3FAF]  }
0x28: {  	s2 =	sld [smem:$0x3FB0]  }
0x29: {  	s4 =	sld [smem:$0x3FB2]  }
0x2a: {  	p0 =	seq.s32 s5, $0x0;
	s5 =	sld [smem:$0x3FB3]  }
0x2b: {  	s6 =	sld [smem:$0x3FB4]  }
0x2c: {  	s7 =	sld [smem:$0x3FB5]  }
0x2d: {  	s3 =	simm.s32 $0x108;
	s8 =	sld [smem:$0x3FB6]  }
0x2e: {  	s3 =	simm.s32 @!p0 $0x1082;
	s9 =	sld [smem:$0x3FB7]  }
0x2f: {  	lr =	sadd.s32 s0, s3;
	s0 =	sld [smem:$0x3FAE]  }
0x30: {  	s3 =	sld [smem:$0x3FB1]  }
0x31: {  	[smem:$0x3FBA] =	sst s10  }
0x32: {  	s10 =	sld [smem:$0x3FB8];
	_ =	sdelay $0x3  }
0x33: {  	p0 =	seq.s32 s10, $0x1;
	s10 =	sld [smem:$0x3FBA];
	_ =	sdelay $0x3  }
0x34: {  	[smem:$0x3FBA] =	sst s10  }
0x35: {  	s10 =	sld [smem:$0x3FB9];
	_ =	sdelay $0x3  }
0x36: {  	p1 =	seq.s32 s10, $0x1;
	s10 =	sld [smem:$0x3FBA];
	_ =	sdelay $0x3  }
0x37: {  	[smem:$0x3FBA] =	sst s10  }
0x38: {  	s10 =	sld [smem:$0x3FBB]  }
0x39: {  	_ = 	snop;
	(pc) =	sbr.ind lr, $3  }
0x3a: {  	_ = 	snop  }
0x3b: {  	_ = 	snop  }
0x3c: {  	p2 =	seq.s32 s10, $0x1;
	s10 =	sld [smem:$0x3FBA]  }
0x3d: {  	_ =	shalt  }
0x3e: {  	_ =	shalt  }
0x3f: {  	_ =	shalt  }
0x40: {  	_ =	shalt  }
0x41: {  	_ =	shalt  }
0x42: {  	_ =	shalt  }
0x43: {  	_ =	shalt  }
0x44: {  	_ =	shalt  }
0x45: {  	_ =	shalt  }
0x46: {  	_ =	shalt  }
0x47: {  	_ =	shalt  }
0x48: {  	_ =	shalt  }
0x49: {  	_ =	shalt  }
0x4a: {  	_ =	shalt  }
0x4b: {  	_ =	shalt  }
0x4c: {  	_ =	shalt  }
0x4d: {  	_ =	shalt  }
0x4e: {  	_ =	shalt  }
0x4f: {  	_ =	shalt  }
0x50: {  	_ =	shalt  }
0x51: {  	_ =	shalt  }
0x52: {  	_ =	shalt  }
0x53: {  	_ =	shalt  }
0x54: {  	_ =	shalt  }
0x55: {  	_ =	shalt  }
0x56: {  	_ =	shalt  }
0x57: {  	_ =	shalt  }
0x58: {  	_ =	shalt  }
0x59: {  	_ =	shalt  }
0x5a: {  	_ =	shalt  }
0x5b: {  	_ =	shalt  }
0x5c: {  	_ =	shalt  }
0x5d: {  	_ =	shalt  }
0x5e: {  	_ =	shalt  }
0x5f: {  	_ =	shalt  }
0x60: {  	_ =	shalt  }
0x61: {  	_ =	shalt  }
0x62: {  	_ =	shalt  }
0x63: {  	_ =	shalt  }
0x64: {  	_ =	shalt  }
0x65: {  	_ =	shalt  }
0x66: {  	_ =	shalt  }
0x67: {  	_ =	shalt  }
0x68: {  	_ =	shalt  }
0x69: {  	_ =	shalt  }
0x6a: {  	_ =	shalt  }
0x6b: {  	_ =	shalt  }
0x6c: {  	_ =	shalt  }
0x6d: {  	_ =	shalt  }
0x6e: {  	_ =	shalt  }
0x6f: {  	_ =	shalt  }
0x70: {  	_ =	shalt  }
0x71: {  	_ =	shalt  }
0x72: {  	_ =	shalt  }
0x73: {  	_ =	shalt  }
0x74: {  	_ =	shalt  }
0x75: {  	_ =	shalt  }
0x76: {  	_ =	shalt  }
0x77: {  	_ =	shalt  }
0x78: {  	_ =	shalt  }
0x79: {  	_ =	shalt  }
0x7a: {  	_ =	shalt  }
0x7b: {  	_ =	shalt  }
0x7c: {  	_ =	shalt  }
0x7d: {  	_ =	shalt  }
0x7e: {  	_ =	shalt  }
0x7f: {  	_ =	shalt  }
0x80: {  	_ =	shalt  }
0x81: {  	_ =	shalt  }
0x82: {  	_ =	shalt  }
0x83: {  	_ =	shalt  }
0x84: {  	_ =	shalt  }
0x85: {  	_ =	shalt  }
0x86: {  	_ =	shalt  }
0x87: {  	_ =	shalt  }
.Lfunc_end0:
.L_simem_size_0:
called_computation_lowered:
.L_overlay_start_0:
0x88: {  	s2 =	sld [smem:$0x3FD9]  }
0x89: {  	s3 =	sld [smem:$0x3FFE];
	_ =	sdelay $0x1  }
0x8a: {  	s1 =	srdreg.scid  }
0x8b: {  	s0 =	sand.u32 $0x1, s1  }
0x8c: {  	s16 =	sshll.u32 s0, $0xA;
	s2 =	sadd.s32 s3, s2  }
0x8d: {  	s2 =	sadd.s32 s2, s16  }
0x8e: {  	[smem:$0x3FC6] =	sst s2  }
0x8f: {  	_ = 	snop  }
0x90: {  	(tm) =	ssettm $0x1  }
0x91: {  	s17 =	sld [smem:$0x3FFB];
	_ =	sdelay $0x3  }
0x92: {  	_ =	strace s17  }
0x93: {  	s2 =	sld [smem:$0x3FFC];
	_ =	sdelay $0x3  }
0x94: {  	_ =	strace s2  }
0x95: {  	s2 =	sld [smem:$0x3FFD];
	_ =	sdelay $0x3  }
0x96: {  	_ =	strace s2  }
0x97: {  	_ =	strace $0x8FFFFFFF  }
0x98: {  	s18 =	sld [smem:$0x3FDB];
	_ =	sdelay $0x1  }
0x99: {  	s19 =	simm.s32 $_scs_section_size  }
0x9a: {  	s4 =	simm.s32 $_size__tile_overlayer_lowered;
	s5 =	simm.s32 $_tile_overlayer_lowered  }
0x9b: {  	s22 =	simm.s32 $0x1BFF;
	s21 =	sshll.u32 s5, $0x1;
	s2 =	sadd.s32 s19, s18  }
0x9c: {  	s6 =	simm.s32 $0x0;
	s20 =	sshll.u32 s4, $0x1;
	s4 =	sadd.s32 s21, s2  }
0x9d: {  	[timem:s6], [sflag:s22] =	dma.local [hbm:s4], s20  }
0x9e: {  	_ =	swait.ge [sflag:s22], s20  }
0x9f: {  	s3 =	ssub.s32 $0x0, s20;
	[sflag:s22] =	ssyncset.done $0x0  }
0xa0: {  	[sflag:s22] =	ssyncadd.s32 s3;
	_ =	sdelay $0x1  }
0xa1: {  	s23 =	simm.s32 $0x1B8B  }
0xa2: {  	_ =	swait.ge [sflag:s23], $0x1  }
0xa3: {  	[sflag:s23] =	ssyncset.done $0x0  }
0xa4: {  	s25 =	simm.s32 $0x1B8E;
	s24 =	sld [smem:$0x3FFE];
	[sflag:s23] =	ssyncadd.s32 $0xFFFFFFFF  }
0xa5: {  	s26 =	simm.s32 $execute0_lowered;
	[smem:$0x3FD2] =	sst s25  }
0xa6: {  	s4 =	sshll.u32 s26, $0x1;
	_ =	strace $0x80000046;
	[dreg:$0x1] =	wrdreg $0xFFFFFFFF  }
0xa7: {  	s28 =	simm.s32 $_size_execute0_lowered;
	s2 =	sadd.s32 s2, s4;
	[dreg:$0x0] =	wrdreg $0x0  }
0xa8: {  	s4 =	sshll.u32 s28, $0x1;
	[dreg:$0x2] =	wrdreg s2  }
0xa9: {  	[dreg:$0x3] =	wrdreg s4  }
0xaa: {  	[dreg:$0x4] =	wrdreg $0xC0  }
0xab: {  	_ =	task [dreg:s6], $0x5FFFF  }
0xac: {  	[dreg:$0x1] =	wrdreg $0xFFFFFFFF  }
0xad: {  	[dreg:$0x0] =	wrdreg $0x60  }
0xae: {  	[dreg:$0x2] =	wrdreg s24  }
0xaf: {  	[dreg:$0x3] =	wrdreg $0x9  }
0xb0: {  	_ =	task.clear_ibuf [dreg:s6], $0x4FFFF;
	_ =	strace $0x90000046  }
0xb1: {  	s29 =	simm.s32 $0x9;
	_ =	strace $0x80000048  }
0xb2: {  	_ =	swait.ge [sflag:s29], $0x1  }
0xb3: {  	[sflag:s29] =	ssyncadd.s32 $0xFFFFFFFF  }
0xb4: {  	_ =	strace $0x90000048  }
0xb5: {  	_ =	sfence  }
0xb6: {  	s30 =	sld [smem:$0x0];
	_ =	sdelay $0x2  }
0xb7: {  	s31 =	sshll.u32 s1, $0xD;
	s1 =	sshrl.u32 s1, $0x2  }
0xb8: {  	s3 =	sand.u32 $0x4000, s31;
	s1 =	sadd.s32 s1, s30  }
0xb9: {  	s0 =	sor.u32 s3, s0;
	s1 =	sshll.u32 s1, $0x11  }
0xba: {  	s0 =	sor.u32 s1, s0  }
0xbb: {  	s0 =	sadd.s32 $0x8F2B, s0  }
0xbc: {  	[sflag:s0] =	ssyncadd.remote.s32 $0x1  }
0xbd: {  	_ =	sfence.sel $0xFFFF  }
0xbe: {  	[dreg:$0x0] =	wrdreg $0xFFFFFFFF;
	(pc) =	sbr.abs _section_cstart, $3  }
0xbf: {  	[dreg:$0x1] =	wrdreg $0xFFFFFFFF  }
0xc0: {  	_ =	task.clear_ibuf [dreg:s6], $0x2FFFF;
	_ =	strace $0x9FFFFFFF  }
0xc1: {  	(tm) =	ssettm $0x7FFFFFFF  }
tec
execute0_lowered:
.L_overlay_start_1:
0x0: {  	(tag) =	ssettag $0x1  }
0x1: {  	s1 =	stileid.u32  }
0x2: {  	p0 =	sgt.u32 s1, $0x3  }
.Ltmp0:
0x3: {  	_ = 	snop;
	(pc) =	sbr.rel @p0 .LBB2_11-.Ltmp0, $4  }
0x4: {  	_ = 	snop  }
0x5: {  	s2 =	rddreg [dreg:$0x0];
	s3 =	simm.s32 $0x0  }
0x6: {  	[smem:$0x7FF] =	sst s3  }
0x7: {  	s0 =	rddreg [dreg:$0x1];
	_ =	strace $0x80000047  }
0x8: {  	v1 =	vimm.s32 $0xFEDCBA98;
	vm12 =	vcmask $0xB08;
	vm9 =	vcmask $0xF0C  }
0x9: {  	v2 =	vimm.s32 $0x76543210;
	vm10 =	vcmask $0x1310;
	v3 =	vimm.s32 $0x3210FEDC  }
0xa: {  	v4 =	vimm.s32 $0xBA987654;
	v5 =	vimm.s32 $0x10FEDCBA;
	v6 =	vimm.s32 $0x98765432  }
0xb: {  	v7 =	vimm.s32 $0xFEDCBA9;
	v8 =	vimm.s32 $0x87654321;
	vm11 =	vcmask $0x1714  }
0xc: {  	vm0 =	vcmask $0x1B18;
	v9 =	vimm.s32 $0x0;
	vm5 =	vmmov $0x3  }
0xd: {  	s4 =	srdreg.scid;
	v10 =	vimm.s32 $0xFFFFFFFF;
	v1 =	vunpack.c.l.s4.s8 v1;
	v2 =	vunpack.c.l.s4.s8 v2  }
0xe: {  	s5 =	sshll.u32 s1, $0x1;
	s4 =	sand.u32 $0x1, s4;
	v3 =	vunpack.c.l.s4.s8 v3;
	v4 =	vunpack.c.l.s4.s8 v4;
	v5 =	vunpack.c.l.s4.s8 v5  }
0xf: {  	v6 =	vunpack.c.l.s4.s8 v6;
	v7 =	vunpack.c.l.s4.s8 v7;
	v8 =	vunpack.c.l.s4.s8 v8;
	s5 =	sor.u32 s4, s5  }
0x10: {  	s6 =	smul.u32 $0x380, s5;
	v1 =	vunpack.c.0.s8.s32 v1;
	v3 =	vunpack.c.0.s8.s32 v3;
	v4 =	vunpack.c.0.s8.s32 v4  }
0x11: {  	v5 =	vunpack.c.0.s8.s32 v5;
	v6 =	vunpack.c.0.s8.s32 v6;
	v7 =	vunpack.c.0.s8.s32 v7  }
0x12: {  	s8 =	simm.s32 $0x40;
	s9 =	simm.s32 $0x680;
	s10 =	simm.s32 $0x700;
	v8 =	vunpack.c.0.s8.s32 v8;
	v2 =	vunpack.c.0.s8.s32 v2;
	v0 =	vmov s6  }
0x13: {  	s11 =	simm.s32 $0x600;
	s4 =	ssub.s32 $0x2, s4;
	s5 =	sshll.u32 s5, $0x4;
	v3 =	vcombine.low v4, v3;
	v4 =	vand.u32 $0xF, v1;
	v5 =	vcombine.low v6, v5  }
0x14: {  	s12 =	simm.s32 $0x0;
	s7 =	sshrl.u32 s4, $0x1;
	s5 =	sadd.s32 s5, s2;
	v6 =	vcombine.low v8, v7;
	v1 =	vlaneseq.u32;
	v2 =	vcombine.low v4, v2  }
0x15: {  	s7 =	ssub.s32 s4, s7;
	s6 =	sshrl.u32 s6, $0x3;
	s4 =	sadd.s32 $0x400, s5;
	v7 =	vor.u32 $0x20, v1;
	v8 =	vor.u32 $0x30, v1;
	v3 =	vand.u32 $0xF, v3  }
0x16: {  	s5 =	sadd.s32 s2, s6;
	s6 =	smax.u32 s7, $0x1;
	s7 =	simm.s32 $0x1;
	v4 =	vand.u32 $0xF, v5;
	v5 =	vand.u32 $0xF, v6;
	v6 =	vor.u32 $0x10, v1  }
.LBB2_2:
0x17: {  	s13 =	simm.s32 $0x0  }
0x18: {  	[tilespmem:s13], [sflag:$0x1] =	stream.linear.gather [hbm4b:s5+s13], $0x380, $0x38;
	[tilespmem:$0x780] =	vst v63  }
0x19: {  	v12 =	vimm.s32 $0x40000000;
	_ =	swait.ge [sflag:s7], $0x380  }
0x1a: {  	v11 =	vsel vm12, $0x2E9, v12;
	[sflag:s7] =	ssyncset.done $0x0  }
0x1b: {  	v11 =	vsel vm9, $0x13D, v11;
	[sflag:s7] =	ssyncadd.s32 $0xFFFFFC80  }
0x1c: {  	v11 =	vsel vm10, $0x1BC, v11;
	[tilespmem:$0x380] =	vst v12  }
0x1d: {  	v11 =	vsel vm11, $0x22C, v11;
	[tilespmem:$0x390] =	vst v12  }
0x1e: {  	v15 =	vimm.f32 $-1.000000000e+00;
	[tilespmem:$0x3A0] =	vst v12;
	v13 =	vsel vm0, $0x2A1, v11  }
0x1f: {  	v14 =	vimm.s32 $0x40000000;
	v16 =	vimm.s32 $0xFFFFFFFF;
	s14 =	simm.s32 $0x0;
	v11 =	vimm.s32 $0x40000000;
	[tilespmem:$0x3B0] =	vst v13  }
.LBB2_3:
0x20: {  	v17 =	vld [tilespmem:s13+$0x0];
	_ =	sdelay $0x4  }
0x21: {  	s15 =	simm.s32 $0x10;
	vm6 =	vlt.f32 v17, $1.499999970e-02  }
0x22: {  	v19 =	vld [tilespmem:s15+$0x0];
	v18 =	vnsel vm6, $0x4E6E6B28, v17;
	v17 =	vor.u32 s13, v1  }
0x23: {  	vm6 =	veq.f32 v18, v15;
	vm7 =	vgt.s32 v17, v16  }
0x24: {  	vm8 =	vgt.f32 v18, v15;
	vm6 =	vmand vm7, vm6  }
0x25: {  	vm6 =	vmor vm8, vm6  }
0x26: {  	v20 =	vimm.f32 $3.000000000e+09;
	v21 =	vnsel vm6, $0x4F32D05E, v18  }
0x27: {  	s16 =	simm.s32 $0x20;
	s17 =	simm.s32 $0x20;
	vm7 =	vlt.f32 v19, $1.499999970e-02;
	v18 =	vimm.s32 $0x40000000;
	vm6 =	vlt.f32 v21, v20  }
.LBB2_4:
0x28: {  	p0 =	sne.s32 s16, $0x300;
	v22 =	vnsel vm7, $0x4E6E6B28, v19;
	v19 =	vld [tilespmem:s17+$0x0];
	v23 =	vor.u32 s15, v1;
	v20 =	vsel vm6, v21, v20;
	s15 =	smov.u32 s16;
	s16 =	sadd.s32 $0x10, s16  }
.Ltmp1:
0x29: {  	v18 =	vsel vm6, v17, v18;
	vm7 =	veq.f32 v22, v15;
	vm8 =	vgt.s32 v23, v16;
	v17 =	vmovc v23;
	(pc) =	sbr.rel @p0 .LBB2_4-.Ltmp1, $4  }
0x2a: {  	vm6 =	vgt.f32 v22, v15;
	vm7 =	vmand vm8, vm7  }
0x2b: {  	vm6 =	vmor vm6, vm7  }
0x2c: {  	v21 =	vnsel vm6, $0x4F32D05E, v22  }
0x2d: {  	s17 =	sadd.s32 $0x10, s17;
	vm7 =	vlt.f32 v19, $1.499999970e-02;
	vm6 =	vlt.f32 v21, v20  }
0x2e: {  	v19 =	vnsel vm7, $0x4E6E6B28, v19;
	v22 =	vor.u32 s15, v1  }
0x2f: {  	vm7 =	veq.f32 v19, v15;
	vm8 =	vgt.s32 v22, v16  }
0x30: {  	vm7 =	vmand vm8, vm7;
	vm8 =	vgt.f32 v19, v15  }
0x31: {  	vm7 =	vmor vm8, vm7  }
0x32: {  	v15 =	vsel vm6, v21, v20;
	v16 =	vnsel vm7, $0x4F32D05E, v19  }
0x33: {  	vm7 =	vlt.f32 v16, v15  }
0x34: {  	v16 =	vsel vm7, v16, v15  }
0x35: {  	v15 =	vperm.xlane v16, v2;
	_ =	sdelay $0x1  }
0x36: {  	v15 =	vmin.f32 v16, v15  }
0x37: {  	v19 =	vperm.xlane v15, v3;
	_ =	sdelay $0x1  }
0x38: {  	v15 =	vmin.f32 v15, v19  }
0x39: {  	v19 =	vperm.xlane v15, v4;
	_ =	sdelay $0x1  }
0x3a: {  	v15 =	vmin.f32 v15, v19  }
0x3b: {  	v19 =	vperm.xlane v15, v5;
	_ =	sdelay $0x1  }
0x3c: {  	v17 =	vsel vm6, v17, v18;
	v15 =	vmin.f32 v15, v19  }
0x3d: {  	v17 =	vsel vm7, v22, v17;
	vm6 =	veq.f32 v16, v15  }
0x3e: {  	v16 =	vnsel vm6, $0x40000000, v17  }
0x3f: {  	v17 =	vperm.xlane v16, v2;
	_ =	sdelay $0x1  }
0x40: {  	vm6 =	vlt.s32 v16, v17  }
0x41: {  	v16 =	vsel vm6, v16, v17  }
0x42: {  	v17 =	vperm.xlane v16, v3;
	_ =	sdelay $0x1  }
0x43: {  	vm6 =	vlt.s32 v16, v17  }
0x44: {  	v16 =	vsel vm6, v16, v17  }
0x45: {  	v17 =	vperm.xlane v16, v4;
	_ =	sdelay $0x1  }
0x46: {  	vm6 =	vlt.s32 v16, v17  }
0x47: {  	v16 =	vsel vm6, v16, v17  }
0x48: {  	v17 =	vperm.xlane v16, v5;
	_ =	sdelay $0x1  }
0x49: {  	v18 =	vmov s14;
	s14 =	sadd.s32 $0x1, s14;
	vm6 =	vlt.s32 v16, v17  }
0x4a: {  	p0 =	sne.s32 s14, $0x32;
	v16 =	vsel vm6, v16, v17;
	vm6 =	veq.s32 v18, v1  }
.Ltmp2:
0x4b: {  	v11 =	vsel vm6, v16, v11;
	vm6 =	veq.s32 v18, v6;
	(pc) =	sbr.rel @p0 .LBB2_3-.Ltmp2, $4  }
0x4c: {  	[tilespmem:$0x380] =	vst v11;
	v14 =	vsel vm6, v16, v14;
	vm6 =	veq.s32 v18, v7  }
0x4d: {  	[tilespmem:$0x390] =	vst v14;
	v12 =	vsel vm6, v16, v12;
	vm6 =	veq.s32 v18, v8  }
0x4e: {  	[tilespmem:$0x3A0] =	vst v12;
	v13 =	vsel vm6, v16, v13  }
0x4f: {  	[tilespmem:$0x3B0] =	vst v13  }
0x50: {  	v12 =	vld [tilespmem:$0x3B0]  }
0x51: {  	v13 =	vld [tilespmem:$0x380]  }
0x52: {  	v14 =	vld [tilespmem:$0x390]  }
0x53: {  	v15 =	vld [tilespmem:$0x3A0];
	_ =	sdelay $0x2  }
0x54: {  	vm6 =	veq.s32 v13, $0x2E9  }
0x55: {  	v13 =	vsel vm6, $0x1, v9;
	vm6 =	veq.s32 v14, $0x2E9  }
0x56: {  	vm7 =	veq.s32 v12, $0x2E9;
	v14 =	vsel vm6, $0x1, v9;
	vm6 =	veq.s32 v15, $0x2E9  }
0x57: {  	v13 =	vadd.s32 v13, v14;
	v14 =	vsel vm6, $0x1, v9;
	vm6 =	vmand vm7, vm5  }
0x58: {  	v13 =	vadd.s32 v14, v13;
	v14 =	vsel vm6, $0x1, v9  }
0x59: {  	v13 =	vadd.s32 v14, v13;
	v14 =	vld [tilespmem:$0x380]  }
0x5a: {  	v16 =	vld [tilespmem:$0x390];
	v15 =	vperm.xlane v13, v2  }
0x5b: {  	v17 =	vld [tilespmem:$0x3A0]  }
0x5c: {  	v13 =	vadd.s32 v15, v13;
	v15 =	vld [tilespmem:$0x3B0]  }
0x5d: {  	vm2 =	vmmov vm9;
	v18 =	vperm.xlane v13, v3  }
0x5e: {  	v19 =	vld [tilespmem:$0x380];
	vm3 =	vmmov vm10;
	vm4 =	vmmov vm11;
	vm6 =	veq.s32 v14, $0x13D  }
0x5f: {  	v14 =	vld [tilespmem:$0x390];
	v13 =	vadd.s32 v18, v13;
	v20 =	vsel vm6, $0x1, v9;
	vm6 =	veq.s32 v16, $0x13D  }
0x60: {  	v16 =	vld [tilespmem:$0x3A0];
	v18 =	vperm.xlane v13, v4;
	v21 =	vsel vm6, $0x1, v9;
	vm6 =	veq.s32 v17, $0x13D  }
0x61: {  	vm7 =	veq.s32 v15, $0x13D;
	v15 =	vld [tilespmem:$0x3B0];
	v17 =	vadd.s32 v20, v21;
	v20 =	vsel vm6, $0x1, v9  }
0x62: {  	v24 =	vld [tilespmem:$0x390];
	vm6 =	vmand vm7, vm5;
	v13 =	vadd.s32 v18, v13;
	v17 =	vadd.s32 v20, v17  }
0x63: {  	v20 =	vld [tilespmem:$0x380];
	v18 =	vsel vm6, $0x1, v9;
	v21 =	vperm.xlane v13, v5;
	vm6 =	veq.s32 v19, $0x1BC  }
0x64: {  	v17 =	vadd.s32 v18, v17;
	v18 =	vld [tilespmem:$0x390];
	v22 =	vsel vm6, $0x1, v9;
	vm6 =	veq.s32 v14, $0x1BC  }
0x65: {  	v14 =	vld [tilespmem:$0x3A0];
	v19 =	vperm.xlane v17, v2;
	v23 =	vsel vm6, $0x1, v9;
	vm6 =	veq.s32 v16, $0x1BC  }
0x66: {  	vm7 =	veq.s32 v15, $0x1BC;
	v15 =	vld [tilespmem:$0x3B0];
	v16 =	vadd.s32 v22, v23;
	v22 =	vsel vm6, $0x1, v9  }
0x67: {  	v13 =	vadd.s32 v21, v13;
	v23 =	vld [tilespmem:$0x380];
	vm6 =	vmand vm7, vm5;
	v16 =	vadd.s32 v22, v16  }
0x68: {  	v17 =	vadd.s32 v19, v17;
	v19 =	vld [tilespmem:$0x3A0];
	v22 =	vsel vm6, $0x1, v9;
	vm6 =	veq.s32 v20, $0x22C  }
0x69: {  	v16 =	vadd.s32 v22, v16;
	vm7 =	veq.s32 v18, $0x22C;
	v18 =	vld [tilespmem:$0x3B0];
	v20 =	vsel vm6, $0x1, v9  }
0x6a: {  	vm6 =	veq.s32 v14, $0x22C;
	v21 =	vperm.xlane v16, v2;
	v22 =	vsel vm7, $0x1, v9  }
0x6b: {  	v14 =	vadd.s32 v20, v22;
	v20 =	vsel vm6, $0x1, v9;
	vm6 =	veq.s32 v15, $0x22C  }
0x6c: {  	vm7 =	veq.s32 v23, $0x2A1;
	v14 =	vadd.s32 v20, v14;
	vm6 =	vmand vm6, vm5  }
0x6d: {  	v20 =	vsel vm7, $0x1, v9;
	v15 =	vsel vm6, $0x1, v9;
	vm6 =	veq.s32 v24, $0x2A1  }
0x6e: {  	v22 =	vsel vm6, $0x1, v9;
	vm6 =	veq.s32 v19, $0x2A1;
	vm7 =	veq.s32 v18, $0x2A1  }
0x6f: {  	v18 =	vadd.s32 v20, v22;
	v19 =	vsel vm6, $0x1, v9;
	vm6 =	vmand vm7, vm5  }
0x70: {  	v14 =	vadd.s32 v15, v14;
	v15 =	vadd.s32 v19, v18;
	v18 =	vsel vm6, $0x1, v9  }
0x71: {  	v20 =	vperm.xlane v14, v2;
	v19 =	vperm.xlane v17, v3;
	v15 =	vadd.s32 v18, v15  }
0x72: {  	vm6 =	vgt.s32 v13, $0x0;
	v13 =	vadd.s32 v21, v16;
	v16 =	vperm.xlane v15, v2  }
0x73: {  	v18 =	vperm.xlane v13, v3;
	v14 =	vadd.s32 v20, v14;
	v17 =	vadd.s32 v19, v17  }
0x74: {  	v20 =	vperm.xlane v14, v3;
	v19 =	vperm.xlane v17, v4;
	v15 =	vadd.s32 v16, v15  }
0x75: {  	vm7 =	vmand vm6, vm12;
	v13 =	vadd.s32 v18, v13;
	v18 =	vperm.xlane v15, v3  }
0x76: {  	v16 =	vld [tilespmem:$0x390];
	v14 =	vadd.s32 v20, v14;
	v17 =	vadd.s32 v19, v17;
	v19 =	vperm.xlane v13, v4  }
0x77: {  	v21 =	vld [tilespmem:$0x3A0];
	v22 =	vperm.xlane v14, v4;
	v20 =	vperm.xlane v17, v5;
	v15 =	vadd.s32 v18, v15  }
0x78: {  	v18 =	vsel vm7, $0x40000000, v12;
	v13 =	vadd.s32 v19, v13;
	v19 =	vperm.xlane v15, v4  }
0x79: {  	[tilespmem:$0x400] =	vst v11;
	v14 =	vadd.s32 v22, v14;
	v11 =	vadd.s32 v20, v17;
	v17 =	vperm.xlane v13, v5  }
0x7a: {  	[tilespmem:$0x430] =	vst v12;
	vm7 =	vgt.s32 v11, $0x0;
	v11 =	vperm.xlane v14, v5;
	v15 =	vadd.s32 v19, v15  }
0x7b: {  	[tilespmem:$0x410] =	vst v16;
	vm8 =	vmand vm7, vm9;
	v13 =	vadd.s32 v17, v13;
	v19 =	vld [tilespmem:$0x400];
	v16 =	vperm.xlane v15, v5  }
0x7c: {  	[tilespmem:$0x420] =	vst v21;
	v12 =	vsel vm8, $0x40000000, v18;
	vm8 =	vgt.s32 v13, $0x0;
	v11 =	vadd.s32 v11, v14  }
0x7d: {  	[tilespmem:$0x430] =	vst v18;
	vm10 =	vmand vm8, vm10;
	vm9 =	vgt.s32 v11, $0x0;
	v11 =	vadd.s32 v16, v15  }
0x7e: {  	[tilespmem:$0x430] =	vst v12;
	v12 =	vsel vm10, $0x40000000, v12;
	vm11 =	vmand vm9, vm11;
	v16 =	vld [tilespmem:$0x410];
	vm10 =	vgt.s32 v11, $0x0  }
0x7f: {  	s13 =	simm.s32 $0x0;
	[tilespmem:$0x430] =	vst v12;
	v11 =	vsel vm11, $0x40000000, v12;
	vm11 =	vmand vm10, vm0  }
0x80: {  	v18 =	vld [tilespmem:$0x420];
	v12 =	vmov s13;
	[tilespmem:$0x430] =	vst v11;
	v11 =	vsel vm11, $0x40000000, v11;
	vm11 =	vlt.s32 v19, $0x40000000  }
0x81: {  	vm12 =	veq.s32 v12, v1;
	[tilespmem:$0x430] =	vst v11;
	v11 =	vnsel vm11, $0x40000000, v19  }
0x82: {  	v11 =	vnsel vm12, $0x40000000, v11;
	v20 =	vld [tilespmem:$0x430]  }
0x83: {  	vm11 =	vlt.s32 v11, v16  }
0x84: {  	vm13 =	veq.s32 v12, v7;
	vm12 =	veq.s32 v12, v6;
	v13 =	vsel vm11, v11, v16  }
0x85: {  	v14 =	vnsel vm13, $0x40000000, v18;
	v11 =	vsel vm12, v13, v11  }
0x86: {  	vm11 =	veq.s32 v12, v8;
	vm12 =	vlt.s32 v11, v14  }
0x87: {  	v12 =	vnsel vm11, $0x40000000, v20;
	v11 =	vsel vm12, v11, v14  }
0x88: {  	vm11 =	vlt.s32 v11, v12  }
0x89: {  	v11 =	vsel vm11, v11, v12  }
0x8a: {  	v12 =	vperm.xlane v11, v2;
	_ =	sdelay $0x1  }
0x8b: {  	vm11 =	vlt.s32 v11, v12  }
0x8c: {  	v11 =	vsel vm11, v11, v12  }
0x8d: {  	v13 =	vld [tilespmem:$0x400];
	v12 =	vperm.xlane v11, v3;
	_ =	sdelay $0x1  }
0x8e: {  	vm11 =	vlt.s32 v11, v12  }
0x8f: {  	v17 =	vld [tilespmem:$0x410];
	v11 =	vsel vm11, v11, v12  }
0x90: {  	s30 =	simm.s32 $0x1;
	v12 =	vperm.xlane v11, v4  }
0x91: {  	v21 =	vmov s30;
	vm11 =	vlt.s32 v13, $0x40000000  }
0x92: {  	v15 =	vld [tilespmem:$0x420];
	vm12 =	veq.s32 v21, v1;
	v22 =	vnsel vm11, $0x40000000, v13;
	vm11 =	vlt.s32 v11, v12  }
0x93: {  	v14 =	vld [tilespmem:$0x430];
	v22 =	vnsel vm12, $0x40000000, v22;
	v11 =	vsel vm11, v11, v12  }
0x94: {  	vm14 =	veq.s32 v21, v7;
	vm12 =	vlt.s32 v22, v17;
	v12 =	vperm.xlane v11, v5  }
0x95: {  	vm13 =	veq.s32 v21, v8;
	vm11 =	veq.s32 v21, v6;
	v21 =	vsel vm12, v22, v17  }
0x96: {  	v21 =	vsel vm11, v21, v22;
	vm11 =	vlt.s32 v11, v12  }
0x97: {  	v23 =	vnsel vm14, $0x40000000, v15;
	v11 =	vsel vm11, v11, v12  }
0x98: {  	v22 =	vnsel vm13, $0x40000000, v14;
	vm12 =	vlt.s32 v21, v23;
	vm11 =	vlt.s32 v19, v11  }
0x99: {  	v12 =	vsel vm12, v21, v23;
	vm12 =	vlt.s32 v16, v11;
	v16 =	vsel vm11, $0x1, v9  }
0x9a: {  	v19 =	vsel vm12, $0x1, v9;
	vm11 =	vlt.s32 v18, v11;
	vm12 =	vlt.s32 v12, v22  }
0x9b: {  	v16 =	vadd.s32 v19, v16;
	v18 =	vsel vm11, $0x1, v9;
	vm11 =	vlt.s32 v20, v11  }
0x9c: {  	v12 =	vsel vm12, v12, v22;
	v16 =	vadd.s32 v18, v16;
	v18 =	vsel vm11, $0x1, v9  }
0x9d: {  	v16 =	vadd.s32 v18, v16;
	v18 =	vperm.xlane v12, v2  }
0x9e: {  	v19 =	vperm.xlane v16, v2  }
0x9f: {  	vm11 =	vlt.s32 v12, v18  }
0xa0: {  	v19 =	vadd.s32 v19, v16;
	v16 =	vimm.s32 $0xFFFFFFFF;
	v24 =	vsel vm11, v12, v18  }
0xa1: {  	s31 =	simm.s32 $0x2;
	v20 =	vld [tilespmem:$0x400];
	v12 =	vperm.xlane v19, v3;
	[tilespmem:$0x480] =	vst v16;
	v25 =	vperm.xlane v24, v3  }
0xa2: {  	vm1 =	vmmov vm0;
	v26 =	vmov s31;
	[tilespmem:$0x490] =	vst v16  }
0xa3: {  	v18 =	vimm.s32 $0xFFFFFFFF;
	[tilespmem:$0x4A0] =	vst v16;
	v22 =	vadd.s32 v12, v19;
	vm11 =	vlt.s32 v24, v25  }
0xa4: {  	s13 =	simm.s32 $0x3;
	v21 =	vld [tilespmem:$0x410];
	[tilespmem:$0x4B0] =	vst v16;
	v12 =	vimm.s32 $0xFFFFFFFF;
	v19 =	vimm.s32 $0xFFFFFFFF;
	v23 =	vperm.xlane v22, v4  }
.LBB2_7:
0xa5: {  	p0 =	sne.s32 s13, $0x36;
	vm13 =	veq.s32 v26, v6;
	vm12 =	veq.s32 v26, v8;
	v24 =	vsel vm11, v24, v25  }
0xa6: {  	vm11 =	vlt.s32 v20, $0x40000000;
	v25 =	vld [tilespmem:$0x420];
	v27 =	vperm.xlane v24, v4;
	v22 =	vadd.s32 v23, v22  }
0xa7: {  	vm14 =	veq.s32 v26, v1;
	v23 =	vnsel vm11, $0x40000000, v20;
	v28 =	vperm.xlane v22, v5  }
0xa8: {  	v23 =	vnsel vm14, $0x40000000, v23;
	vm14 =	veq.s32 v26, v7;
	v26 =	vld [tilespmem:$0x430];
	vm11 =	vlt.s32 v24, v27  }
0xa9: {  	vm15 =	vlt.s32 v23, v21;
	v24 =	vsel vm11, v24, v27;
	v22 =	vadd.s32 v28, v22  }
0xaa: {  	vm11 =	vlt.s32 v11, $0x40000000;
	v27 =	vperm.xlane v24, v5;
	vm0 =	veq.s32 v22, v8  }
0xab: {  	v28 =	vsel vm15, v23, v21;
	v29 =	vnsel vm14, $0x40000000, v25;
	vm0 =	vmand vm11, vm0  }
0xac: {  	v23 =	vsel vm13, v28, v23;
	vm13 =	vlt.s32 v24, v27;
	v16 =	vsel vm0, v11, v16  }
0xad: {  	vm0 =	vlt.s32 v23, v29;
	v28 =	vnsel vm12, $0x40000000, v26;
	v27 =	vsel vm13, v24, v27;
	[tilespmem:$0x4B0] =	vst v16  }
0xae: {  	v23 =	vsel vm0, v23, v29;
	vm0 =	vlt.s32 v13, v27;
	vm12 =	vlt.s32 v17, v27;
	v13 =	vmovc v20  }
0xaf: {  	v17 =	vmovc v21;
	v20 =	vsel vm0, $0x1, v9;
	v24 =	vsel vm12, $0x1, v9;
	vm0 =	vlt.s32 v15, v27;
	v15 =	vmovc v25  }
0xb0: {  	v20 =	vadd.s32 v24, v20;
	v21 =	vsel vm0, $0x1, v9;
	vm0 =	vlt.s32 v14, v27;
	v14 =	vmovc v26  }
0xb1: {  	vm12 =	vlt.s32 v23, v28;
	v20 =	vadd.s32 v21, v20;
	v21 =	vsel vm0, $0x1, v9  }
0xb2: {  	v23 =	vsel vm12, v23, v28;
	vm0 =	veq.s32 v22, v1;
	v20 =	vadd.s32 v21, v20  }
0xb3: {  	vm12 =	veq.s32 v22, v6;
	v21 =	vperm.xlane v23, v2;
	v24 =	vperm.xlane v20, v2  }
0xb4: {  	vm13 =	veq.s32 v22, v7;
	vm12 =	vmand vm11, vm12;
	vm0 =	vmand vm11, vm0  }
.Ltmp3:
0xb5: {  	vm11 =	vmand vm11, vm13;
	vm14 =	vlt.s32 v23, v21;
	v22 =	vadd.s32 v24, v20;
	(pc) =	sbr.rel @p0 .LBB2_7-.Ltmp3, $4  }
0xb6: {  	v12 =	vsel vm0, v11, v12;
	v24 =	vsel vm14, v23, v21;
	v20 =	vld [tilespmem:$0x400];
	v21 =	vperm.xlane v22, v3  }
0xb7: {  	v19 =	vsel vm12, v11, v19;
	v18 =	vsel vm11, v11, v18;
	v25 =	vperm.xlane v24, v3;
	[tilespmem:$0x480] =	vst v12  }
0xb8: {  	v11 =	vmov v27;
	v22 =	vadd.s32 v21, v22;
	[tilespmem:$0x490] =	vst v19  }
0xb9: {  	v26 =	vmov s13;
	s13 =	sadd.s32 $0x1, s13;
	vm11 =	vlt.s32 v24, v25;
	v21 =	vld [tilespmem:$0x410];
	v23 =	vperm.xlane v22, v4;
	[tilespmem:$0x4A0] =	vst v18  }
0xba: {  	_ = 	snop  }
0xbb: {  	v27 =	vld [tilespmem:$0x420];
	vm0 =	vlt.s32 v20, $0x40000000  }
0xbc: {  	vm12 =	veq.s32 v26, v1;
	v28 =	vnsel vm0, $0x40000000, v20  }
0xbd: {  	v29 =	vld [tilespmem:$0x430];
	v28 =	vnsel vm12, $0x40000000, v28  }
0xbe: {  	vm0 =	vlt.s32 v28, v21  }
0xbf: {  	vm13 =	veq.s32 v26, v7;
	vm12 =	veq.s32 v26, v6;
	v30 =	vsel vm0, v28, v21  }
0xc0: {  	v54 =	vnsel vm13, $0x40000000, v27;
	v28 =	vsel vm12, v30, v28  }
0xc1: {  	vm0 =	veq.s32 v26, v8;
	vm12 =	vlt.s32 v28, v54  }
0xc2: {  	v56 =	vnsel vm0, $0x40000000, v29;
	v55 =	vsel vm12, v28, v54  }
0xc3: {  	vm0 =	vlt.s32 v55, v56  }
0xc4: {  	v26 =	vsel vm0, v55, v56  }
0xc5: {  	v28 =	vperm.xlane v26, v2  }
0xc6: {  	v24 =	vsel vm11, v24, v25  }
0xc7: {  	v25 =	vperm.xlane v24, v4;
	vm0 =	vlt.s32 v26, v28  }
0xc8: {  	v26 =	vsel vm0, v26, v28  }
0xc9: {  	vm0 =	vlt.s32 v24, v25;
	v28 =	vperm.xlane v26, v3  }
0xca: {  	v24 =	vsel vm0, v24, v25  }
0xcb: {  	v25 =	vperm.xlane v24, v5;
	vm0 =	vlt.s32 v26, v28  }
0xcc: {  	v26 =	vsel vm0, v26, v28  }
0xcd: {  	vm0 =	vlt.s32 v24, v25;
	v28 =	vperm.xlane v26, v4  }
0xce: {  	v24 =	vsel vm0, v24, v25  }
0xcf: {  	vm0 =	vlt.s32 v13, v24;
	vm11 =	vlt.s32 v26, v28  }
0xd0: {  	vm12 =	vlt.s32 v17, v24;
	v13 =	vsel vm0, $0x1, v9;
	v17 =	vsel vm11, v26, v28  }
0xd1: {  	v57 =	vsel vm12, $0x1, v9;
	vm0 =	vlt.s32 v15, v24;
	v15 =	vperm.xlane v17, v5  }
0xd2: {  	v13 =	vadd.s32 v57, v13;
	v58 =	vsel vm0, $0x1, v9;
	vm0 =	vlt.s32 v14, v24  }
0xd3: {  	v13 =	vadd.s32 v58, v13;
	v14 =	vsel vm0, $0x1, v9;
	vm0 =	vlt.s32 v17, v15  }
0xd4: {  	v13 =	vadd.s32 v14, v13;
	v14 =	vsel vm0, v17, v15  }
0xd5: {  	v15 =	vperm.xlane v13, v2;
	vm0 =	vlt.s32 v20, v14  }
0xd6: {  	v22 =	vadd.s32 v23, v22;
	vm11 =	vlt.s32 v21, v14;
	v17 =	vsel vm0, $0x1, v9  }
0xd7: {  	v59 =	vsel vm11, $0x1, v9;
	vm0 =	vlt.s32 v27, v14;
	v13 =	vadd.s32 v15, v13  }
0xd8: {  	v17 =	vadd.s32 v59, v17;
	v60 =	vsel vm0, $0x1, v9;
	vm0 =	vlt.s32 v29, v14  }
0xd9: {  	v62 =	vperm.xlane v13, v3;
	v15 =	vadd.s32 v60, v17;
	v17 =	vsel vm0, $0x1, v9  }
0xda: {  	v61 =	vperm.xlane v22, v5;
	v15 =	vadd.s32 v17, v15  }
0xdb: {  	v13 =	vadd.s32 v62, v13;
	v17 =	vperm.xlane v15, v2  }
0xdc: {  	v20 =	vadd.s32 v61, v22;
	v21 =	vperm.xlane v13, v4  }
0xdd: {  	vm11 =	vlt.s32 v11, $0x40000000;
	vm12 =	veq.s32 v20, v7;
	v15 =	vadd.s32 v17, v15  }
0xde: {  	vm0 =	veq.s32 v20, v8;
	v13 =	vadd.s32 v21, v13;
	v17 =	vperm.xlane v15, v3  }
0xdf: {  	vm13 =	vmand vm11, vm12;
	vm0 =	vmand vm11, vm0;
	v21 =	vperm.xlane v13, v5  }
0xe0: {  	v16 =	vsel vm0, v11, v16;
	vm0 =	veq.s32 v20, v6;
	v15 =	vadd.s32 v17, v15  }
0xe1: {  	vm0 =	vmand vm11, vm0;
	v13 =	vadd.s32 v21, v13;
	v17 =	vperm.xlane v15, v4  }
0xe2: {  	vm12 =	vlt.s32 v24, $0x40000000;
	v19 =	vsel vm0, v11, v19;
	vm0 =	veq.s32 v13, v8  }
0xe3: {  	vm0 =	vmand vm12, vm0;
	v15 =	vadd.s32 v17, v15  }
0xe4: {  	[tilespmem:$0x4B0] =	vst v16;
	v17 =	vsel vm13, v11, v18;
	vm13 =	veq.s32 v13, v7;
	v18 =	vperm.xlane v15, v5  }
0xe5: {  	[tilespmem:$0x490] =	vst v19;
	v16 =	vsel vm0, v24, v16;
	vm0 =	veq.s32 v13, v6;
	vm13 =	vmand vm12, vm13  }
0xe6: {  	[tilespmem:$0x4A0] =	vst v17;
	vm0 =	vmand vm12, vm0;
	v17 =	vsel vm13, v24, v17;
	v15 =	vadd.s32 v18, v15  }
0xe7: {  	[tilespmem:$0x4B0] =	vst v16;
	v18 =	vsel vm0, v24, v19;
	vm0 =	vlt.s32 v14, $0x40000000;
	vm14 =	veq.s32 v15, v6  }
0xe8: {  	[tilespmem:$0x4A0] =	vst v17;
	vm13 =	vmand vm0, vm14;
	vm14 =	veq.s32 v15, v7  }
0xe9: {  	[tilespmem:$0x490] =	vst v18;
	vm15 =	veq.s32 v15, v8;
	vm14 =	vmand vm0, vm14;
	v18 =	vsel vm13, v14, v18  }
0xea: {  	vm15 =	vmand vm0, vm15;
	vm13 =	veq.s32 v20, v1;
	v17 =	vsel vm14, v14, v17;
	[tilespmem:$0x490] =	vst v18  }
0xeb: {  	vm11 =	vmand vm11, vm13;
	vm13 =	veq.s32 v13, v1;
	v13 =	vsel vm15, v14, v16;
	[tilespmem:$0x4A0] =	vst v17;
	v16 =	vld [tilespmem:$0x490]  }
0xec: {  	v11 =	vsel vm11, v11, v12;
	vm11 =	vmand vm12, vm13;
	[tilespmem:$0x4B0] =	vst v13;
	vm12 =	veq.s32 v15, v1;
	v12 =	vld [tilespmem:$0x4A0]  }
0xed: {  	v13 =	vsel vm11, v24, v11;
	vm0 =	vmand vm0, vm12;
	v15 =	vld [tilespmem:$0x4B0]  }
0xee: {  	v14 =	vsel vm0, v14, v13  }
0xef: {  	[tilespmem:$0x480] =	vst v11;
	vm0 =	vgt.s32 v14, $0x0  }
0xf0: {  	[tilespmem:$0x480] =	vst v13;
	v11 =	vnsel vm0, $0x0, v14;
	vm0 =	vgt.s32 v16, $0x0  }
0xf1: {  	[tilespmem:$0x480] =	vst v14;
	v11 =	vadd.s32 v0, v11;
	v13 =	vnsel vm0, $0x0, v16;
	vm0 =	vgt.s32 v12, $0x0  }
0xf2: {  	[tilespmem:$0x680] =	vst v11;
	v11 =	vadd.s32 v0, v13;
	v12 =	vnsel vm0, $0x0, v12;
	vm0 =	vgt.s32 v15, $0x0  }
0xf3: {  	[tilespmem:$0x690] =	vst v11;
	v11 =	vadd.s32 v0, v12;
	v12 =	vnsel vm0, $0x0, v15  }
0xf4: {  	[tilespmem:$0x6A0] =	vst v11;
	v11 =	vadd.s32 v0, v12  }
0xf5: {  	[tilespmem:$0x6B0] =	vst v11  }
0xf6: {  	[tilespmem:s10], [sflag:$0x1] =	stream.indirect.gather [hbm4b:s2+s8], $0x1, s9, s8, $0xb8;
	[tilespmem:$0x780] =	vst v63  }
0xf7: {  	_ =	swait.ge [sflag:s7], $0x40  }
0xf8: {  	[sflag:s7] =	ssyncset.done $0x0  }
0xf9: {  	[sflag:s7] =	ssyncadd.s32 $0xFFFFFFC0  }
0xfa: {  	v12 =	vld [tilespmem:$0x480]  }
0xfb: {  	v13 =	vld [tilespmem:$0x700]  }
0xfc: {  	v14 =	vld [tilespmem:$0x490]  }
0xfd: {  	v15 =	vld [tilespmem:$0x710]  }
0xfe: {  	v16 =	vsel vm7, $0xFFFFFFFF, v9;
	v11 =	vsel vm6, $0xFFFFFFFF, v9;
	v18 =	vld [tilespmem:$0x4B0]  }
0xff: {  	v11 =	vadd.s32 v11, v16;
	v16 =	vsel vm8, $0xFFFFFFFF, v9;
	v17 =	vld [tilespmem:$0x4A0]  }
0x100: {  	v11 =	vadd.s32 v16, v11;
	v16 =	vsel vm9, $0xFFFFFFFF, v9;
	v19 =	vld [tilespmem:$0x720]  }
0x101: {  	v11 =	vadd.s32 v16, v11;
	v16 =	vsel vm10, $0xFFFFFFFF, v9;
	v63 =	vld [tilespmem:$0x730]  }
0x102: {  	v11 =	vadd.s32 v16, v11;
	vm0 =	vgt.s32 v12, $0xFFFFFFFF;
	vm6 =	vgt.s32 v14, $0xFFFFFFFF  }
0x103: {  	v12 =	vadd.s32 $0x37, v11;
	vm7 =	vgt.s32 v18, $0xFFFFFFFF;
	v13 =	vnsel vm0, $0x4E6E6B28, v13  }
0x104: {  	v14 =	vnsel vm6, $0x4E6E6B28, v15;
	vm0 =	vgt.s32 v17, $0xFFFFFFFF;
	vm6 =	vgt.u32 v12, v8;
	[tilespmem:$0x500] =	vst v13  }
0x105: {  	[tilespmem:$0x510] =	vst v14;
	v12 =	vnsel vm0, $0x4E6E6B28, v19;
	vm0 =	vmand vm6, vm7;
	v13 =	vld [tilespmem:$0x500]  }
0x106: {  	[tilespmem:$0x520] =	vst v12;
	v12 =	vnsel vm0, $0x4E6E6B28, v63;
	v14 =	vld [tilespmem:$0x510]  }
0x107: {  	[tilespmem:$0x530] =	vst v12;
	v12 =	vld [tilespmem:$0x520]  }
0x108: {  	v15 =	vld [tilespmem:$0x530]  }
0x109: {  	v16 =	vimm.f32 $-1.000000000e+00;
	v17 =	vimm.s32 $0xFFFFFFFF  }
0x10a: {  	vm9 =	vlt.s32 v17, v1;
	vm0 =	veq.f32 v13, v16  }
0x10b: {  	vm6 =	vgt.f32 v13, v16;
	vm7 =	vgt.f32 v14, v16;
	vm8 =	veq.f32 v14, v16  }
0x10c: {  	vm10 =	vgt.f32 v12, v16;
	vm11 =	veq.f32 v12, v16;
	vm0 =	vmand vm9, vm0  }
0x10d: {  	vm9 =	vlt.s32 v17, v6;
	vm12 =	veq.f32 v15, v16;
	vm0 =	vmor vm6, vm0  }
0x10e: {  	vm6 =	vmand vm9, vm8;
	vm8 =	vgt.f32 v15, v16;
	v13 =	vnsel vm0, $0x4F32D05E, v13  }
0x10f: {  	vm0 =	vlt.s32 v17, v7;
	vm6 =	vmor vm7, vm6;
	vm7 =	vlt.f32 v13, $3.000000000e+09  }
0x110: {  	vm0 =	vmand vm0, vm11;
	v14 =	vnsel vm6, $0x4F32D05E, v14;
	v13 =	vnsel vm7, $0x4F32D05E, v13  }
0x111: {  	vm6 =	vlt.s32 v17, v8;
	vm0 =	vmor vm10, vm0;
	vm9 =	vlt.f32 v14, v13  }
0x112: {  	vm6 =	vmand vm6, vm12;
	v12 =	vnsel vm0, $0x4F32D05E, v12;
	v13 =	vsel vm9, v14, v13  }
0x113: {  	vm0 =	vmor vm8, vm6;
	vm6 =	vlt.f32 v12, v13  }
0x114: {  	v12 =	vsel vm6, v12, v13;
	v13 =	vnsel vm0, $0x4F32D05E, v15  }
0x115: {  	vm0 =	vlt.f32 v13, v12  }
0x116: {  	v12 =	vsel vm0, v13, v12  }
0x117: {  	v13 =	vperm.xlane v12, v2;
	_ =	sdelay $0x1  }
0x118: {  	v13 =	vmin.f32 v12, v13  }
0x119: {  	v14 =	vperm.xlane v13, v3;
	_ =	sdelay $0x1  }
0x11a: {  	v13 =	vmin.f32 v13, v14  }
0x11b: {  	v14 =	vperm.xlane v13, v4;
	_ =	sdelay $0x1  }
0x11c: {  	v13 =	vmin.f32 v13, v14  }
0x11d: {  	v14 =	vnsel vm7, $0x40000000, v1;
	v15 =	vperm.xlane v13, v5  }
0x11e: {  	v14 =	vsel vm9, v6, v14  }
0x11f: {  	v14 =	vsel vm6, v7, v14;
	v13 =	vmin.f32 v13, v15  }
0x120: {  	v14 =	vsel vm0, v8, v14;
	vm0 =	veq.f32 v12, v13  }
0x121: {  	v12 =	vnsel vm0, $0x40000000, v14  }
0x122: {  	v14 =	vperm.xlane v12, v2;
	_ =	sdelay $0x1  }
0x123: {  	vm0 =	vlt.s32 v12, v14  }
0x124: {  	v12 =	vsel vm0, v12, v14  }
0x125: {  	v14 =	vperm.xlane v12, v3;
	_ =	sdelay $0x1  }
0x126: {  	vm0 =	vlt.s32 v12, v14  }
0x127: {  	v16 =	vld [tilespmem:$0x510];
	v12 =	vsel vm0, v12, v14  }
0x128: {  	v17 =	vld [tilespmem:$0x520];
	v15 =	vperm.xlane v12, v4  }
0x129: {  	v14 =	vld [tilespmem:$0x500]  }
0x12a: {  	vm0 =	vlt.s32 v12, v15  }
0x12b: {  	v12 =	vsel vm0, v12, v15;
	v15 =	vld [tilespmem:$0x530]  }
0x12c: {  	v18 =	vperm.xlane v12, v5  }
0x12d: {  	vm7 =	vgt.f32 v16, v13;
	vm9 =	veq.f32 v16, v13  }
0x12e: {  	vm10 =	vgt.f32 v17, v13;
	vm0 =	veq.f32 v14, v13;
	vm8 =	vlt.s32 v12, v18  }
0x12f: {  	vm6 =	vgt.f32 v14, v13;
	v18 =	vsel vm8, v12, v18;
	vm8 =	veq.f32 v17, v13  }
0x130: {  	v12 =	vld [tilespmem:$0x480];
	vm11 =	vlt.s32 v18, v1;
	vm12 =	vlt.s32 v18, v6;
	vm13 =	veq.f32 v15, v13  }
0x131: {  	vm0 =	vmand vm11, vm0;
	vm9 =	vmand vm12, vm9;
	vm11 =	vgt.f32 v15, v13  }
0x132: {  	vm12 =	vlt.s32 v18, v8;
	vm0 =	vmor vm6, vm0;
	vm6 =	vlt.s32 v18, v7  }
0x133: {  	vm7 =	vmor vm7, vm9;
	vm9 =	veq.s32 v18, v1;
	v13 =	vnsel vm0, $0x4F32D05E, v14  }
0x134: {  	vm0 =	vmand vm6, vm8;
	v14 =	vld [tilespmem:$0x490];
	v16 =	vnsel vm7, $0x4F32D05E, v16;
	vm6 =	vlt.f32 v13, $3.000000000e+09  }
0x135: {  	vm0 =	vmor vm10, vm0;
	vm10 =	vlt.s32 v12, $0x40000000;
	v13 =	vnsel vm6, $0x4F32D05E, v13  }
0x136: {  	v19 =	vld [tilespmem:$0x4A0];
	vm8 =	vmand vm12, vm13;
	v12 =	vnsel vm10, $0x40000000, v12;
	vm7 =	vlt.f32 v16, v13  }
0x137: {  	vm10 =	veq.s32 v18, v7;
	v13 =	vsel vm7, v16, v13;
	v16 =	vnsel vm0, $0x4F32D05E, v17  }
0x138: {  	v12 =	vnsel vm9, $0x40000000, v12;
	vm0 =	vmor vm11, vm8;
	v17 =	vld [tilespmem:$0x4B0];
	vm8 =	vlt.f32 v16, v13  }
0x139: {  	vm9 =	vlt.s32 v12, v14;
	v15 =	vnsel vm0, $0x4F32D05E, v15;
	v13 =	vsel vm8, v16, v13  }
0x13a: {  	vm0 =	veq.s32 v18, v6;
	v14 =	vsel vm9, v12, v14;
	vm9 =	vlt.f32 v15, v13  }
0x13b: {  	v16 =	vnsel vm10, $0x40000000, v19;
	v14 =	vsel vm0, v14, v12;
	v12 =	vsel vm9, v15, v13  }
0x13c: {  	vm10 =	veq.s32 v18, v8;
	vm0 =	vlt.s32 v14, v16;
	v13 =	vperm.xlane v12, v2  }
0x13d: {  	v14 =	vsel vm0, v14, v16;
	v16 =	vnsel vm10, $0x40000000, v17  }
0x13e: {  	vm0 =	vlt.s32 v14, v16;
	v15 =	vmin.f32 v12, v13  }
0x13f: {  	v13 =	vsel vm0, v14, v16;
	v16 =	vperm.xlane v15, v3  }
0x140: {  	s14 =	simm.s32 $0x0;
	s13 =	simm.s32 $0x1;
	s15 =	simm.s32 $0x2;
	v14 =	vperm.xlane v13, v2  }
.LBB2_9:
0x141: {  	p0 =	sne.s32 s15, $0x31;
	v15 =	vmin.f32 v15, v16;
	s16 =	smov.u32 s15;
	s15 =	sadd.s32 $0x1, s15  }
0x142: {  	v16 =	vperm.xlane v15, v4;
	vm0 =	vlt.s32 v13, v14  }
0x143: {  	v13 =	vsel vm0, v13, v14  }
0x144: {  	v14 =	vmin.f32 v15, v16;
	v15 =	vperm.xlane v13, v3  }
0x145: {  	v16 =	vnsel vm6, $0x40000000, v1;
	v17 =	vperm.xlane v14, v5  }
0x146: {  	v16 =	vsel vm7, v6, v16;
	vm0 =	vlt.s32 v13, v15  }
0x147: {  	v16 =	vsel vm8, v7, v16;
	v14 =	vmin.f32 v14, v17;
	v13 =	vsel vm0, v13, v15  }
0x148: {  	v15 =	vsel vm9, v8, v16;
	vm0 =	veq.f32 v12, v14;
	v12 =	vperm.xlane v13, v4  }
0x149: {  	v15 =	vnsel vm0, $0x40000000, v15;
	v16 =	vld [tilespmem:$0x590]  }
0x14a: {  	v17 =	vperm.xlane v15, v2;
	vm0 =	vlt.s32 v13, v12;
	v18 =	vld [tilespmem:$0x5B0]  }
0x14b: {  	v12 =	vsel vm0, v13, v12;
	v13 =	vld [tilespmem:$0x580]  }
0x14c: {  	v19 =	vld [tilespmem:$0x500];
	vm0 =	vlt.s32 v15, v17;
	v20 =	vperm.xlane v12, v5  }
0x14d: {  	v15 =	vsel vm0, v15, v17;
	v17 =	vld [tilespmem:$0x5A0]  }
0x14e: {  	v23 =	vmov s14;
	s14 =	smov.u32 s13;
	s13 =	smov.u32 s16;
	v21 =	vld [tilespmem:$0x510];
	v22 =	vperm.xlane v15, v3;
	vm0 =	vlt.s32 v12, v20  }
0x14f: {  	vm7 =	veq.s32 v23, v7;
	v24 =	vld [tilespmem:$0x520];
	v12 =	vsel vm0, v12, v20;
	vm0 =	veq.s32 v23, v1  }
0x150: {  	vm10 =	veq.s32 v23, v8;
	vm9 =	veq.s32 v23, v6;
	vm6 =	vlt.s32 v15, v22  }
0x151: {  	v16 =	vsel vm9, v12, v16;
	vm8 =	veq.f32 v19, v14;
	v15 =	vsel vm6, v15, v22  }
0x152: {  	vm6 =	vgt.f32 v19, v14;
	v20 =	vperm.xlane v15, v4;
	[tilespmem:$0x590] =	vst v16;
	v16 =	vsel vm7, v12, v17  }
0x153: {  	v13 =	vsel vm0, v12, v13;
	v12 =	vsel vm10, v12, v18;
	vm7 =	vgt.f32 v21, v14;
	[tilespmem:$0x5A0] =	vst v16  }
0x154: {  	vm0 =	veq.f32 v21, v14;
	vm9 =	vgt.f32 v24, v14;
	v16 =	vld [tilespmem:$0x530];
	vm10 =	vlt.s32 v15, v20;
	[tilespmem:$0x580] =	vst v13  }
0x155: {  	vm11 =	veq.f32 v24, v14;
	v13 =	vsel vm10, v15, v20;
	[tilespmem:$0x5B0] =	vst v12  }
0x156: {  	v12 =	vperm.xlane v13, v5;
	_ =	sdelay $0x1  }
0x157: {  	vm10 =	vlt.s32 v13, v12  }
0x158: {  	v13 =	vsel vm10, v13, v12  }
0x159: {  	vm13 =	veq.f32 v16, v14;
	vm10 =	vlt.s32 v13, v1;
	vm12 =	vlt.s32 v13, v6  }
0x15a: {  	vm8 =	vmand vm10, vm8;
	vm0 =	vmand vm12, vm0;
	vm10 =	vgt.f32 v16, v14;
	v12 =	vld [tilespmem:$0x480]  }
0x15b: {  	vm12 =	vlt.s32 v13, v8;
	vm6 =	vmor vm6, vm8;
	vm8 =	vlt.s32 v13, v7  }
0x15c: {  	vm0 =	vmor vm7, vm0;
	v14 =	vnsel vm6, $0x4F32D05E, v19;
	vm7 =	vmand vm8, vm11  }
0x15d: {  	vm6 =	vlt.f32 v14, $3.000000000e+09;
	vm8 =	vmor vm9, vm7;
	vm7 =	vmand vm12, vm13;
	v15 =	vld [tilespmem:$0x490]  }
0x15e: {  	v17 =	vnsel vm0, $0x4F32D05E, v21;
	v14 =	vnsel vm6, $0x4F32D05E, v14;
	vm0 =	vmor vm10, vm7  }
0x15f: {  	vm9 =	veq.s32 v13, v1;
	vm7 =	vlt.f32 v17, v14;
	vm10 =	vlt.s32 v12, $0x40000000;
	v18 =	vld [tilespmem:$0x4A0]  }
0x160: {  	v14 =	vsel vm7, v17, v14;
	v17 =	vnsel vm8, $0x4F32D05E, v24;
	v12 =	vnsel vm10, $0x40000000, v12  }
0x161: {  	vm10 =	veq.s32 v13, v7;
	vm8 =	vlt.f32 v17, v14;
	v19 =	vnsel vm9, $0x40000000, v12;
	v20 =	vld [tilespmem:$0x4B0]  }
0x162: {  	v12 =	vsel vm8, v17, v14;
	v14 =	vnsel vm0, $0x4F32D05E, v16;
	vm0 =	vlt.s32 v19, v15  }
0x163: {  	vm11 =	veq.s32 v13, v6;
	vm9 =	vlt.f32 v14, v12;
	v15 =	vsel vm0, v19, v15  }
0x164: {  	v12 =	vsel vm9, v14, v12;
	v14 =	vsel vm11, v15, v19;
	v15 =	vnsel vm10, $0x40000000, v18  }
.Ltmp4:
0x165: {  	vm10 =	veq.s32 v13, v8;
	v16 =	vperm.xlane v12, v2;
	vm0 =	vlt.s32 v14, v15;
	(pc) =	sbr.rel @p0 .LBB2_9-.Ltmp4, $4  }
0x166: {  	v13 =	vsel vm0, v14, v15;
	v14 =	vnsel vm10, $0x40000000, v20  }
0x167: {  	v15 =	vmin.f32 v12, v16;
	vm0 =	vlt.s32 v13, v14  }
0x168: {  	v16 =	vperm.xlane v15, v3;
	v13 =	vsel vm0, v13, v14  }
0x169: {  	v14 =	vperm.xlane v13, v2  }
0x16a: {  	v15 =	vmin.f32 v15, v16  }
0x16b: {  	v16 =	vperm.xlane v15, v4;
	_ =	sdelay $0x1  }
0x16c: {  	v15 =	vmin.f32 v15, v16  }
0x16d: {  	v31 =	vnsel vm6, $0x40000000, v1;
	v17 =	vperm.xlane v15, v5  }
0x16e: {  	v16 =	vsel vm7, v6, v31  }
0x16f: {  	v16 =	vsel vm8, v7, v16;
	v15 =	vmin.f32 v15, v17  }
0x170: {  	v16 =	vsel vm9, v8, v16;
	vm0 =	veq.f32 v12, v15  }
0x171: {  	v12 =	vnsel vm0, $0x40000000, v16  }
0x172: {  	v32 =	vperm.xlane v12, v2;
	_ =	sdelay $0x1  }
0x173: {  	vm0 =	vlt.s32 v12, v32  }
0x174: {  	v12 =	vsel vm0, v12, v32  }
0x175: {  	v15 =	vperm.xlane v12, v3;
	_ =	sdelay $0x1  }
0x176: {  	vm0 =	vlt.s32 v12, v15  }
0x177: {  	v12 =	vsel vm0, v12, v15  }
0x178: {  	v15 =	vperm.xlane v12, v4;
	_ =	sdelay $0x1  }
0x179: {  	v33 =	vld [tilespmem:$0x480];
	vm0 =	vlt.s32 v12, v15  }
0x17a: {  	v12 =	vsel vm0, v12, v15  }
0x17b: {  	v15 =	vperm.xlane v12, v5  }
0x17c: {  	v34 =	vld [tilespmem:$0x490]  }
0x17d: {  	vm0 =	vlt.s32 v12, v15  }
0x17e: {  	v35 =	vld [tilespmem:$0x4A0];
	v12 =	vsel vm0, v12, v15;
	vm0 =	vlt.s32 v33, $0x40000000  }
0x17f: {  	vm6 =	veq.s32 v12, v1;
	v16 =	vnsel vm0, $0x40000000, v33  }
0x180: {  	v18 =	vld [tilespmem:$0x4B0];
	v16 =	vnsel vm6, $0x40000000, v16  }
0x181: {  	vm0 =	vlt.s32 v16, v34  }
0x182: {  	vm7 =	veq.s32 v12, v6;
	vm6 =	veq.s32 v12, v7;
	v17 =	vsel vm0, v16, v34  }
0x183: {  	v15 =	vnsel vm6, $0x40000000, v35;
	vm0 =	vlt.s32 v13, v14;
	v16 =	vsel vm7, v17, v16  }
0x184: {  	vm6 =	veq.s32 v12, v8;
	v13 =	vsel vm0, v13, v14;
	vm0 =	vlt.s32 v16, v15  }
0x185: {  	v38 =	vnsel vm6, $0x40000000, v18;
	v36 =	vperm.xlane v13, v3;
	v37 =	vsel vm0, v16, v15  }
0x186: {  	vm0 =	vlt.s32 v37, v38  }
0x187: {  	vm6 =	vlt.s32 v13, v36;
	v14 =	vsel vm0, v37, v38  }
0x188: {  	v12 =	vsel vm6, v13, v36;
	v39 =	vperm.xlane v14, v2  }
0x189: {  	v40 =	vperm.xlane v12, v4  }
0x18a: {  	vm0 =	vlt.s32 v14, v39  }
0x18b: {  	vm6 =	vlt.s32 v12, v40;
	v13 =	vsel vm0, v14, v39  }
0x18c: {  	v43 =	vld [tilespmem:$0x580];
	v12 =	vsel vm6, v12, v40;
	v42 =	vperm.xlane v13, v3  }
0x18d: {  	v41 =	vld [tilespmem:$0x590];
	v44 =	vperm.xlane v12, v5  }
0x18e: {  	v45 =	vld [tilespmem:$0x5A0];
	vm0 =	vlt.s32 v13, v42  }
0x18f: {  	v19 =	vld [tilespmem:$0x5B0];
	v20 =	vmov s14;
	vm6 =	vlt.s32 v12, v44;
	v13 =	vsel vm0, v13, v42  }
0x190: {  	[tilespmem:$0x600] =	vst v10;
	v12 =	vsel vm6, v12, v44;
	vm6 =	veq.s32 v20, v1;
	v15 =	vperm.xlane v13, v4  }
0x191: {  	[tilespmem:$0x610] =	vst v10;
	vm0 =	veq.s32 v20, v6;
	v46 =	vsel vm6, v12, v43  }
0x192: {  	v57 =	vld [tilespmem:$0x480];
	v14 =	vsel vm0, v12, v41;
	vm0 =	veq.s32 v20, v7;
	[tilespmem:$0x580] =	vst v46;
	vm6 =	vlt.s32 v13, v15  }
0x193: {  	vm7 =	veq.s32 v20, v8;
	[tilespmem:$0x590] =	vst v14;
	v47 =	vsel vm0, v12, v45;
	v49 =	vld [tilespmem:$0x580];
	v13 =	vsel vm6, v13, v15  }
0x194: {  	v12 =	vsel vm7, v12, v19;
	v48 =	vld [tilespmem:$0x590];
	[tilespmem:$0x5A0] =	vst v47;
	v50 =	vperm.xlane v13, v5  }
0x195: {  	[tilespmem:$0x5B0] =	vst v12;
	v51 =	vld [tilespmem:$0x5A0]  }
0x196: {  	v53 =	vmov s13;
	[tilespmem:$0x620] =	vst v10;
	v52 =	vld [tilespmem:$0x5B0];
	vm0 =	vlt.s32 v13, v50  }
0x197: {  	v59 =	vld [tilespmem:$0x490];
	[tilespmem:$0x630] =	vst v10;
	vm6 =	veq.s32 v53, v1;
	v13 =	vsel vm0, v13, v50  }
0x198: {  	v61 =	vld [tilespmem:$0x4A0];
	[tilespmem:$0x640] =	vst v10;
	vm0 =	veq.s32 v53, v6;
	v54 =	vsel vm6, v13, v49  }
0x199: {  	v63 =	vld [tilespmem:$0x4B0];
	v14 =	vsel vm0, v13, v48;
	vm0 =	veq.s32 v53, v7;
	[tilespmem:$0x580] =	vst v54  }
0x19a: {  	vm6 =	veq.s32 v53, v8;
	[tilespmem:$0x590] =	vst v14;
	v12 =	vsel vm0, v13, v51;
	v56 =	vld [tilespmem:$0x580]  }
0x19b: {  	v55 =	vsel vm6, v13, v52;
	[tilespmem:$0x5A0] =	vst v12;
	v58 =	vld [tilespmem:$0x590]  }
0x19c: {  	[tilespmem:$0x5B0] =	vst v55;
	v60 =	vld [tilespmem:$0x5A0]  }
0x19d: {  	[tilespmem:$0x650] =	vst v10;
	v62 =	vld [tilespmem:$0x5B0]  }
0x19e: {  	[tilespmem:$0x660] =	vst v10;
	vm0 =	vgt.s32 v11, $0xFFFFFFFB  }
0x19f: {  	[tilespmem:$0x670] =	vst v10;
	v11 =	vsel vm0, v56, v57  }
0x1a0: {  	[tilespmem:$0x600] =	vst v11;
	v11 =	vsel vm0, v58, v59  }
0x1a1: {  	s12 =	sadd.s32 $0x1, s12;
	[tilespmem:$0x610] =	vst v11;
	v11 =	vsel vm0, v60, v61  }
0x1a2: {  	p0 =	sne.s32 s12, s6;
	[tilespmem:$0x620] =	vst v11;
	v11 =	vsel vm0, v62, v63  }
.Ltmp5:
0x1a3: {  	[tilespmem:$0x630] =	vst v11;
	(pc) =	sbr.rel @p0 .LBB2_2-.Ltmp5, $4  }
0x1a4: {  	[hbm4b:s4+s3] =	stream.linear.scatter [tilespmem:s11], [sflag:$0x1], $0x80, $0x38;
	[tilespmem:$0x780] =	vst v63  }
0x1a5: {  	_ =	swait.ge [sflag:s7], $0x80  }
0x1a6: {  	vm12 =	vcmask $0xB08;
	vm10 =	vmmov vm3;
	[sflag:s7] =	ssyncset.done $0x0  }
0x1a7: {  	vm11 =	vmmov vm4;
	vm9 =	vmmov vm2;
	vm0 =	vmmov vm1;
	[sflag:s7] =	ssyncadd.s32 $0xFFFFFF80  }
.LBB2_11:
0x1a8: {  	_ =	sfence.sel $0x180000  }
0x1a9: {  	[bflag:$0x0] =	sbarrier.arrive $0xFFFF  }
0x1aa: {  	p0 =	sne.s32 s1, $0x0;
	_ =	strace $0x90000047  }
0x1ab: {  	s0 =	sadd.s32 @!p0 $0x100000, s0;
	[bflag:$0x2] =	sbarrier.arrive $0xFFFF  }
0x1ac: {  	[sflag:s0] =	ssyncadd.tile.s32 @!p0 $0x1;
	_ =	shalt  }
.Lfunc_end2:
_tile_overlayer_lowered:
.L_overlay_start_2:
0x1ad: {  	(tag) =	ssettag $0x2  }
0x1ae: {  	s0 =	rddreg [dreg:$0x0];
	s2 =	stileid.u32  }
0x1af: {  	s1 =	rddreg [dreg:$0x1];
	p0 =	sne.s32 s2, $0x0  }
0x1b0: {  	s3 =	rddreg [dreg:$0x2];
	[bflag:$0x3] =	sbarrier.arrive $0xFFFF;
	s2 =	simm.s32 @!p0 $0x1C01  }
0x1b1: {  	[timem:s3], [sflag:s2] =	dma.local @!p0 [hbm:s0], s1  }
0x1b2: {  	s0 =	simm.s32 @!p0 $0x1  }
0x1b3: {  	_ =	swait.ge @!p0 [sflag:s0], s1  }
0x1b4: {  	s1 =	ssub.s32 @!p0 $0x0, s1;
	[sflag:s0] =	ssyncset.done @!p0 $0x0  }
0x1b5: {  	[sflag:s0] =	ssyncadd.s32 @!p0 s1  }
0x1b6: {  	[bflag:$0x3] =	sbarrier.arrive $0xFFFF  }
0x1b7: {  	_ =	shalt  }

</sc_bundles>
